<compile_context>
chip_gen: v7x
topology: tpu7x:2x2x1
jax: 0.10.2.dev20260603
libtpu: 0.0.44.dev20260713+nightly
codegen_flags: <defaults>
</compile_context>

<pallas_src>
import functools

import jax
import jax.numpy as jnp
from jax import lax
from jax.experimental import pallas as pl
from jax.experimental.pallas import tpu as pltpu
from jax.experimental.pallas import tpu_sc as plsc

B = 16
HB = 8
C = 6
N = 2048
K = 10
OC = 64
CP = 16
RB = 512
RMN = 2048
NW = 32
ROWS_H = HB * N * K
PER_W = ROWS_H // NW
CH = 128
NBUF = 8
ROUNDS = PER_W // (CH * NBUF)


def _make_knn_body(boff):
    def _knn_body(x_all_ref, xt_ref, x_blk_ref, idx_ref):
        b = pl.program_id(0)
        xs = x_all_ref[0]
        xt = xt_ref[0]
        xr = x_blk_ref[0]
        inner = lax.dot_general(xs, xr, (((0,), (0,)), ((), ())))
        cn = jnp.sum(xt * xt, axis=1, keepdims=True)
        rn = jnp.sum(xr * xr, axis=0, keepdims=True)
        d = (2.0 * inner - cn) - rn
        iota = lax.broadcasted_iota(jnp.int32, (N, RB), 0)
        rows = []
        for _ in range(K):
            am = jnp.argmax(d, axis=0).astype(jnp.int32).reshape(1, RB)
            rows.append(am)
            d = jnp.where(iota == am, -jnp.inf, d)
        idx_ref[0] = jnp.concatenate(rows, axis=0) + (b + boff) * N
    return _knn_body


def _knn_call(x3, x3t, boff):
    return pl.pallas_call(
        _make_knn_body(boff),
        grid=(HB, N // RB),
        in_specs=[
            pl.BlockSpec((1, 3, N), lambda b, r: (b, 0, 0)),
            pl.BlockSpec((1, N, 3), lambda b, r: (b, 0, 0)),
            pl.BlockSpec((1, 3, RB), lambda b, r: (b, 0, r)),
        ],
        out_specs=pl.BlockSpec((1, K, RB), lambda b, r: (b, 0, r)),
        out_shape=jax.ShapeDtypeStruct((HB, K, N), jnp.int32),
    )(x3, x3t, x3)


def _gather_call(table, idx2):
    mesh = plsc.VectorSubcoreMesh(core_axis_name="c", subcore_axis_name="s")

    @functools.partial(
        pl.kernel,
        out_type=jax.ShapeDtypeStruct((ROWS_H, CP), jnp.float32),
        mesh=mesh,
        scratch_types=[
            pltpu.VMEM((PER_W // CH, CH), jnp.int32),
            pltpu.VMEM((NBUF, CH, CP), jnp.float32),
            pltpu.SemaphoreType.DMA,
            pltpu.SemaphoreType.DMA,
        ],
        compiler_params=pltpu.CompilerParams(use_tc_tiling_on_sc=False),
    )
    def gather_k(table_hbm, idx_hbm, out_hbm, slab, rows_v, gsem, osem):
        wid = lax.axis_index("s") * 2 + lax.axis_index("c")
        nch = PER_W // CH
        pltpu.sync_copy(idx_hbm.at[pl.ds(wid * nch, nch)], slab)
        base = wid * PER_W

        def round_body(g, _):
            gets = []
            for j in range(NBUF):
                c = g * NBUF + j
                gets.append(pltpu.async_copy(
                    table_hbm.at[slab.at[c]], rows_v.at[j], gsem))
            puts = []
            for j in range(NBUF):
                c = g * NBUF + j
                gets[j].wait()
                puts.append(pltpu.async_copy(
                    rows_v.at[j], out_hbm.at[pl.ds(base + c * CH, CH)], osem))
            for p in puts:
                p.wait()
            return 0

        lax.fori_loop(0, ROUNDS, round_body, 0)

    return gather_k(table, idx2)


def _mlp_body(f_ref, w_ref, m_ref, stats_ref):
    f = f_ref[...]
    mf = jnp.mean(f, axis=0, keepdims=True)
    lane = lax.broadcasted_iota(jnp.int32, (1, 1, CP), 2)
    fc = jnp.where(lane < 3, (f - mf) * 10.0, f)
    h = lax.dot_general(fc.reshape(K * RMN, CP), w_ref[...],
                        (((1,), (0,)), ((), ())))
    m_ref[...] = jnp.max(h.reshape(K, RMN, OC), axis=0)
    s = lax.dot_general(jnp.ones((1, K * RMN), jnp.float32), h,
                        (((1,), (0,)), ((), ())))
    gram = lax.dot_general(h, h, (((0,), (0,)), ((), ())))
    ri = lax.broadcasted_iota(jnp.int32, (OC, OC), 0)
    ci = lax.broadcasted_iota(jnp.int32, (OC, OC), 1)
    ss = jnp.sum(jnp.where(ri == ci, gram, 0.0), axis=0, keepdims=True)
    upd = jnp.concatenate([s, ss, jnp.zeros((6, OC), jnp.float32)], axis=0)

    @pl.when(pl.program_id(0) == 0)
    def _():
        stats_ref[...] = jnp.zeros((8, OC), jnp.float32)

    stats_ref[...] += upd


def _mlp_call(feat3, wp):
    return pl.pallas_call(
        _mlp_body,
        grid=(HB * N // RMN,),
        in_specs=[
            pl.BlockSpec((K, RMN, CP), lambda i: (0, i, 0)),
            pl.BlockSpec((CP, OC), lambda i: (0, 0)),
        ],
        out_specs=[
            pl.BlockSpec((RMN, OC), lambda i: (i, 0)),
            pl.BlockSpec((8, OC), lambda i: (0, 0)),
        ],
        out_shape=[
            jax.ShapeDtypeStruct((HB * N, OC), jnp.float32),
            jax.ShapeDtypeStruct((8, OC), jnp.float32),
        ],
    )(feat3, wp)


def _final_body(m_ref, sa_ref, sb_ref, g_ref, bta_ref, out_ref):
    m = m_ref[0]
    stats = sa_ref[...] + sb_ref[...]
    cnt = jnp.float32(B * N * K)
    mu = stats[0:1, :] / cnt
    var = stats[1:2, :] / cnt - mu * mu
    inv = lax.rsqrt(var + 1e-5)
    g = g_ref[...] * inv
    sh = bta_ref[...] - mu * g
    z = m * g + sh
    a = jnp.where(z >= 0, z, 0.2 * z)
    x2 = jnp.mean(a, axis=0, keepdims=True)
    z1 = jnp.max(m, axis=0, keepdims=True) * g + sh
    x1 = jnp.where(z1 >= 0, z1, 0.2 * z1)
    out_ref[0] = jnp.concatenate([x1, x2], axis=1)


def _final_call(m3, stats_a, stats_b, gamma, beta):
    return pl.pallas_call(
        _final_body,
        grid=(B,),
        in_specs=[
            pl.BlockSpec((1, N, OC), lambda b: (b, 0, 0)),
            pl.BlockSpec((8, OC), lambda b: (0, 0)),
            pl.BlockSpec((8, OC), lambda b: (0, 0)),
            pl.BlockSpec((1, OC), lambda b: (0, 0)),
            pl.BlockSpec((1, OC), lambda b: (0, 0)),
        ],
        out_specs=pl.BlockSpec((1, 1, 2 * OC), lambda b: (b, 0, 0)),
        out_shape=jax.ShapeDtypeStruct((B, 1, 2 * OC), jnp.float32),
    )(m3, stats_a, stats_b, gamma, beta)


def _half(x3, x3t, table, wp, boff):
    idxg = _knn_call(x3, x3t, boff)
    idx2 = jnp.transpose(idxg, (1, 0, 2)).reshape(ROWS_H // CH, CH)
    feat = _gather_call(table, idx2)
    return _mlp_call(feat.reshape(K, HB * N, CP), wp)


def kernel(x, W, gamma, beta):
    x = x.astype(jnp.float32)
    xtb = jnp.transpose(x, (0, 2, 1))
    table = jnp.concatenate(
        [xtb.reshape(B * N, C),
         jnp.zeros((B * N, CP - C), jnp.float32)], axis=1)
    wp = jnp.concatenate(
        [W.astype(jnp.float32).T,
         jnp.zeros((CP - C, OC), jnp.float32)], axis=0)
    x3 = x[:, :3]
    x3t = xtb[:, :, :3]
    m_a, stats_a = _half(x3[:HB], x3t[:HB], table, wp, 0)
    m_b, stats_b = _half(x3[HB:], x3t[HB:], table, wp, HB)
    m3 = jnp.concatenate([m_a, m_b], axis=0).reshape(B, N, OC)
    out = _final_call(m3, stats_a, stats_b,
                      gamma.reshape(1, OC), beta.reshape(1, OC))
    return out.reshape(B, 2 * OC)

# --- scband reference (transcript-rebuilt; emitter-appended) ---
"""Pipeline reference for scband-mlp1-14010183320171 (READ-ONLY COPY).

The authoritative reference and input builder live on the scoring server;
editing this copy changes nothing except your own understanding.
"""

import jax, jax.numpy as jnp
import numpy as np


def knn(x, k):
    # x: [B, C, N]
    inner = -2.0 * jnp.einsum('bcn,bcm->bnm', x, x)
    xx = jnp.sum(x ** 2, axis=1, keepdims=True)  # [B, 1, N]
    pairwise_distance = -xx - inner - jnp.transpose(xx, (0, 2, 1))  # [B, N, N]
    _, idx = jax.lax.top_k(pairwise_distance, k)  # [B, N, k]
    return idx


def get_graph_feature1(x, k):
    B, C, N = x.shape
    idx = knn(x[:, :3], k)  # [B, N, k] over first 3 dims (dim6=True)
    idx_base = jnp.arange(B, dtype=idx.dtype).reshape(-1, 1, 1) * N
    idx_flat = (idx + idx_base).reshape(-1)
    xt = jnp.transpose(x, (0, 2, 1)).reshape(B * N, C)  # [B*N, C]
    feature = jnp.take(xt, idx_flat, axis=0).reshape(B, N, k, C)
    feature = jnp.transpose(feature, (0, 3, 1, 2))  # [B, C, N, k]
    f3 = feature[:, :3]
    f3 = (f3 - jnp.mean(f3, axis=-1, keepdims=True)) * 10.0
    feature = jnp.concatenate([f3, feature[:, 3:]], axis=1)
    return feature


def setup_inputs(seed: int = 0) -> dict:
    key = jax.random.key(seed)
    k1, k2 = jax.random.split(key, 2)
    x = jax.random.normal(k1, (16, 6, 2048), dtype=jnp.float32)
    W = jax.random.normal(k2, (64, 6), dtype=jnp.float32) * (1.0 / np.sqrt(6.0))
    gamma = jnp.ones((64,), dtype=jnp.float32)
    beta = jnp.zeros((64,), dtype=jnp.float32)
    return {"x": x, "W": W, "gamma": gamma, "beta": beta}


def reference(x, W, gamma, beta):
    feat = get_graph_feature1(x, 10)  # [B, 6, N, k]
    h = jnp.einsum('oc,bcnk->bonk', W, feat)  # Conv2d(6,64,1,bias=False)
    # BatchNorm2d(64) in training mode: batch statistics over (B, N, k)
    mean = jnp.mean(h, axis=(0, 2, 3), keepdims=True)
    var = jnp.var(h, axis=(0, 2, 3), keepdims=True)
    h = (h - mean) / jnp.sqrt(var + 1e-5)
    h = h * gamma.reshape(1, -1, 1, 1) + beta.reshape(1, -1, 1, 1)
    h = jnp.where(h >= 0, h, 0.2 * h)  # LeakyReLU(0.2)
    h = jnp.max(h, axis=-1)  # max over k -> [B, 64, N]
    x1 = jnp.max(h, axis=-1)  # [B, 64]
    x2 = jnp.mean(h, axis=-1)  # [B, 64]
    return jnp.concatenate([x1, x2], axis=-1)  # [B, 128]

if __name__ == "__main__":
    import jax
    _d = setup_inputs()
    print(jax.jit(kernel)(*tuple(_d.values())))

</pallas_src>

<mosaic_0001>
#map = affine_map<(d0, d1) -> (0, 0)>
module attributes {stable_mosaic.version = 14 : i64} {
  func.func @gather_k(%arg0: i32, %arg1: i32, %arg2: memref<32768x16xf32, #tpu.memory_space<hbm>>, %arg3: memref<1280x128xi32, #tpu.memory_space<hbm>>, %arg4: memref<163840x16xf32, #tpu.memory_space<hbm>>, %arg5: memref<40x128xi32, #tpu.memory_space<vmem>>, %arg6: memref<8x128x16xf32, #tpu.memory_space<vmem>>, %arg7: memref<!tpu.dma_semaphore, #tpu.memory_space<semaphore_mem>>, %arg8: memref<!tpu.dma_semaphore, #tpu.memory_space<semaphore_mem>>) attributes {dimension_semantics = [#tpu.dimension_semantics<core_parallel>, #tpu.dimension_semantics<subcore_parallel>], iteration_bounds = array<i64: 2, 16>, scalar_prefetch = 0 : i64, scratch_operands = 4 : i64, tpu.core_type = #tpu.core_type<sc_vector_subcore>, window_params = [{transform_indices = #map}, {transform_indices = #map}, {transform_indices = #map}]} {
    %mul3A = arith.constant 2 : i32
    %mul3A_0 = arith.muli %arg1, %mul3A : i32
    %add3A = arith.addi %mul3A_0, %arg0 : i32
    %mul3A_1 = arith.constant 40 : i32
    %mul3A_2 = arith.muli %add3A, %mul3A_1 : i32
    "tpu.region"() ({
      %run_scoped3A = tpu.sem_alloc : memref<!tpu.dma_semaphore, #tpu.memory_space<semaphore_mem>>
      %dma_start3A = arith.constant 0 : i32
      %dma_start3A_11 = tpu.memref_slice %arg3[%mul3A_2, %dma_start3A] : memref<1280x128xi32, #tpu.memory_space<hbm>> -> memref<40x128xi32, #tpu.memory_space<hbm>>
      %dma_start3A_12 = arith.constant 0 : i32
      %dma_start3A_13 = tpu.memref_slice %arg3[%mul3A_2, %dma_start3A_12] : memref<1280x128xi32, #tpu.memory_space<hbm>> -> memref<40x128xi32, #tpu.memory_space<hbm>>
      tpu.enqueue_dma source(%dma_start3A_13 : memref<40x128xi32, #tpu.memory_space<hbm>>) target(%arg5 : memref<40x128xi32, #tpu.memory_space<vmem>>) target_semaphore(%run_scoped3A : memref<!tpu.dma_semaphore, #tpu.memory_space<semaphore_mem>>)
      %dma_wait3A = arith.constant 0 : i32
      %dma_wait3A_14 = tpu.memref_slice %arg3[%mul3A_2, %dma_wait3A] : memref<1280x128xi32, #tpu.memory_space<hbm>> -> memref<40x128xi32, #tpu.memory_space<hbm>>
      %dma_wait3A_15 = arith.constant 0 : i32
      %dma_wait3A_16 = tpu.memref_slice %arg3[%mul3A_2, %dma_wait3A_15] : memref<1280x128xi32, #tpu.memory_space<hbm>> -> memref<40x128xi32, #tpu.memory_space<hbm>>
      tpu.wait_dma2 semaphore(%run_scoped3A : memref<!tpu.dma_semaphore, #tpu.memory_space<semaphore_mem>>) src(%dma_wait3A_16 : memref<40x128xi32, #tpu.memory_space<hbm>>) dst(%arg5 : memref<40x128xi32, #tpu.memory_space<vmem>>)
      tpu.yield
    }) : () -> ()
    %mul3A_3 = arith.constant 5120 : i32
    %mul3A_4 = arith.muli %add3A, %mul3A_3 : i32
    %scan3A = arith.constant 0 : i32
    %scan3A_5 = arith.constant 0 : i32
    %scan3A_6 = arith.constant 5 : i32
    %scan3A_7 = arith.addi %scan3A_5, %scan3A_6 : i32
    %scan3A_8 = arith.constant 1 : i32
    %scan3A_9 = scf.for %scan3A_11 = %scan3A_5 to %scan3A_7 step %scan3A_8 iter_args(%scan3A_12 = %scan3A) -> (i32)  : i32 {
      %mul3A_13 = arith.constant 8 : i32
      %mul3A_14 = arith.muli %scan3A_11, %mul3A_13 : i32
      %add3A_15 = arith.constant 0 : i32
      %add3A_16 = arith.addi %mul3A_14, %add3A_15 : i32
      %dma_start3A = arith.constant 0 : i32
      %dma_start3A_17 = arith.constant 0 : i32
      %dma_start3A_18 = arith.constant 0 : i32
      %dma_start3A_19 = tpu.memref_slice %arg6[%dma_start3A, %dma_start3A_17, %dma_start3A_18] : memref<8x128x16xf32, #tpu.memory_space<vmem>> -> memref<1x128x16xf32, #tpu.memory_space<vmem>>
      %dma_start3A_20 = tpu.memref_squeeze %dma_start3A_19 : memref<1x128x16xf32, #tpu.memory_space<vmem>> -> memref<128x16xf32, #tpu.memory_space<vmem>>
      %dma_start3A_21 = arith.constant 0 : i32
      %dma_start3A_22 = tpu.memref_slice %arg5[%add3A_16, %dma_start3A_21] : memref<40x128xi32, #tpu.memory_space<vmem>> -> memref<1x128xi32, #tpu.memory_space<vmem>>
      %dma_start3A_23 = tpu.memref_squeeze %dma_start3A_22 : memref<1x128xi32, #tpu.memory_space<vmem>> -> memref<128xi32, #tpu.memory_space<vmem>>
      %dma_start3A_24 = arith.constant 0 : i32
      %dma_start3A_25 = arith.constant 0 : i32
      %dma_start3A_26 = tpu.memref_slice %arg2[%dma_start3A_24, %dma_start3A_25] : memref<32768x16xf32, #tpu.memory_space<hbm>> -> memref<32768x16xf32, #tpu.memory_space<hbm>>
      tpu.enqueue_indirect_dma source(%dma_start3A_26 : memref<32768x16xf32, #tpu.memory_space<hbm>>) target(%dma_start3A_20 : memref<128x16xf32, #tpu.memory_space<vmem>>) offsets(%dma_start3A_23 : memref<128xi32, #tpu.memory_space<vmem>>) semaphore(%arg7 : memref<!tpu.dma_semaphore, #tpu.memory_space<semaphore_mem>>)
      %mul3A_27 = arith.constant 8 : i32
      %mul3A_28 = arith.muli %scan3A_11, %mul3A_27 : i32
      %add3A_29 = arith.constant 1 : i32
      %add3A_30 = arith.addi %mul3A_28, %add3A_29 : i32
      %dma_start3A_31 = arith.constant 1 : i32
      %dma_start3A_32 = arith.constant 0 : i32
      %dma_start3A_33 = arith.constant 0 : i32
      %dma_start3A_34 = tpu.memref_slice %arg6[%dma_start3A_31, %dma_start3A_32, %dma_start3A_33] : memref<8x128x16xf32, #tpu.memory_space<vmem>> -> memref<1x128x16xf32, #tpu.memory_space<vmem>>
      %dma_start3A_35 = tpu.memref_squeeze %dma_start3A_34 : memref<1x128x16xf32, #tpu.memory_space<vmem>> -> memref<128x16xf32, #tpu.memory_space<vmem>>
      %dma_start3A_36 = arith.constant 0 : i32
      %dma_start3A_37 = tpu.memref_slice %arg5[%add3A_30, %dma_start3A_36] : memref<40x128xi32, #tpu.memory_space<vmem>> -> memref<1x128xi32, #tpu.memory_space<vmem>>
      %dma_start3A_38 = tpu.memref_squeeze %dma_start3A_37 : memref<1x128xi32, #tpu.memory_space<vmem>> -> memref<128xi32, #tpu.memory_space<vmem>>
      %dma_start3A_39 = arith.constant 0 : i32
      %dma_start3A_40 = arith.constant 0 : i32
      %dma_start3A_41 = tpu.memref_slice %arg2[%dma_start3A_39, %dma_start3A_40] : memref<32768x16xf32, #tpu.memory_space<hbm>> -> memref<32768x16xf32, #tpu.memory_space<hbm>>
      tpu.enqueue_indirect_dma source(%dma_start3A_41 : memref<32768x16xf32, #tpu.memory_space<hbm>>) target(%dma_start3A_35 : memref<128x16xf32, #tpu.memory_space<vmem>>) offsets(%dma_start3A_38 : memref<128xi32, #tpu.memory_space<vmem>>) semaphore(%arg7 : memref<!tpu.dma_semaphore, #tpu.memory_space<semaphore_mem>>)
      %mul3A_42 = arith.constant 8 : i32
      %mul3A_43 = arith.muli %scan3A_11, %mul3A_42 : i32
      %add3A_44 = arith.constant 2 : i32
      %add3A_45 = arith.addi %mul3A_43, %add3A_44 : i32
      %dma_start3A_46 = arith.constant 2 : i32
      %dma_start3A_47 = arith.constant 0 : i32
      %dma_start3A_48 = arith.constant 0 : i32
      %dma_start3A_49 = tpu.memref_slice %arg6[%dma_start3A_46, %dma_start3A_47, %dma_start3A_48] : memref<8x128x16xf32, #tpu.memory_space<vmem>> -> memref<1x128x16xf32, #tpu.memory_space<vmem>>
      %dma_start3A_50 = tpu.memref_squeeze %dma_start3A_49 : memref<1x128x16xf32, #tpu.memory_space<vmem>> -> memref<128x16xf32, #tpu.memory_space<vmem>>
      %dma_start3A_51 = arith.constant 0 : i32
      %dma_start3A_52 = tpu.memref_slice %arg5[%add3A_45, %dma_start3A_51] : memref<40x128xi32, #tpu.memory_space<vmem>> -> memref<1x128xi32, #tpu.memory_space<vmem>>
      %dma_start3A_53 = tpu.memref_squeeze %dma_start3A_52 : memref<1x128xi32, #tpu.memory_space<vmem>> -> memref<128xi32, #tpu.memory_space<vmem>>
      %dma_start3A_54 = arith.constant 0 : i32
      %dma_start3A_55 = arith.constant 0 : i32
      %dma_start3A_56 = tpu.memref_slice %arg2[%dma_start3A_54, %dma_start3A_55] : memref<32768x16xf32, #tpu.memory_space<hbm>> -> memref<32768x16xf32, #tpu.memory_space<hbm>>
      tpu.enqueue_indirect_dma source(%dma_start3A_56 : memref<32768x16xf32, #tpu.memory_space<hbm>>) target(%dma_start3A_50 : memref<128x16xf32, #tpu.memory_space<vmem>>) offsets(%dma_start3A_53 : memref<128xi32, #tpu.memory_space<vmem>>) semaphore(%arg7 : memref<!tpu.dma_semaphore, #tpu.memory_space<semaphore_mem>>)
      %mul3A_57 = arith.constant 8 : i32
      %mul3A_58 = arith.muli %scan3A_11, %mul3A_57 : i32
      %add3A_59 = arith.constant 3 : i32
      %add3A_60 = arith.addi %mul3A_58, %add3A_59 : i32
      %dma_start3A_61 = arith.constant 3 : i32
      %dma_start3A_62 = arith.constant 0 : i32
      %dma_start3A_63 = arith.constant 0 : i32
      %dma_start3A_64 = tpu.memref_slice %arg6[%dma_start3A_61, %dma_start3A_62, %dma_start3A_63] : memref<8x128x16xf32, #tpu.memory_space<vmem>> -> memref<1x128x16xf32, #tpu.memory_space<vmem>>
      %dma_start3A_65 = tpu.memref_squeeze %dma_start3A_64 : memref<1x128x16xf32, #tpu.memory_space<vmem>> -> memref<128x16xf32, #tpu.memory_space<vmem>>
      %dma_start3A_66 = arith.constant 0 : i32
      %dma_start3A_67 = tpu.memref_slice %arg5[%add3A_60, %dma_start3A_66] : memref<40x128xi32, #tpu.memory_space<vmem>> -> memref<1x128xi32, #tpu.memory_space<vmem>>
      %dma_start3A_68 = tpu.memref_squeeze %dma_start3A_67 : memref<1x128xi32, #tpu.memory_space<vmem>> -> memref<128xi32, #tpu.memory_space<vmem>>
      %dma_start3A_69 = arith.constant 0 : i32
      %dma_start3A_70 = arith.constant 0 : i32
      %dma_start3A_71 = tpu.memref_slice %arg2[%dma_start3A_69, %dma_start3A_70] : memref<32768x16xf32, #tpu.memory_space<hbm>> -> memref<32768x16xf32, #tpu.memory_space<hbm>>
      tpu.enqueue_indirect_dma source(%dma_start3A_71 : memref<32768x16xf32, #tpu.memory_space<hbm>>) target(%dma_start3A_65 : memref<128x16xf32, #tpu.memory_space<vmem>>) offsets(%dma_start3A_68 : memref<128xi32, #tpu.memory_space<vmem>>) semaphore(%arg7 : memref<!tpu.dma_semaphore, #tpu.memory_space<semaphore_mem>>)
      %mul3A_72 = arith.constant 8 : i32
      %mul3A_73 = arith.muli %scan3A_11, %mul3A_72 : i32
      %add3A_74 = arith.constant 4 : i32
      %add3A_75 = arith.addi %mul3A_73, %add3A_74 : i32
      %dma_start3A_76 = arith.constant 4 : i32
      %dma_start3A_77 = arith.constant 0 : i32
      %dma_start3A_78 = arith.constant 0 : i32
      %dma_start3A_79 = tpu.memref_slice %arg6[%dma_start3A_76, %dma_start3A_77, %dma_start3A_78] : memref<8x128x16xf32, #tpu.memory_space<vmem>> -> memref<1x128x16xf32, #tpu.memory_space<vmem>>
      %dma_start3A_80 = tpu.memref_squeeze %dma_start3A_79 : memref<1x128x16xf32, #tpu.memory_space<vmem>> -> memref<128x16xf32, #tpu.memory_space<vmem>>
      %dma_start3A_81 = arith.constant 0 : i32
      %dma_start3A_82 = tpu.memref_slice %arg5[%add3A_75, %dma_start3A_81] : memref<40x128xi32, #tpu.memory_space<vmem>> -> memref<1x128xi32, #tpu.memory_space<vmem>>
      %dma_start3A_83 = tpu.memref_squeeze %dma_start3A_82 : memref<1x128xi32, #tpu.memory_space<vmem>> -> memref<128xi32, #tpu.memory_space<vmem>>
      %dma_start3A_84 = arith.constant 0 : i32
      %dma_start3A_85 = arith.constant 0 : i32
      %dma_start3A_86 = tpu.memref_slice %arg2[%dma_start3A_84, %dma_start3A_85] : memref<32768x16xf32, #tpu.memory_space<hbm>> -> memref<32768x16xf32, #tpu.memory_space<hbm>>
      tpu.enqueue_indirect_dma source(%dma_start3A_86 : memref<32768x16xf32, #tpu.memory_space<hbm>>) target(%dma_start3A_80 : memref<128x16xf32, #tpu.memory_space<vmem>>) offsets(%dma_start3A_83 : memref<128xi32, #tpu.memory_space<vmem>>) semaphore(%arg7 : memref<!tpu.dma_semaphore, #tpu.memory_space<semaphore_mem>>)
      %mul3A_87 = arith.constant 8 : i32
      %mul3A_88 = arith.muli %scan3A_11, %mul3A_87 : i32
      %add3A_89 = arith.constant 5 : i32
      %add3A_90 = arith.addi %mul3A_88, %add3A_89 : i32
      %dma_start3A_91 = arith.constant 5 : i32
      %dma_start3A_92 = arith.constant 0 : i32
      %dma_start3A_93 = arith.constant 0 : i32
      %dma_start3A_94 = tpu.memref_slice %arg6[%dma_start3A_91, %dma_start3A_92, %dma_start3A_93] : memref<8x128x16xf32, #tpu.memory_space<vmem>> -> memref<1x128x16xf32, #tpu.memory_space<vmem>>
      %dma_start3A_95 = tpu.memref_squeeze %dma_start3A_94 : memref<1x128x16xf32, #tpu.memory_space<vmem>> -> memref<128x16xf32, #tpu.memory_space<vmem>>
      %dma_start3A_96 = arith.constant 0 : i32
      %dma_start3A_97 = tpu.memref_slice %arg5[%add3A_90, %dma_start3A_96] : memref<40x128xi32, #tpu.memory_space<vmem>> -> memref<1x128xi32, #tpu.memory_space<vmem>>
      %dma_start3A_98 = tpu.memref_squeeze %dma_start3A_97 : memref<1x128xi32, #tpu.memory_space<vmem>> -> memref<128xi32, #tpu.memory_space<vmem>>
      %dma_start3A_99 = arith.constant 0 : i32
      %dma_start3A_100 = arith.constant 0 : i32
      %dma_start3A_101 = tpu.memref_slice %arg2[%dma_start3A_99, %dma_start3A_100] : memref<32768x16xf32, #tpu.memory_space<hbm>> -> memref<32768x16xf32, #tpu.memory_space<hbm>>
      tpu.enqueue_indirect_dma source(%dma_start3A_101 : memref<32768x16xf32, #tpu.memory_space<hbm>>) target(%dma_start3A_95 : memref<128x16xf32, #tpu.memory_space<vmem>>) offsets(%dma_start3A_98 : memref<128xi32, #tpu.memory_space<vmem>>) semaphore(%arg7 : memref<!tpu.dma_semaphore, #tpu.memory_space<semaphore_mem>>)
      %mul3A_102 = arith.constant 8 : i32
      %mul3A_103 = arith.muli %scan3A_11, %mul3A_102 : i32
      %add3A_104 = arith.constant 6 : i32
      %add3A_105 = arith.addi %mul3A_103, %add3A_104 : i32
      %dma_start3A_106 = arith.constant 6 : i32
      %dma_start3A_107 = arith.constant 0 : i32
      %dma_start3A_108 = arith.constant 0 : i32
      %dma_start3A_109 = tpu.memref_slice %arg6[%dma_start3A_106, %dma_start3A_107, %dma_start3A_108] : memref<8x128x16xf32, #tpu.memory_space<vmem>> -> memref<1x128x16xf32, #tpu.memory_space<vmem>>
      %dma_start3A_110 = tpu.memref_squeeze %dma_start3A_109 : memref<1x128x16xf32, #tpu.memory_space<vmem>> -> memref<128x16xf32, #tpu.memory_space<vmem>>
      %dma_start3A_111 = arith.constant 0 : i32
      %dma_start3A_112 = tpu.memref_slice %arg5[%add3A_105, %dma_start3A_111] : memref<40x128xi32, #tpu.memory_space<vmem>> -> memref<1x128xi32, #tpu.memory_space<vmem>>
      %dma_start3A_113 = tpu.memref_squeeze %dma_start3A_112 : memref<1x128xi32, #tpu.memory_space<vmem>> -> memref<128xi32, #tpu.memory_space<vmem>>
      %dma_start3A_114 = arith.constant 0 : i32
      %dma_start3A_115 = arith.constant 0 : i32
      %dma_start3A_116 = tpu.memref_slice %arg2[%dma_start3A_114, %dma_start3A_115] : memref<32768x16xf32, #tpu.memory_space<hbm>> -> memref<32768x16xf32, #tpu.memory_space<hbm>>
      tpu.enqueue_indirect_dma source(%dma_start3A_116 : memref<32768x16xf32, #tpu.memory_space<hbm>>) target(%dma_start3A_110 : memref<128x16xf32, #tpu.memory_space<vmem>>) offsets(%dma_start3A_113 : memref<128xi32, #tpu.memory_space<vmem>>) semaphore(%arg7 : memref<!tpu.dma_semaphore, #tpu.memory_space<semaphore_mem>>)
      %mul3A_117 = arith.constant 8 : i32
      %mul3A_118 = arith.muli %scan3A_11, %mul3A_117 : i32
      %add3A_119 = arith.constant 7 : i32
      %add3A_120 = arith.addi %mul3A_118, %add3A_119 : i32
      %dma_start3A_121 = arith.constant 7 : i32
      %dma_start3A_122 = arith.constant 0 : i32
      %dma_start3A_123 = arith.constant 0 : i32
      %dma_start3A_124 = tpu.memref_slice %arg6[%dma_start3A_121, %dma_start3A_122, %dma_start3A_123] : memref<8x128x16xf32, #tpu.memory_space<vmem>> -> memref<1x128x16xf32, #tpu.memory_space<vmem>>
      %dma_start3A_125 = tpu.memref_squeeze %dma_start3A_124 : memref<1x128x16xf32, #tpu.memory_space<vmem>> -> memref<128x16xf32, #tpu.memory_space<vmem>>
      %dma_start3A_126 = arith.constant 0 : i32
      %dma_start3A_127 = tpu.memref_slice %arg5[%add3A_120, %dma_start3A_126] : memref<40x128xi32, #tpu.memory_space<vmem>> -> memref<1x128xi32, #tpu.memory_space<vmem>>
      %dma_start3A_128 = tpu.memref_squeeze %dma_start3A_127 : memref<1x128xi32, #tpu.memory_space<vmem>> -> memref<128xi32, #tpu.memory_space<vmem>>
      %dma_start3A_129 = arith.constant 0 : i32
      %dma_start3A_130 = arith.constant 0 : i32
      %dma_start3A_131 = tpu.memref_slice %arg2[%dma_start3A_129, %dma_start3A_130] : memref<32768x16xf32, #tpu.memory_space<hbm>> -> memref<32768x16xf32, #tpu.memory_space<hbm>>
      tpu.enqueue_indirect_dma source(%dma_start3A_131 : memref<32768x16xf32, #tpu.memory_space<hbm>>) target(%dma_start3A_125 : memref<128x16xf32, #tpu.memory_space<vmem>>) offsets(%dma_start3A_128 : memref<128xi32, #tpu.memory_space<vmem>>) semaphore(%arg7 : memref<!tpu.dma_semaphore, #tpu.memory_space<semaphore_mem>>)
      %mul3A_132 = arith.constant 8 : i32
      %mul3A_133 = arith.muli %scan3A_11, %mul3A_132 : i32
      %add3A_134 = arith.constant 0 : i32
      %add3A_135 = arith.addi %mul3A_133, %add3A_134 : i32
      %dma_wait3A = arith.constant 0 : i32
      %dma_wait3A_136 = arith.constant 0 : i32
      %dma_wait3A_137 = arith.constant 0 : i32
      %dma_wait3A_138 = tpu.memref_slice %arg6[%dma_wait3A, %dma_wait3A_136, %dma_wait3A_137] : memref<8x128x16xf32, #tpu.memory_space<vmem>> -> memref<1x128x16xf32, #tpu.memory_space<vmem>>
      %dma_wait3A_139 = tpu.memref_squeeze %dma_wait3A_138 : memref<1x128x16xf32, #tpu.memory_space<vmem>> -> memref<128x16xf32, #tpu.memory_space<vmem>>
      %dma_wait3A_140 = arith.constant 0 : i32
      %dma_wait3A_141 = tpu.memref_slice %arg5[%add3A_16, %dma_wait3A_140] : memref<40x128xi32, #tpu.memory_space<vmem>> -> memref<1x128xi32, #tpu.memory_space<vmem>>
      %dma_wait3A_142 = tpu.memref_squeeze %dma_wait3A_141 : memref<1x128xi32, #tpu.memory_space<vmem>> -> memref<128xi32, #tpu.memory_space<vmem>>
      %dma_wait3A_143 = arith.constant 0 : i32
      %dma_wait3A_144 = arith.constant 0 : i32
      %dma_wait3A_145 = tpu.memref_slice %arg2[%dma_wait3A_143, %dma_wait3A_144] : memref<32768x16xf32, #tpu.memory_space<hbm>> -> memref<32768x16xf32, #tpu.memory_space<hbm>>
      tpu.wait_indirect_dma semaphore(%arg7 : memref<!tpu.dma_semaphore, #tpu.memory_space<semaphore_mem>>) src(%dma_wait3A_145 : memref<32768x16xf32, #tpu.memory_space<hbm>>) dst(%dma_wait3A_139 : memref<128x16xf32, #tpu.memory_space<vmem>>)
      %mul3A_146 = arith.constant 128 : i32
      %mul3A_147 = arith.muli %add3A_135, %mul3A_146 : i32
      %add3A_148 = arith.addi %mul3A_4, %mul3A_147 : i32
      %dma_start3A_149 = arith.constant 0 : i32
      %dma_start3A_150 = arith.constant 0 : i32
      %dma_start3A_151 = arith.constant 0 : i32
      %dma_start3A_152 = tpu.memref_slice %arg6[%dma_start3A_149, %dma_start3A_150, %dma_start3A_151] : memref<8x128x16xf32, #tpu.memory_space<vmem>> -> memref<1x128x16xf32, #tpu.memory_space<vmem>>
      %dma_start3A_153 = tpu.memref_squeeze %dma_start3A_152 : memref<1x128x16xf32, #tpu.memory_space<vmem>> -> memref<128x16xf32, #tpu.memory_space<vmem>>
      %dma_start3A_154 = arith.constant 0 : i32
      %dma_start3A_155 = tpu.memref_slice %arg4[%add3A_148, %dma_start3A_154] : memref<163840x16xf32, #tpu.memory_space<hbm>> -> memref<128x16xf32, #tpu.memory_space<hbm>>
      %dma_start3A_156 = arith.constant 0 : i32
      %dma_start3A_157 = tpu.memref_slice %arg4[%add3A_148, %dma_start3A_156] : memref<163840x16xf32, #tpu.memory_space<hbm>> -> memref<128x16xf32, #tpu.memory_space<hbm>>
      %dma_start3A_158 = arith.constant 0 : i32
      %dma_start3A_159 = arith.constant 0 : i32
      %dma_start3A_160 = tpu.memref_slice %arg6[%dma_start3A_149, %dma_start3A_158, %dma_start3A_159] : memref<8x128x16xf32, #tpu.memory_space<vmem>> -> memref<1x128x16xf32, #tpu.memory_space<vmem>>
      %dma_start3A_161 = tpu.memref_squeeze %dma_start3A_160 : memref<1x128x16xf32, #tpu.memory_space<vmem>> -> memref<128x16xf32, #tpu.memory_space<vmem>>
      tpu.enqueue_dma source(%dma_start3A_161 : memref<128x16xf32, #tpu.memory_space<vmem>>) target(%dma_start3A_157 : memref<128x16xf32, #tpu.memory_space<hbm>>) target_semaphore(%arg8 : memref<!tpu.dma_semaphore, #tpu.memory_space<semaphore_mem>>)
      %mul3A_162 = arith.constant 8 : i32
      %mul3A_163 = arith.muli %scan3A_11, %mul3A_162 : i32
      %add3A_164 = arith.constant 1 : i32
      %add3A_165 = arith.addi %mul3A_163, %add3A_164 : i32
      %dma_wait3A_166 = arith.constant 1 : i32
      %dma_wait3A_167 = arith.constant 0 : i32
      %dma_wait3A_168 = arith.constant 0 : i32
      %dma_wait3A_169 = tpu.memref_slice %arg6[%dma_wait3A_166, %dma_wait3A_167, %dma_wait3A_168] : memref<8x128x16xf32, #tpu.memory_space<vmem>> -> memref<1x128x16xf32, #tpu.memory_space<vmem>>
      %dma_wait3A_170 = tpu.memref_squeeze %dma_wait3A_169 : memref<1x128x16xf32, #tpu.memory_space<vmem>> -> memref<128x16xf32, #tpu.memory_space<vmem>>
      %dma_wait3A_171 = arith.constant 0 : i32
      %dma_wait3A_172 = tpu.memref_slice %arg5[%add3A_30, %dma_wait3A_171] : memref<40x128xi32, #tpu.memory_space<vmem>> -> memref<1x128xi32, #tpu.memory_space<vmem>>
      %dma_wait3A_173 = tpu.memref_squeeze %dma_wait3A_172 : memref<1x128xi32, #tpu.memory_space<vmem>> -> memref<128xi32, #tpu.memory_space<vmem>>
      %dma_wait3A_174 = arith.constant 0 : i32
      %dma_wait3A_175 = arith.constant 0 : i32
      %dma_wait3A_176 = tpu.memref_slice %arg2[%dma_wait3A_174, %dma_wait3A_175] : memref<32768x16xf32, #tpu.memory_space<hbm>> -> memref<32768x16xf32, #tpu.memory_space<hbm>>
      tpu.wait_indirect_dma semaphore(%arg7 : memref<!tpu.dma_semaphore, #tpu.memory_space<semaphore_mem>>) src(%dma_wait3A_176 : memref<32768x16xf32, #tpu.memory_space<hbm>>) dst(%dma_wait3A_170 : memref<128x16xf32, #tpu.memory_space<vmem>>)
      %mul3A_177 = arith.constant 128 : i32
      %mul3A_178 = arith.muli %add3A_165, %mul3A_177 : i32
      %add3A_179 = arith.addi %mul3A_4, %mul3A_178 : i32
      %dma_start3A_180 = arith.constant 1 : i32
      %dma_start3A_181 = arith.constant 0 : i32
      %dma_start3A_182 = arith.constant 0 : i32
      %dma_start3A_183 = tpu.memref_slice %arg6[%dma_start3A_180, %dma_start3A_181, %dma_start3A_182] : memref<8x128x16xf32, #tpu.memory_space<vmem>> -> memref<1x128x16xf32, #tpu.memory_space<vmem>>
      %dma_start3A_184 = tpu.memref_squeeze %dma_start3A_183 : memref<1x128x16xf32, #tpu.memory_space<vmem>> -> memref<128x16xf32, #tpu.memory_space<vmem>>
      %dma_start3A_185 = arith.constant 0 : i32
      %dma_start3A_186 = tpu.memref_slice %arg4[%add3A_179, %dma_start3A_185] : memref<163840x16xf32, #tpu.memory_space<hbm>> -> memref<128x16xf32, #tpu.memory_space<hbm>>
      %dma_start3A_187 = arith.constant 0 : i32
      %dma_start3A_188 = tpu.memref_slice %arg4[%add3A_179, %dma_start3A_187] : memref<163840x16xf32, #tpu.memory_space<hbm>> -> memref<128x16xf32, #tpu.memory_space<hbm>>
      %dma_start3A_189 = arith.constant 0 : i32
      %dma_start3A_190 = arith.constant 0 : i32
      %dma_start3A_191 = tpu.memref_slice %arg6[%dma_start3A_180, %dma_start3A_189, %dma_start3A_190] : memref<8x128x16xf32, #tpu.memory_space<vmem>> -> memref<1x128x16xf32, #tpu.memory_space<vmem>>
      %dma_start3A_192 = tpu.memref_squeeze %dma_start3A_191 : memref<1x128x16xf32, #tpu.memory_space<vmem>> -> memref<128x16xf32, #tpu.memory_space<vmem>>
      tpu.enqueue_dma source(%dma_start3A_192 : memref<128x16xf32, #tpu.memory_space<vmem>>) target(%dma_start3A_188 : memref<128x16xf32, #tpu.memory_space<hbm>>) target_semaphore(%arg8 : memref<!tpu.dma_semaphore, #tpu.memory_space<semaphore_mem>>)
      %mul3A_193 = arith.constant 8 : i32
      %mul3A_194 = arith.muli %scan3A_11, %mul3A_193 : i32
      %add3A_195 = arith.constant 2 : i32
      %add3A_196 = arith.addi %mul3A_194, %add3A_195 : i32
      %dma_wait3A_197 = arith.constant 2 : i32
      %dma_wait3A_198 = arith.constant 0 : i32
      %dma_wait3A_199 = arith.constant 0 : i32
      %dma_wait3A_200 = tpu.memref_slice %arg6[%dma_wait3A_197, %dma_wait3A_198, %dma_wait3A_199] : memref<8x128x16xf32, #tpu.memory_space<vmem>> -> memref<1x128x16xf32, #tpu.memory_space<vmem>>
      %dma_wait3A_201 = tpu.memref_squeeze %dma_wait3A_200 : memref<1x128x16xf32, #tpu.memory_space<vmem>> -> memref<128x16xf32, #tpu.memory_space<vmem>>
      %dma_wait3A_202 = arith.constant 0 : i32
      %dma_wait3A_203 = tpu.memref_slice %arg5[%add3A_45, %dma_wait3A_202] : memref<40x128xi32, #tpu.memory_space<vmem>> -> memref<1x128xi32, #tpu.memory_space<vmem>>
      %dma_wait3A_204 = tpu.memref_squeeze %dma_wait3A_203 : memref<1x128xi32, #tpu.memory_space<vmem>> -> memref<128xi32, #tpu.memory_space<vmem>>
      %dma_wait3A_205 = arith.constant 0 : i32
      %dma_wait3A_206 = arith.constant 0 : i32
      %dma_wait3A_207 = tpu.memref_slice %arg2[%dma_wait3A_205, %dma_wait3A_206] : memref<32768x16xf32, #tpu.memory_space<hbm>> -> memref<32768x16xf32, #tpu.memory_space<hbm>>
      tpu.wait_indirect_dma semaphore(%arg7 : memref<!tpu.dma_semaphore, #tpu.memory_space<semaphore_mem>>) src(%dma_wait3A_207 : memref<32768x16xf32, #tpu.memory_space<hbm>>) dst(%dma_wait3A_201 : memref<128x16xf32, #tpu.memory_space<vmem>>)
      %mul3A_208 = arith.constant 128 : i32
      %mul3A_209 = arith.muli %add3A_196, %mul3A_208 : i32
      %add3A_210 = arith.addi %mul3A_4, %mul3A_209 : i32
      %dma_start3A_211 = arith.constant 2 : i32
      %dma_start3A_212 = arith.constant 0 : i32
      %dma_start3A_213 = arith.constant 0 : i32
      %dma_start3A_214 = tpu.memref_slice %arg6[%dma_start3A_211, %dma_start3A_212, %dma_start3A_213] : memref<8x128x16xf32, #tpu.memory_space<vmem>> -> memref<1x128x16xf32, #tpu.memory_space<vmem>>
      %dma_start3A_215 = tpu.memref_squeeze %dma_start3A_214 : memref<1x128x16xf32, #tpu.memory_space<vmem>> -> memref<128x16xf32, #tpu.memory_space<vmem>>
      %dma_start3A_216 = arith.constant 0 : i32
      %dma_start3A_217 = tpu.memref_slice %arg4[%add3A_210, %dma_start3A_216] : memref<163840x16xf32, #tpu.memory_space<hbm>> -> memref<128x16xf32, #tpu.memory_space<hbm>>
      %dma_start3A_218 = arith.constant 0 : i32
      %dma_start3A_219 = tpu.memref_slice %arg4[%add3A_210, %dma_start3A_218] : memref<163840x16xf32, #tpu.memory_space<hbm>> -> memref<128x16xf32, #tpu.memory_space<hbm>>
      %dma_start3A_220 = arith.constant 0 : i32
      %dma_start3A_221 = arith.constant 0 : i32
      %dma_start3A_222 = tpu.memref_slice %arg6[%dma_start3A_211, %dma_start3A_220, %dma_start3A_221] : memref<8x128x16xf32, #tpu.memory_space<vmem>> -> memref<1x128x16xf32, #tpu.memory_space<vmem>>
      %dma_start3A_223 = tpu.memref_squeeze %dma_start3A_222 : memref<1x128x16xf32, #tpu.memory_space<vmem>> -> memref<128x16xf32, #tpu.memory_space<vmem>>
      tpu.enqueue_dma source(%dma_start3A_223 : memref<128x16xf32, #tpu.memory_space<vmem>>) target(%dma_start3A_219 : memref<128x16xf32, #tpu.memory_space<hbm>>) target_semaphore(%arg8 : memref<!tpu.dma_semaphore, #tpu.memory_space<semaphore_mem>>)
      %mul3A_224 = arith.constant 8 : i32
      %mul3A_225 = arith.muli %scan3A_11, %mul3A_224 : i32
      %add3A_226 = arith.constant 3 : i32
      %add3A_227 = arith.addi %mul3A_225, %add3A_226 : i32
      %dma_wait3A_228 = arith.constant 3 : i32
      %dma_wait3A_229 = arith.constant 0 : i32
      %dma_wait3A_230 = arith.constant 0 : i32
      %dma_wait3A_231 = tpu.memref_slice %arg6[%dma_wait3A_228, %dma_wait3A_229, %dma_wait3A_230] : memref<8x128x16xf32, #tpu.memory_space<vmem>> -> memref<1x128x16xf32, #tpu.memory_space<vmem>>
      %dma_wait3A_232 = tpu.memref_squeeze %dma_wait3A_231 : memref<1x128x16xf32, #tpu.memory_space<vmem>> -> memref<128x16xf32, #tpu.memory_space<vmem>>
      %dma_wait3A_233 = arith.constant 0 : i32
      %dma_wait3A_234 = tpu.memref_slice %arg5[%add3A_60, %dma_wait3A_233] : memref<40x128xi32, #tpu.memory_space<vmem>> -> memref<1x128xi32, #tpu.memory_space<vmem>>
      %dma_wait3A_235 = tpu.memref_squeeze %dma_wait3A_234 : memref<1x128xi32, #tpu.memory_space<vmem>> -> memref<128xi32, #tpu.memory_space<vmem>>
      %dma_wait3A_236 = arith.constant 0 : i32
      %dma_wait3A_237 = arith.constant 0 : i32
      %dma_wait3A_238 = tpu.memref_slice %arg2[%dma_wait3A_236, %dma_wait3A_237] : memref<32768x16xf32, #tpu.memory_space<hbm>> -> memref<32768x16xf32, #tpu.memory_space<hbm>>
      tpu.wait_indirect_dma semaphore(%arg7 : memref<!tpu.dma_semaphore, #tpu.memory_space<semaphore_mem>>) src(%dma_wait3A_238 : memref<32768x16xf32, #tpu.memory_space<hbm>>) dst(%dma_wait3A_232 : memref<128x16xf32, #tpu.memory_space<vmem>>)
      %mul3A_239 = arith.constant 128 : i32
      %mul3A_240 = arith.muli %add3A_227, %mul3A_239 : i32
      %add3A_241 = arith.addi %mul3A_4, %mul3A_240 : i32
      %dma_start3A_242 = arith.constant 3 : i32
      %dma_start3A_243 = arith.constant 0 : i32
      %dma_start3A_244 = arith.constant 0 : i32
      %dma_start3A_245 = tpu.memref_slice %arg6[%dma_start3A_242, %dma_start3A_243, %dma_start3A_244] : memref<8x128x16xf32, #tpu.memory_space<vmem>> -> memref<1x128x16xf32, #tpu.memory_space<vmem>>
      %dma_start3A_246 = tpu.memref_squeeze %dma_start3A_245 : memref<1x128x16xf32, #tpu.memory_space<vmem>> -> memref<128x16xf32, #tpu.memory_space<vmem>>
      %dma_start3A_247 = arith.constant 0 : i32
      %dma_start3A_248 = tpu.memref_slice %arg4[%add3A_241, %dma_start3A_247] : memref<163840x16xf32, #tpu.memory_space<hbm>> -> memref<128x16xf32, #tpu.memory_space<hbm>>
      %dma_start3A_249 = arith.constant 0 : i32
      %dma_start3A_250 = tpu.memref_slice %arg4[%add3A_241, %dma_start3A_249] : memref<163840x16xf32, #tpu.memory_space<hbm>> -> memref<128x16xf32, #tpu.memory_space<hbm>>
      %dma_start3A_251 = arith.constant 0 : i32
      %dma_start3A_252 = arith.constant 0 : i32
      %dma_start3A_253 = tpu.memref_slice %arg6[%dma_start3A_242, %dma_start3A_251, %dma_start3A_252] : memref<8x128x16xf32, #tpu.memory_space<vmem>> -> memref<1x128x16xf32, #tpu.memory_space<vmem>>
      %dma_start3A_254 = tpu.memref_squeeze %dma_start3A_253 : memref<1x128x16xf32, #tpu.memory_space<vmem>> -> memref<128x16xf32, #tpu.memory_space<vmem>>
      tpu.enqueue_dma source(%dma_start3A_254 : memref<128x16xf32, #tpu.memory_space<vmem>>) target(%dma_start3A_250 : memref<128x16xf32, #tpu.memory_space<hbm>>) target_semaphore(%arg8 : memref<!tpu.dma_semaphore, #tpu.memory_space<semaphore_mem>>)
      %mul3A_255 = arith.constant 8 : i32
      %mul3A_256 = arith.muli %scan3A_11, %mul3A_255 : i32
      %add3A_257 = arith.constant 4 : i32
      %add3A_258 = arith.addi %mul3A_256, %add3A_257 : i32
      %dma_wait3A_259 = arith.constant 4 : i32
      %dma_wait3A_260 = arith.constant 0 : i32
      %dma_wait3A_261 = arith.constant 0 : i32
      %dma_wait3A_262 = tpu.memref_slice %arg6[%dma_wait3A_259, %dma_wait3A_260, %dma_wait3A_261] : memref<8x128x16xf32, #tpu.memory_space<vmem>> -> memref<1x128x16xf32, #tpu.memory_space<vmem>>
      %dma_wait3A_263 = tpu.memref_squeeze %dma_wait3A_262 : memref<1x128x16xf32, #tpu.memory_space<vmem>> -> memref<128x16xf32, #tpu.memory_space<vmem>>
      %dma_wait3A_264 = arith.constant 0 : i32
      %dma_wait3A_265 = tpu.memref_slice %arg5[%add3A_75, %dma_wait3A_264] : memref<40x128xi32, #tpu.memory_space<vmem>> -> memref<1x128xi32, #tpu.memory_space<vmem>>
      %dma_wait3A_266 = tpu.memref_squeeze %dma_wait3A_265 : memref<1x128xi32, #tpu.memory_space<vmem>> -> memref<128xi32, #tpu.memory_space<vmem>>
      %dma_wait3A_267 = arith.constant 0 : i32
      %dma_wait3A_268 = arith.constant 0 : i32
      %dma_wait3A_269 = tpu.memref_slice %arg2[%dma_wait3A_267, %dma_wait3A_268] : memref<32768x16xf32, #tpu.memory_space<hbm>> -> memref<32768x16xf32, #tpu.memory_space<hbm>>
      tpu.wait_indirect_dma semaphore(%arg7 : memref<!tpu.dma_semaphore, #tpu.memory_space<semaphore_mem>>) src(%dma_wait3A_269 : memref<32768x16xf32, #tpu.memory_space<hbm>>) dst(%dma_wait3A_263 : memref<128x16xf32, #tpu.memory_space<vmem>>)
      %mul3A_270 = arith.constant 128 : i32
      %mul3A_271 = arith.muli %add3A_258, %mul3A_270 : i32
      %add3A_272 = arith.addi %mul3A_4, %mul3A_271 : i32
      %dma_start3A_273 = arith.constant 4 : i32
      %dma_start3A_274 = arith.constant 0 : i32
      %dma_start3A_275 = arith.constant 0 : i32
      %dma_start3A_276 = tpu.memref_slice %arg6[%dma_start3A_273, %dma_start3A_274, %dma_start3A_275] : memref<8x128x16xf32, #tpu.memory_space<vmem>> -> memref<1x128x16xf32, #tpu.memory_space<vmem>>
      %dma_start3A_277 = tpu.memref_squeeze %dma_start3A_276 : memref<1x128x16xf32, #tpu.memory_space<vmem>> -> memref<128x16xf32, #tpu.memory_space<vmem>>
      %dma_start3A_278 = arith.constant 0 : i32
      %dma_start3A_279 = tpu.memref_slice %arg4[%add3A_272, %dma_start3A_278] : memref<163840x16xf32, #tpu.memory_space<hbm>> -> memref<128x16xf32, #tpu.memory_space<hbm>>
      %dma_start3A_280 = arith.constant 0 : i32
      %dma_start3A_281 = tpu.memref_slice %arg4[%add3A_272, %dma_start3A_280] : memref<163840x16xf32, #tpu.memory_space<hbm>> -> memref<128x16xf32, #tpu.memory_space<hbm>>
      %dma_start3A_282 = arith.constant 0 : i32
      %dma_start3A_283 = arith.constant 0 : i32
      %dma_start3A_284 = tpu.memref_slice %arg6[%dma_start3A_273, %dma_start3A_282, %dma_start3A_283] : memref<8x128x16xf32, #tpu.memory_space<vmem>> -> memref<1x128x16xf32, #tpu.memory_space<vmem>>
      %dma_start3A_285 = tpu.memref_squeeze %dma_start3A_284 : memref<1x128x16xf32, #tpu.memory_space<vmem>> -> memref<128x16xf32, #tpu.memory_space<vmem>>
      tpu.enqueue_dma source(%dma_start3A_285 : memref<128x16xf32, #tpu.memory_space<vmem>>) target(%dma_start3A_281 : memref<128x16xf32, #tpu.memory_space<hbm>>) target_semaphore(%arg8 : memref<!tpu.dma_semaphore, #tpu.memory_space<semaphore_mem>>)
      %mul3A_286 = arith.constant 8 : i32
      %mul3A_287 = arith.muli %scan3A_11, %mul3A_286 : i32
      %add3A_288 = arith.constant 5 : i32
      %add3A_289 = arith.addi %mul3A_287, %add3A_288 : i32
      %dma_wait3A_290 = arith.constant 5 : i32
      %dma_wait3A_291 = arith.constant 0 : i32
      %dma_wait3A_292 = arith.constant 0 : i32
      %dma_wait3A_293 = tpu.memref_slice %arg6[%dma_wait3A_290, %dma_wait3A_291, %dma_wait3A_292] : memref<8x128x16xf32, #tpu.memory_space<vmem>> -> memref<1x128x16xf32, #tpu.memory_space<vmem>>
      %dma_wait3A_294 = tpu.memref_squeeze %dma_wait3A_293 : memref<1x128x16xf32, #tpu.memory_space<vmem>> -> memref<128x16xf32, #tpu.memory_space<vmem>>
      %dma_wait3A_295 = arith.constant 0 : i32
      %dma_wait3A_296 = tpu.memref_slice %arg5[%add3A_90, %dma_wait3A_295] : memref<40x128xi32, #tpu.memory_space<vmem>> -> memref<1x128xi32, #tpu.memory_space<vmem>>
      %dma_wait3A_297 = tpu.memref_squeeze %dma_wait3A_296 : memref<1x128xi32, #tpu.memory_space<vmem>> -> memref<128xi32, #tpu.memory_space<vmem>>
      %dma_wait3A_298 = arith.constant 0 : i32
      %dma_wait3A_299 = arith.constant 0 : i32
      %dma_wait3A_300 = tpu.memref_slice %arg2[%dma_wait3A_298, %dma_wait3A_299] : memref<32768x16xf32, #tpu.memory_space<hbm>> -> memref<32768x16xf32, #tpu.memory_space<hbm>>
      tpu.wait_indirect_dma semaphore(%arg7 : memref<!tpu.dma_semaphore, #tpu.memory_space<semaphore_mem>>) src(%dma_wait3A_300 : memref<32768x16xf32, #tpu.memory_space<hbm>>) dst(%dma_wait3A_294 : memref<128x16xf32, #tpu.memory_space<vmem>>)
      %mul3A_301 = arith.constant 128 : i32
      %mul3A_302 = arith.muli %add3A_289, %mul3A_301 : i32
      %add3A_303 = arith.addi %mul3A_4, %mul3A_302 : i32
      %dma_start3A_304 = arith.constant 5 : i32
      %dma_start3A_305 = arith.constant 0 : i32
      %dma_start3A_306 = arith.constant 0 : i32
      %dma_start3A_307 = tpu.memref_slice %arg6[%dma_start3A_304, %dma_start3A_305, %dma_start3A_306] : memref<8x128x16xf32, #tpu.memory_space<vmem>> -> memref<1x128x16xf32, #tpu.memory_space<vmem>>
      %dma_start3A_308 = tpu.memref_squeeze %dma_start3A_307 : memref<1x128x16xf32, #tpu.memory_space<vmem>> -> memref<128x16xf32, #tpu.memory_space<vmem>>
      %dma_start3A_309 = arith.constant 0 : i32
      %dma_start3A_310 = tpu.memref_slice %arg4[%add3A_303, %dma_start3A_309] : memref<163840x16xf32, #tpu.memory_space<hbm>> -> memref<128x16xf32, #tpu.memory_space<hbm>>
      %dma_start3A_311 = arith.constant 0 : i32
      %dma_start3A_312 = tpu.memref_slice %arg4[%add3A_303, %dma_start3A_311] : memref<163840x16xf32, #tpu.memory_space<hbm>> -> memref<128x16xf32, #tpu.memory_space<hbm>>
      %dma_start3A_313 = arith.constant 0 : i32
      %dma_start3A_314 = arith.constant 0 : i32
      %dma_start3A_315 = tpu.memref_slice %arg6[%dma_start3A_304, %dma_start3A_313, %dma_start3A_314] : memref<8x128x16xf32, #tpu.memory_space<vmem>> -> memref<1x128x16xf32, #tpu.memory_space<vmem>>
      %dma_start3A_316 = tpu.memref_squeeze %dma_start3A_315 : memref<1x128x16xf32, #tpu.memory_space<vmem>> -> memref<128x16xf32, #tpu.memory_space<vmem>>
      tpu.enqueue_dma source(%dma_start3A_316 : memref<128x16xf32, #tpu.memory_space<vmem>>) target(%dma_start3A_312 : memref<128x16xf32, #tpu.memory_space<hbm>>) target_semaphore(%arg8 : memref<!tpu.dma_semaphore, #tpu.memory_space<semaphore_mem>>)
      %mul3A_317 = arith.constant 8 : i32
      %mul3A_318 = arith.muli %scan3A_11, %mul3A_317 : i32
      %add3A_319 = arith.constant 6 : i32
      %add3A_320 = arith.addi %mul3A_318, %add3A_319 : i32
      %dma_wait3A_321 = arith.constant 6 : i32
      %dma_wait3A_322 = arith.constant 0 : i32
      %dma_wait3A_323 = arith.constant 0 : i32
      %dma_wait3A_324 = tpu.memref_slice %arg6[%dma_wait3A_321, %dma_wait3A_322, %dma_wait3A_323] : memref<8x128x16xf32, #tpu.memory_space<vmem>> -> memref<1x128x16xf32, #tpu.memory_space<vmem>>
      %dma_wait3A_325 = tpu.memref_squeeze %dma_wait3A_324 : memref<1x128x16xf32, #tpu.memory_space<vmem>> -> memref<128x16xf32, #tpu.memory_space<vmem>>
      %dma_wait3A_326 = arith.constant 0 : i32
      %dma_wait3A_327 = tpu.memref_slice %arg5[%add3A_105, %dma_wait3A_326] : memref<40x128xi32, #tpu.memory_space<vmem>> -> memref<1x128xi32, #tpu.memory_space<vmem>>
      %dma_wait3A_328 = tpu.memref_squeeze %dma_wait3A_327 : memref<1x128xi32, #tpu.memory_space<vmem>> -> memref<128xi32, #tpu.memory_space<vmem>>
      %dma_wait3A_329 = arith.constant 0 : i32
      %dma_wait3A_330 = arith.constant 0 : i32
      %dma_wait3A_331 = tpu.memref_slice %arg2[%dma_wait3A_329, %dma_wait3A_330] : memref<32768x16xf32, #tpu.memory_space<hbm>> -> memref<32768x16xf32, #tpu.memory_space<hbm>>
      tpu.wait_indirect_dma semaphore(%arg7 : memref<!tpu.dma_semaphore, #tpu.memory_space<semaphore_mem>>) src(%dma_wait3A_331 : memref<32768x16xf32, #tpu.memory_space<hbm>>) dst(%dma_wait3A_325 : memref<128x16xf32, #tpu.memory_space<vmem>>)
      %mul3A_332 = arith.constant 128 : i32
      %mul3A_333 = arith.muli %add3A_320, %mul3A_332 : i32
      %add3A_334 = arith.addi %mul3A_4, %mul3A_333 : i32
      %dma_start3A_335 = arith.constant 6 : i32
      %dma_start3A_336 = arith.constant 0 : i32
      %dma_start3A_337 = arith.constant 0 : i32
      %dma_start3A_338 = tpu.memref_slice %arg6[%dma_start3A_335, %dma_start3A_336, %dma_start3A_337] : memref<8x128x16xf32, #tpu.memory_space<vmem>> -> memref<1x128x16xf32, #tpu.memory_space<vmem>>
      %dma_start3A_339 = tpu.memref_squeeze %dma_start3A_338 : memref<1x128x16xf32, #tpu.memory_space<vmem>> -> memref<128x16xf32, #tpu.memory_space<vmem>>
      %dma_start3A_340 = arith.constant 0 : i32
      %dma_start3A_341 = tpu.memref_slice %arg4[%add3A_334, %dma_start3A_340] : memref<163840x16xf32, #tpu.memory_space<hbm>> -> memref<128x16xf32, #tpu.memory_space<hbm>>
      %dma_start3A_342 = arith.constant 0 : i32
      %dma_start3A_343 = tpu.memref_slice %arg4[%add3A_334, %dma_start3A_342] : memref<163840x16xf32, #tpu.memory_space<hbm>> -> memref<128x16xf32, #tpu.memory_space<hbm>>
      %dma_start3A_344 = arith.constant 0 : i32
      %dma_start3A_345 = arith.constant 0 : i32
      %dma_start3A_346 = tpu.memref_slice %arg6[%dma_start3A_335, %dma_start3A_344, %dma_start3A_345] : memref<8x128x16xf32, #tpu.memory_space<vmem>> -> memref<1x128x16xf32, #tpu.memory_space<vmem>>
      %dma_start3A_347 = tpu.memref_squeeze %dma_start3A_346 : memref<1x128x16xf32, #tpu.memory_space<vmem>> -> memref<128x16xf32, #tpu.memory_space<vmem>>
      tpu.enqueue_dma source(%dma_start3A_347 : memref<128x16xf32, #tpu.memory_space<vmem>>) target(%dma_start3A_343 : memref<128x16xf32, #tpu.memory_space<hbm>>) target_semaphore(%arg8 : memref<!tpu.dma_semaphore, #tpu.memory_space<semaphore_mem>>)
      %mul3A_348 = arith.constant 8 : i32
      %mul3A_349 = arith.muli %scan3A_11, %mul3A_348 : i32
      %add3A_350 = arith.constant 7 : i32
      %add3A_351 = arith.addi %mul3A_349, %add3A_350 : i32
      %dma_wait3A_352 = arith.constant 7 : i32
      %dma_wait3A_353 = arith.constant 0 : i32
      %dma_wait3A_354 = arith.constant 0 : i32
      %dma_wait3A_355 = tpu.memref_slice %arg6[%dma_wait3A_352, %dma_wait3A_353, %dma_wait3A_354] : memref<8x128x16xf32, #tpu.memory_space<vmem>> -> memref<1x128x16xf32, #tpu.memory_space<vmem>>
      %dma_wait3A_356 = tpu.memref_squeeze %dma_wait3A_355 : memref<1x128x16xf32, #tpu.memory_space<vmem>> -> memref<128x16xf32, #tpu.memory_space<vmem>>
      %dma_wait3A_357 = arith.constant 0 : i32
      %dma_wait3A_358 = tpu.memref_slice %arg5[%add3A_120, %dma_wait3A_357] : memref<40x128xi32, #tpu.memory_space<vmem>> -> memref<1x128xi32, #tpu.memory_space<vmem>>
      %dma_wait3A_359 = tpu.memref_squeeze %dma_wait3A_358 : memref<1x128xi32, #tpu.memory_space<vmem>> -> memref<128xi32, #tpu.memory_space<vmem>>
      %dma_wait3A_360 = arith.constant 0 : i32
      %dma_wait3A_361 = arith.constant 0 : i32
      %dma_wait3A_362 = tpu.memref_slice %arg2[%dma_wait3A_360, %dma_wait3A_361] : memref<32768x16xf32, #tpu.memory_space<hbm>> -> memref<32768x16xf32, #tpu.memory_space<hbm>>
      tpu.wait_indirect_dma semaphore(%arg7 : memref<!tpu.dma_semaphore, #tpu.memory_space<semaphore_mem>>) src(%dma_wait3A_362 : memref<32768x16xf32, #tpu.memory_space<hbm>>) dst(%dma_wait3A_356 : memref<128x16xf32, #tpu.memory_space<vmem>>)
      %mul3A_363 = arith.constant 128 : i32
      %mul3A_364 = arith.muli %add3A_351, %mul3A_363 : i32
      %add3A_365 = arith.addi %mul3A_4, %mul3A_364 : i32
      %dma_start3A_366 = arith.constant 7 : i32
      %dma_start3A_367 = arith.constant 0 : i32
      %dma_start3A_368 = arith.constant 0 : i32
      %dma_start3A_369 = tpu.memref_slice %arg6[%dma_start3A_366, %dma_start3A_367, %dma_start3A_368] : memref<8x128x16xf32, #tpu.memory_space<vmem>> -> memref<1x128x16xf32, #tpu.memory_space<vmem>>
      %dma_start3A_370 = tpu.memref_squeeze %dma_start3A_369 : memref<1x128x16xf32, #tpu.memory_space<vmem>> -> memref<128x16xf32, #tpu.memory_space<vmem>>
      %dma_start3A_371 = arith.constant 0 : i32
      %dma_start3A_372 = tpu.memref_slice %arg4[%add3A_365, %dma_start3A_371] : memref<163840x16xf32, #tpu.memory_space<hbm>> -> memref<128x16xf32, #tpu.memory_space<hbm>>
      %dma_start3A_373 = arith.constant 0 : i32
      %dma_start3A_374 = tpu.memref_slice %arg4[%add3A_365, %dma_start3A_373] : memref<163840x16xf32, #tpu.memory_space<hbm>> -> memref<128x16xf32, #tpu.memory_space<hbm>>
      %dma_start3A_375 = arith.constant 0 : i32
      %dma_start3A_376 = arith.constant 0 : i32
      %dma_start3A_377 = tpu.memref_slice %arg6[%dma_start3A_366, %dma_start3A_375, %dma_start3A_376] : memref<8x128x16xf32, #tpu.memory_space<vmem>> -> memref<1x128x16xf32, #tpu.memory_space<vmem>>
      %dma_start3A_378 = tpu.memref_squeeze %dma_start3A_377 : memref<1x128x16xf32, #tpu.memory_space<vmem>> -> memref<128x16xf32, #tpu.memory_space<vmem>>
      tpu.enqueue_dma source(%dma_start3A_378 : memref<128x16xf32, #tpu.memory_space<vmem>>) target(%dma_start3A_374 : memref<128x16xf32, #tpu.memory_space<hbm>>) target_semaphore(%arg8 : memref<!tpu.dma_semaphore, #tpu.memory_space<semaphore_mem>>)
      %dma_wait3A_379 = arith.constant 0 : i32
      %dma_wait3A_380 = arith.constant 0 : i32
      %dma_wait3A_381 = arith.constant 0 : i32
      %dma_wait3A_382 = tpu.memref_slice %arg6[%dma_wait3A_379, %dma_wait3A_380, %dma_wait3A_381] : memref<8x128x16xf32, #tpu.memory_space<vmem>> -> memref<1x128x16xf32, #tpu.memory_space<vmem>>
      %dma_wait3A_383 = tpu.memref_squeeze %dma_wait3A_382 : memref<1x128x16xf32, #tpu.memory_space<vmem>> -> memref<128x16xf32, #tpu.memory_space<vmem>>
      %dma_wait3A_384 = arith.constant 0 : i32
      %dma_wait3A_385 = tpu.memref_slice %arg4[%add3A_148, %dma_wait3A_384] : memref<163840x16xf32, #tpu.memory_space<hbm>> -> memref<128x16xf32, #tpu.memory_space<hbm>>
      %dma_wait3A_386 = arith.constant 0 : i32
      %dma_wait3A_387 = tpu.memref_slice %arg4[%add3A_148, %dma_wait3A_386] : memref<163840x16xf32, #tpu.memory_space<hbm>> -> memref<128x16xf32, #tpu.memory_space<hbm>>
      %dma_wait3A_388 = arith.constant 0 : i32
      %dma_wait3A_389 = arith.constant 0 : i32
      %dma_wait3A_390 = tpu.memref_slice %arg6[%dma_wait3A_379, %dma_wait3A_388, %dma_wait3A_389] : memref<8x128x16xf32, #tpu.memory_space<vmem>> -> memref<1x128x16xf32, #tpu.memory_space<vmem>>
      %dma_wait3A_391 = tpu.memref_squeeze %dma_wait3A_390 : memref<1x128x16xf32, #tpu.memory_space<vmem>> -> memref<128x16xf32, #tpu.memory_space<vmem>>
      tpu.wait_dma2 semaphore(%arg8 : memref<!tpu.dma_semaphore, #tpu.memory_space<semaphore_mem>>) src(%dma_wait3A_391 : memref<128x16xf32, #tpu.memory_space<vmem>>) dst(%dma_wait3A_387 : memref<128x16xf32, #tpu.memory_space<hbm>>)
      %dma_wait3A_392 = arith.constant 1 : i32
      %dma_wait3A_393 = arith.constant 0 : i32
      %dma_wait3A_394 = arith.constant 0 : i32
      %dma_wait3A_395 = tpu.memref_slice %arg6[%dma_wait3A_392, %dma_wait3A_393, %dma_wait3A_394] : memref<8x128x16xf32, #tpu.memory_space<vmem>> -> memref<1x128x16xf32, #tpu.memory_space<vmem>>
      %dma_wait3A_396 = tpu.memref_squeeze %dma_wait3A_395 : memref<1x128x16xf32, #tpu.memory_space<vmem>> -> memref<128x16xf32, #tpu.memory_space<vmem>>
      %dma_wait3A_397 = arith.constant 0 : i32
      %dma_wait3A_398 = tpu.memref_slice %arg4[%add3A_179, %dma_wait3A_397] : memref<163840x16xf32, #tpu.memory_space<hbm>> -> memref<128x16xf32, #tpu.memory_space<hbm>>
      %dma_wait3A_399 = arith.constant 0 : i32
      %dma_wait3A_400 = tpu.memref_slice %arg4[%add3A_179, %dma_wait3A_399] : memref<163840x16xf32, #tpu.memory_space<hbm>> -> memref<128x16xf32, #tpu.memory_space<hbm>>
      %dma_wait3A_401 = arith.constant 0 : i32
      %dma_wait3A_402 = arith.constant 0 : i32
      %dma_wait3A_403 = tpu.memref_slice %arg6[%dma_wait3A_392, %dma_wait3A_401, %dma_wait3A_402] : memref<8x128x16xf32, #tpu.memory_space<vmem>> -> memref<1x128x16xf32, #tpu.memory_space<vmem>>
      %dma_wait3A_404 = tpu.memref_squeeze %dma_wait3A_403 : memref<1x128x16xf32, #tpu.memory_space<vmem>> -> memref<128x16xf32, #tpu.memory_space<vmem>>
      tpu.wait_dma2 semaphore(%arg8 : memref<!tpu.dma_semaphore, #tpu.memory_space<semaphore_mem>>) src(%dma_wait3A_404 : memref<128x16xf32, #tpu.memory_space<vmem>>) dst(%dma_wait3A_400 : memref<128x16xf32, #tpu.memory_space<hbm>>)
      %dma_wait3A_405 = arith.constant 2 : i32
      %dma_wait3A_406 = arith.constant 0 : i32
      %dma_wait3A_407 = arith.constant 0 : i32
      %dma_wait3A_408 = tpu.memref_slice %arg6[%dma_wait3A_405, %dma_wait3A_406, %dma_wait3A_407] : memref<8x128x16xf32, #tpu.memory_space<vmem>> -> memref<1x128x16xf32, #tpu.memory_space<vmem>>
      %dma_wait3A_409 = tpu.memref_squeeze %dma_wait3A_408 : memref<1x128x16xf32, #tpu.memory_space<vmem>> -> memref<128x16xf32, #tpu.memory_space<vmem>>
      %dma_wait3A_410 = arith.constant 0 : i32
      %dma_wait3A_411 = tpu.memref_slice %arg4[%add3A_210, %dma_wait3A_410] : memref<163840x16xf32, #tpu.memory_space<hbm>> -> memref<128x16xf32, #tpu.memory_space<hbm>>
      %dma_wait3A_412 = arith.constant 0 : i32
      %dma_wait3A_413 = tpu.memref_slice %arg4[%add3A_210, %dma_wait3A_412] : memref<163840x16xf32, #tpu.memory_space<hbm>> -> memref<128x16xf32, #tpu.memory_space<hbm>>
      %dma_wait3A_414 = arith.constant 0 : i32
      %dma_wait3A_415 = arith.constant 0 : i32
      %dma_wait3A_416 = tpu.memref_slice %arg6[%dma_wait3A_405, %dma_wait3A_414, %dma_wait3A_415] : memref<8x128x16xf32, #tpu.memory_space<vmem>> -> memref<1x128x16xf32, #tpu.memory_space<vmem>>
      %dma_wait3A_417 = tpu.memref_squeeze %dma_wait3A_416 : memref<1x128x16xf32, #tpu.memory_space<vmem>> -> memref<128x16xf32, #tpu.memory_space<vmem>>
      tpu.wait_dma2 semaphore(%arg8 : memref<!tpu.dma_semaphore, #tpu.memory_space<semaphore_mem>>) src(%dma_wait3A_417 : memref<128x16xf32, #tpu.memory_space<vmem>>) dst(%dma_wait3A_413 : memref<128x16xf32, #tpu.memory_space<hbm>>)
      %dma_wait3A_418 = arith.constant 3 : i32
      %dma_wait3A_419 = arith.constant 0 : i32
      %dma_wait3A_420 = arith.constant 0 : i32
      %dma_wait3A_421 = tpu.memref_slice %arg6[%dma_wait3A_418, %dma_wait3A_419, %dma_wait3A_420] : memref<8x128x16xf32, #tpu.memory_space<vmem>> -> memref<1x128x16xf32, #tpu.memory_space<vmem>>
      %dma_wait3A_422 = tpu.memref_squeeze %dma_wait3A_421 : memref<1x128x16xf32, #tpu.memory_space<vmem>> -> memref<128x16xf32, #tpu.memory_space<vmem>>
      %dma_wait3A_423 = arith.constant 0 : i32
      %dma_wait3A_424 = tpu.memref_slice %arg4[%add3A_241, %dma_wait3A_423] : memref<163840x16xf32, #tpu.memory_space<hbm>> -> memref<128x16xf32, #tpu.memory_space<hbm>>
      %dma_wait3A_425 = arith.constant 0 : i32
      %dma_wait3A_426 = tpu.memref_slice %arg4[%add3A_241, %dma_wait3A_425] : memref<163840x16xf32, #tpu.memory_space<hbm>> -> memref<128x16xf32, #tpu.memory_space<hbm>>
      %dma_wait3A_427 = arith.constant 0 : i32
      %dma_wait3A_428 = arith.constant 0 : i32
      %dma_wait3A_429 = tpu.memref_slice %arg6[%dma_wait3A_418, %dma_wait3A_427, %dma_wait3A_428] : memref<8x128x16xf32, #tpu.memory_space<vmem>> -> memref<1x128x16xf32, #tpu.memory_space<vmem>>
      %dma_wait3A_430 = tpu.memref_squeeze %dma_wait3A_429 : memref<1x128x16xf32, #tpu.memory_space<vmem>> -> memref<128x16xf32, #tpu.memory_space<vmem>>
      tpu.wait_dma2 semaphore(%arg8 : memref<!tpu.dma_semaphore, #tpu.memory_space<semaphore_mem>>) src(%dma_wait3A_430 : memref<128x16xf32, #tpu.memory_space<vmem>>) dst(%dma_wait3A_426 : memref<128x16xf32, #tpu.memory_space<hbm>>)
      %dma_wait3A_431 = arith.constant 4 : i32
      %dma_wait3A_432 = arith.constant 0 : i32
      %dma_wait3A_433 = arith.constant 0 : i32
      %dma_wait3A_434 = tpu.memref_slice %arg6[%dma_wait3A_431, %dma_wait3A_432, %dma_wait3A_433] : memref<8x128x16xf32, #tpu.memory_space<vmem>> -> memref<1x128x16xf32, #tpu.memory_space<vmem>>
      %dma_wait3A_435 = tpu.memref_squeeze %dma_wait3A_434 : memref<1x128x16xf32, #tpu.memory_space<vmem>> -> memref<128x16xf32, #tpu.memory_space<vmem>>
      %dma_wait3A_436 = arith.constant 0 : i32
      %dma_wait3A_437 = tpu.memref_slice %arg4[%add3A_272, %dma_wait3A_436] : memref<163840x16xf32, #tpu.memory_space<hbm>> -> memref<128x16xf32, #tpu.memory_space<hbm>>
      %dma_wait3A_438 = arith.constant 0 : i32
      %dma_wait3A_439 = tpu.memref_slice %arg4[%add3A_272, %dma_wait3A_438] : memref<163840x16xf32, #tpu.memory_space<hbm>> -> memref<128x16xf32, #tpu.memory_space<hbm>>
      %dma_wait3A_440 = arith.constant 0 : i32
      %dma_wait3A_441 = arith.constant 0 : i32
      %dma_wait3A_442 = tpu.memref_slice %arg6[%dma_wait3A_431, %dma_wait3A_440, %dma_wait3A_441] : memref<8x128x16xf32, #tpu.memory_space<vmem>> -> memref<1x128x16xf32, #tpu.memory_space<vmem>>
      %dma_wait3A_443 = tpu.memref_squeeze %dma_wait3A_442 : memref<1x128x16xf32, #tpu.memory_space<vmem>> -> memref<128x16xf32, #tpu.memory_space<vmem>>
      tpu.wait_dma2 semaphore(%arg8 : memref<!tpu.dma_semaphore, #tpu.memory_space<semaphore_mem>>) src(%dma_wait3A_443 : memref<128x16xf32, #tpu.memory_space<vmem>>) dst(%dma_wait3A_439 : memref<128x16xf32, #tpu.memory_space<hbm>>)
      %dma_wait3A_444 = arith.constant 5 : i32
      %dma_wait3A_445 = arith.constant 0 : i32
      %dma_wait3A_446 = arith.constant 0 : i32
      %dma_wait3A_447 = tpu.memref_slice %arg6[%dma_wait3A_444, %dma_wait3A_445, %dma_wait3A_446] : memref<8x128x16xf32, #tpu.memory_space<vmem>> -> memref<1x128x16xf32, #tpu.memory_space<vmem>>
      %dma_wait3A_448 = tpu.memref_squeeze %dma_wait3A_447 : memref<1x128x16xf32, #tpu.memory_space<vmem>> -> memref<128x16xf32, #tpu.memory_space<vmem>>
      %dma_wait3A_449 = arith.constant 0 : i32
      %dma_wait3A_450 = tpu.memref_slice %arg4[%add3A_303, %dma_wait3A_449] : memref<163840x16xf32, #tpu.memory_space<hbm>> -> memref<128x16xf32, #tpu.memory_space<hbm>>
      %dma_wait3A_451 = arith.constant 0 : i32
      %dma_wait3A_452 = tpu.memref_slice %arg4[%add3A_303, %dma_wait3A_451] : memref<163840x16xf32, #tpu.memory_space<hbm>> -> memref<128x16xf32, #tpu.memory_space<hbm>>
      %dma_wait3A_453 = arith.constant 0 : i32
      %dma_wait3A_454 = arith.constant 0 : i32
      %dma_wait3A_455 = tpu.memref_slice %arg6[%dma_wait3A_444, %dma_wait3A_453, %dma_wait3A_454] : memref<8x128x16xf32, #tpu.memory_space<vmem>> -> memref<1x128x16xf32, #tpu.memory_space<vmem>>
      %dma_wait3A_456 = tpu.memref_squeeze %dma_wait3A_455 : memref<1x128x16xf32, #tpu.memory_space<vmem>> -> memref<128x16xf32, #tpu.memory_space<vmem>>
      tpu.wait_dma2 semaphore(%arg8 : memref<!tpu.dma_semaphore, #tpu.memory_space<semaphore_mem>>) src(%dma_wait3A_456 : memref<128x16xf32, #tpu.memory_space<vmem>>) dst(%dma_wait3A_452 : memref<128x16xf32, #tpu.memory_space<hbm>>)
      %dma_wait3A_457 = arith.constant 6 : i32
      %dma_wait3A_458 = arith.constant 0 : i32
      %dma_wait3A_459 = arith.constant 0 : i32
      %dma_wait3A_460 = tpu.memref_slice %arg6[%dma_wait3A_457, %dma_wait3A_458, %dma_wait3A_459] : memref<8x128x16xf32, #tpu.memory_space<vmem>> -> memref<1x128x16xf32, #tpu.memory_space<vmem>>
      %dma_wait3A_461 = tpu.memref_squeeze %dma_wait3A_460 : memref<1x128x16xf32, #tpu.memory_space<vmem>> -> memref<128x16xf32, #tpu.memory_space<vmem>>
      %dma_wait3A_462 = arith.constant 0 : i32
      %dma_wait3A_463 = tpu.memref_slice %arg4[%add3A_334, %dma_wait3A_462] : memref<163840x16xf32, #tpu.memory_space<hbm>> -> memref<128x16xf32, #tpu.memory_space<hbm>>
      %dma_wait3A_464 = arith.constant 0 : i32
      %dma_wait3A_465 = tpu.memref_slice %arg4[%add3A_334, %dma_wait3A_464] : memref<163840x16xf32, #tpu.memory_space<hbm>> -> memref<128x16xf32, #tpu.memory_space<hbm>>
      %dma_wait3A_466 = arith.constant 0 : i32
      %dma_wait3A_467 = arith.constant 0 : i32
      %dma_wait3A_468 = tpu.memref_slice %arg6[%dma_wait3A_457, %dma_wait3A_466, %dma_wait3A_467] : memref<8x128x16xf32, #tpu.memory_space<vmem>> -> memref<1x128x16xf32, #tpu.memory_space<vmem>>
      %dma_wait3A_469 = tpu.memref_squeeze %dma_wait3A_468 : memref<1x128x16xf32, #tpu.memory_space<vmem>> -> memref<128x16xf32, #tpu.memory_space<vmem>>
      tpu.wait_dma2 semaphore(%arg8 : memref<!tpu.dma_semaphore, #tpu.memory_space<semaphore_mem>>) src(%dma_wait3A_469 : memref<128x16xf32, #tpu.memory_space<vmem>>) dst(%dma_wait3A_465 : memref<128x16xf32, #tpu.memory_space<hbm>>)
      %dma_wait3A_470 = arith.constant 7 : i32
      %dma_wait3A_471 = arith.constant 0 : i32
      %dma_wait3A_472 = arith.constant 0 : i32
      %dma_wait3A_473 = tpu.memref_slice %arg6[%dma_wait3A_470, %dma_wait3A_471, %dma_wait3A_472] : memref<8x128x16xf32, #tpu.memory_space<vmem>> -> memref<1x128x16xf32, #tpu.memory_space<vmem>>
      %dma_wait3A_474 = tpu.memref_squeeze %dma_wait3A_473 : memref<1x128x16xf32, #tpu.memory_space<vmem>> -> memref<128x16xf32, #tpu.memory_space<vmem>>
      %dma_wait3A_475 = arith.constant 0 : i32
      %dma_wait3A_476 = tpu.memref_slice %arg4[%add3A_365, %dma_wait3A_475] : memref<163840x16xf32, #tpu.memory_space<hbm>> -> memref<128x16xf32, #tpu.memory_space<hbm>>
      %dma_wait3A_477 = arith.constant 0 : i32
      %dma_wait3A_478 = tpu.memref_slice %arg4[%add3A_365, %dma_wait3A_477] : memref<163840x16xf32, #tpu.memory_space<hbm>> -> memref<128x16xf32, #tpu.memory_space<hbm>>
      %dma_wait3A_479 = arith.constant 0 : i32
      %dma_wait3A_480 = arith.constant 0 : i32
      %dma_wait3A_481 = tpu.memref_slice %arg6[%dma_wait3A_470, %dma_wait3A_479, %dma_wait3A_480] : memref<8x128x16xf32, #tpu.memory_space<vmem>> -> memref<1x128x16xf32, #tpu.memory_space<vmem>>
      %dma_wait3A_482 = tpu.memref_squeeze %dma_wait3A_481 : memref<1x128x16xf32, #tpu.memory_space<vmem>> -> memref<128x16xf32, #tpu.memory_space<vmem>>
      tpu.wait_dma2 semaphore(%arg8 : memref<!tpu.dma_semaphore, #tpu.memory_space<semaphore_mem>>) src(%dma_wait3A_482 : memref<128x16xf32, #tpu.memory_space<vmem>>) dst(%dma_wait3A_478 : memref<128x16xf32, #tpu.memory_space<hbm>>)
      %scan3A_483 = arith.constant 0 : i32
      scf.yield %scan3A_483 : i32
    }
    %scan3A_10 = arith.constant 5 : i32
    return
  }
}

#map = affine_map<(d0, d1) -> (0, 0)>
module attributes {stable_mosaic.version = 14 : i64} {
  func.func @gather_k(%arg0: i32, %arg1: i32, %arg2: memref<32768x16xf32, #tpu.memory_space<hbm>>, %arg3: memref<1280x128xi32, #tpu.memory_space<hbm>>, %arg4: memref<163840x16xf32, #tpu.memory_space<hbm>>, %arg5: memref<40x128xi32, #tpu.memory_space<vmem>>, %arg6: memref<8x128x16xf32, #tpu.memory_space<vmem>>, %arg7: memref<!tpu.dma_semaphore, #tpu.memory_space<semaphore_mem>>, %arg8: memref<!tpu.dma_semaphore, #tpu.memory_space<semaphore_mem>>) attributes {dimension_semantics = [#tpu.dimension_semantics<core_parallel>, #tpu.dimension_semantics<subcore_parallel>], iteration_bounds = array<i64: 2, 16>, scalar_prefetch = 0 : i64, scratch_operands = 4 : i64, tpu.core_type = #tpu.core_type<sc_vector_subcore>, window_params = [{transform_indices = #map}, {transform_indices = #map}, {transform_indices = #map}]} {
    %mul3A = arith.constant 2 : i32
    %mul3A_0 = arith.muli %arg1, %mul3A : i32
    %add3A = arith.addi %mul3A_0, %arg0 : i32
    %mul3A_1 = arith.constant 40 : i32
    %mul3A_2 = arith.muli %add3A, %mul3A_1 : i32
    "tpu.region"() ({
      %run_scoped3A = tpu.sem_alloc : memref<!tpu.dma_semaphore, #tpu.memory_space<semaphore_mem>>
      %dma_start3A = arith.constant 0 : i32
      %dma_start3A_11 = tpu.memref_slice %arg3[%mul3A_2, %dma_start3A] : memref<1280x128xi32, #tpu.memory_space<hbm>> -> memref<40x128xi32, #tpu.memory_space<hbm>>
      %dma_start3A_12 = arith.constant 0 : i32
      %dma_start3A_13 = tpu.memref_slice %arg3[%mul3A_2, %dma_start3A_12] : memref<1280x128xi32, #tpu.memory_space<hbm>> -> memref<40x128xi32, #tpu.memory_space<hbm>>
      tpu.enqueue_dma source(%dma_start3A_13 : memref<40x128xi32, #tpu.memory_space<hbm>>) target(%arg5 : memref<40x128xi32, #tpu.memory_space<vmem>>) target_semaphore(%run_scoped3A : memref<!tpu.dma_semaphore, #tpu.memory_space<semaphore_mem>>)
      %dma_wait3A = arith.constant 0 : i32
      %dma_wait3A_14 = tpu.memref_slice %arg3[%mul3A_2, %dma_wait3A] : memref<1280x128xi32, #tpu.memory_space<hbm>> -> memref<40x128xi32, #tpu.memory_space<hbm>>
      %dma_wait3A_15 = arith.constant 0 : i32
      %dma_wait3A_16 = tpu.memref_slice %arg3[%mul3A_2, %dma_wait3A_15] : memref<1280x128xi32, #tpu.memory_space<hbm>> -> memref<40x128xi32, #tpu.memory_space<hbm>>
      tpu.wait_dma2 semaphore(%run_scoped3A : memref<!tpu.dma_semaphore, #tpu.memory_space<semaphore_mem>>) src(%dma_wait3A_16 : memref<40x128xi32, #tpu.memory_space<hbm>>) dst(%arg5 : memref<40x128xi32, #tpu.memory_space<vmem>>)
      tpu.yield
    }) : () -> ()
    %mul3A_3 = arith.constant 5120 : i32
    %mul3A_4 = arith.muli %add3A, %mul3A_3 : i32
    %scan3A = arith.constant 0 : i32
    %scan3A_5 = arith.constant 0 : i32
    %scan3A_6 = arith.constant 5 : i32
    %scan3A_7 = arith.addi %scan3A_5, %scan3A_6 : i32
    %scan3A_8 = arith.constant 1 : i32
    %scan3A_9 = scf.for %scan3A_11 = %scan3A_5 to %scan3A_7 step %scan3A_8 iter_args(%scan3A_12 = %scan3A) -> (i32)  : i32 {
      %mul3A_13 = arith.constant 8 : i32
      %mul3A_14 = arith.muli %scan3A_11, %mul3A_13 : i32
      %add3A_15 = arith.constant 0 : i32
      %add3A_16 = arith.addi %mul3A_14, %add3A_15 : i32
      %dma_start3A = arith.constant 0 : i32
      %dma_start3A_17 = arith.constant 0 : i32
      %dma_start3A_18 = arith.constant 0 : i32
      %dma_start3A_19 = tpu.memref_slice %arg6[%dma_start3A, %dma_start3A_17, %dma_start3A_18] : memref<8x128x16xf32, #tpu.memory_space<vmem>> -> memref<1x128x16xf32, #tpu.memory_space<vmem>>
      %dma_start3A_20 = tpu.memref_squeeze %dma_start3A_19 : memref<1x128x16xf32, #tpu.memory_space<vmem>> -> memref<128x16xf32, #tpu.memory_space<vmem>>
      %dma_start3A_21 = arith.constant 0 : i32
      %dma_start3A_22 = tpu.memref_slice %arg5[%add3A_16, %dma_start3A_21] : memref<40x128xi32, #tpu.memory_space<vmem>> -> memref<1x128xi32, #tpu.memory_space<vmem>>
      %dma_start3A_23 = tpu.memref_squeeze %dma_start3A_22 : memref<1x128xi32, #tpu.memory_space<vmem>> -> memref<128xi32, #tpu.memory_space<vmem>>
      %dma_start3A_24 = arith.constant 0 : i32
      %dma_start3A_25 = arith.constant 0 : i32
      %dma_start3A_26 = tpu.memref_slice %arg2[%dma_start3A_24, %dma_start3A_25] : memref<32768x16xf32, #tpu.memory_space<hbm>> -> memref<32768x16xf32, #tpu.memory_space<hbm>>
      tpu.enqueue_indirect_dma source(%dma_start3A_26 : memref<32768x16xf32, #tpu.memory_space<hbm>>) target(%dma_start3A_20 : memref<128x16xf32, #tpu.memory_space<vmem>>) offsets(%dma_start3A_23 : memref<128xi32, #tpu.memory_space<vmem>>) semaphore(%arg7 : memref<!tpu.dma_semaphore, #tpu.memory_space<semaphore_mem>>)
      %mul3A_27 = arith.constant 8 : i32
      %mul3A_28 = arith.muli %scan3A_11, %mul3A_27 : i32
      %add3A_29 = arith.constant 1 : i32
      %add3A_30 = arith.addi %mul3A_28, %add3A_29 : i32
      %dma_start3A_31 = arith.constant 1 : i32
      %dma_start3A_32 = arith.constant 0 : i32
      %dma_start3A_33 = arith.constant 0 : i32
      %dma_start3A_34 = tpu.memref_slice %arg6[%dma_start3A_31, %dma_start3A_32, %dma_start3A_33] : memref<8x128x16xf32, #tpu.memory_space<vmem>> -> memref<1x128x16xf32, #tpu.memory_space<vmem>>
      %dma_start3A_35 = tpu.memref_squeeze %dma_start3A_34 : memref<1x128x16xf32, #tpu.memory_space<vmem>> -> memref<128x16xf32, #tpu.memory_space<vmem>>
      %dma_start3A_36 = arith.constant 0 : i32
      %dma_start3A_37 = tpu.memref_slice %arg5[%add3A_30, %dma_start3A_36] : memref<40x128xi32, #tpu.memory_space<vmem>> -> memref<1x128xi32, #tpu.memory_space<vmem>>
      %dma_start3A_38 = tpu.memref_squeeze %dma_start3A_37 : memref<1x128xi32, #tpu.memory_space<vmem>> -> memref<128xi32, #tpu.memory_space<vmem>>
      %dma_start3A_39 = arith.constant 0 : i32
      %dma_start3A_40 = arith.constant 0 : i32
      %dma_start3A_41 = tpu.memref_slice %arg2[%dma_start3A_39, %dma_start3A_40] : memref<32768x16xf32, #tpu.memory_space<hbm>> -> memref<32768x16xf32, #tpu.memory_space<hbm>>
      tpu.enqueue_indirect_dma source(%dma_start3A_41 : memref<32768x16xf32, #tpu.memory_space<hbm>>) target(%dma_start3A_35 : memref<128x16xf32, #tpu.memory_space<vmem>>) offsets(%dma_start3A_38 : memref<128xi32, #tpu.memory_space<vmem>>) semaphore(%arg7 : memref<!tpu.dma_semaphore, #tpu.memory_space<semaphore_mem>>)
      %mul3A_42 = arith.constant 8 : i32
      %mul3A_43 = arith.muli %scan3A_11, %mul3A_42 : i32
      %add3A_44 = arith.constant 2 : i32
      %add3A_45 = arith.addi %mul3A_43, %add3A_44 : i32
      %dma_start3A_46 = arith.constant 2 : i32
      %dma_start3A_47 = arith.constant 0 : i32
      %dma_start3A_48 = arith.constant 0 : i32
      %dma_start3A_49 = tpu.memref_slice %arg6[%dma_start3A_46, %dma_start3A_47, %dma_start3A_48] : memref<8x128x16xf32, #tpu.memory_space<vmem>> -> memref<1x128x16xf32, #tpu.memory_space<vmem>>
      %dma_start3A_50 = tpu.memref_squeeze %dma_start3A_49 : memref<1x128x16xf32, #tpu.memory_space<vmem>> -> memref<128x16xf32, #tpu.memory_space<vmem>>
      %dma_start3A_51 = arith.constant 0 : i32
      %dma_start3A_52 = tpu.memref_slice %arg5[%add3A_45, %dma_start3A_51] : memref<40x128xi32, #tpu.memory_space<vmem>> -> memref<1x128xi32, #tpu.memory_space<vmem>>
      %dma_start3A_53 = tpu.memref_squeeze %dma_start3A_52 : memref<1x128xi32, #tpu.memory_space<vmem>> -> memref<128xi32, #tpu.memory_space<vmem>>
      %dma_start3A_54 = arith.constant 0 : i32
      %dma_start3A_55 = arith.constant 0 : i32
      %dma_start3A_56 = tpu.memref_slice %arg2[%dma_start3A_54, %dma_start3A_55] : memref<32768x16xf32, #tpu.memory_space<hbm>> -> memref<32768x16xf32, #tpu.memory_space<hbm>>
      tpu.enqueue_indirect_dma source(%dma_start3A_56 : memref<32768x16xf32, #tpu.memory_space<hbm>>) target(%dma_start3A_50 : memref<128x16xf32, #tpu.memory_space<vmem>>) offsets(%dma_start3A_53 : memref<128xi32, #tpu.memory_space<vmem>>) semaphore(%arg7 : memref<!tpu.dma_semaphore, #tpu.memory_space<semaphore_mem>>)
      %mul3A_57 = arith.constant 8 : i32
      %mul3A_58 = arith.muli %scan3A_11, %mul3A_57 : i32
      %add3A_59 = arith.constant 3 : i32
      %add3A_60 = arith.addi %mul3A_58, %add3A_59 : i32
      %dma_start3A_61 = arith.constant 3 : i32
      %dma_start3A_62 = arith.constant 0 : i32
      %dma_start3A_63 = arith.constant 0 : i32
      %dma_start3A_64 = tpu.memref_slice %arg6[%dma_start3A_61, %dma_start3A_62, %dma_start3A_63] : memref<8x128x16xf32, #tpu.memory_space<vmem>> -> memref<1x128x16xf32, #tpu.memory_space<vmem>>
      %dma_start3A_65 = tpu.memref_squeeze %dma_start3A_64 : memref<1x128x16xf32, #tpu.memory_space<vmem>> -> memref<128x16xf32, #tpu.memory_space<vmem>>
      %dma_start3A_66 = arith.constant 0 : i32
      %dma_start3A_67 = tpu.memref_slice %arg5[%add3A_60, %dma_start3A_66] : memref<40x128xi32, #tpu.memory_space<vmem>> -> memref<1x128xi32, #tpu.memory_space<vmem>>
      %dma_start3A_68 = tpu.memref_squeeze %dma_start3A_67 : memref<1x128xi32, #tpu.memory_space<vmem>> -> memref<128xi32, #tpu.memory_space<vmem>>
      %dma_start3A_69 = arith.constant 0 : i32
      %dma_start3A_70 = arith.constant 0 : i32
      %dma_start3A_71 = tpu.memref_slice %arg2[%dma_start3A_69, %dma_start3A_70] : memref<32768x16xf32, #tpu.memory_space<hbm>> -> memref<32768x16xf32, #tpu.memory_space<hbm>>
      tpu.enqueue_indirect_dma source(%dma_start3A_71 : memref<32768x16xf32, #tpu.memory_space<hbm>>) target(%dma_start3A_65 : memref<128x16xf32, #tpu.memory_space<vmem>>) offsets(%dma_start3A_68 : memref<128xi32, #tpu.memory_space<vmem>>) semaphore(%arg7 : memref<!tpu.dma_semaphore, #tpu.memory_space<semaphore_mem>>)
      %mul3A_72 = arith.constant 8 : i32
      %mul3A_73 = arith.muli %scan3A_11, %mul3A_72 : i32
      %add3A_74 = arith.constant 4 : i32
      %add3A_75 = arith.addi %mul3A_73, %add3A_74 : i32
      %dma_start3A_76 = arith.constant 4 : i32
      %dma_start3A_77 = arith.constant 0 : i32
      %dma_start3A_78 = arith.constant 0 : i32
      %dma_start3A_79 = tpu.memref_slice %arg6[%dma_start3A_76, %dma_start3A_77, %dma_start3A_78] : memref<8x128x16xf32, #tpu.memory_space<vmem>> -> memref<1x128x16xf32, #tpu.memory_space<vmem>>
      %dma_start3A_80 = tpu.memref_squeeze %dma_start3A_79 : memref<1x128x16xf32, #tpu.memory_space<vmem>> -> memref<128x16xf32, #tpu.memory_space<vmem>>
      %dma_start3A_81 = arith.constant 0 : i32
      %dma_start3A_82 = tpu.memref_slice %arg5[%add3A_75, %dma_start3A_81] : memref<40x128xi32, #tpu.memory_space<vmem>> -> memref<1x128xi32, #tpu.memory_space<vmem>>
      %dma_start3A_83 = tpu.memref_squeeze %dma_start3A_82 : memref<1x128xi32, #tpu.memory_space<vmem>> -> memref<128xi32, #tpu.memory_space<vmem>>
      %dma_start3A_84 = arith.constant 0 : i32
      %dma_start3A_85 = arith.constant 0 : i32
      %dma_start3A_86 = tpu.memref_slice %arg2[%dma_start3A_84, %dma_start3A_85] : memref<32768x16xf32, #tpu.memory_space<hbm>> -> memref<32768x16xf32, #tpu.memory_space<hbm>>
      tpu.enqueue_indirect_dma source(%dma_start3A_86 : memref<32768x16xf32, #tpu.memory_space<hbm>>) target(%dma_start3A_80 : memref<128x16xf32, #tpu.memory_space<vmem>>) offsets(%dma_start3A_83 : memref<128xi32, #tpu.memory_space<vmem>>) semaphore(%arg7 : memref<!tpu.dma_semaphore, #tpu.memory_space<semaphore_mem>>)
      %mul3A_87 = arith.constant 8 : i32
      %mul3A_88 = arith.muli %scan3A_11, %mul3A_87 : i32
      %add3A_89 = arith.constant 5 : i32
      %add3A_90 = arith.addi %mul3A_88, %add3A_89 : i32
      %dma_start3A_91 = arith.constant 5 : i32
      %dma_start3A_92 = arith.constant 0 : i32
      %dma_start3A_93 = arith.constant 0 : i32
      %dma_start3A_94 = tpu.memref_slice %arg6[%dma_start3A_91, %dma_start3A_92, %dma_start3A_93] : memref<8x128x16xf32, #tpu.memory_space<vmem>> -> memref<1x128x16xf32, #tpu.memory_space<vmem>>
      %dma_start3A_95 = tpu.memref_squeeze %dma_start3A_94 : memref<1x128x16xf32, #tpu.memory_space<vmem>> -> memref<128x16xf32, #tpu.memory_space<vmem>>
      %dma_start3A_96 = arith.constant 0 : i32
      %dma_start3A_97 = tpu.memref_slice %arg5[%add3A_90, %dma_start3A_96] : memref<40x128xi32, #tpu.memory_space<vmem>> -> memref<1x128xi32, #tpu.memory_space<vmem>>
      %dma_start3A_98 = tpu.memref_squeeze %dma_start3A_97 : memref<1x128xi32, #tpu.memory_space<vmem>> -> memref<128xi32, #tpu.memory_space<vmem>>
      %dma_start3A_99 = arith.constant 0 : i32
      %dma_start3A_100 = arith.constant 0 : i32
      %dma_start3A_101 = tpu.memref_slice %arg2[%dma_start3A_99, %dma_start3A_100] : memref<32768x16xf32, #tpu.memory_space<hbm>> -> memref<32768x16xf32, #tpu.memory_space<hbm>>
      tpu.enqueue_indirect_dma source(%dma_start3A_101 : memref<32768x16xf32, #tpu.memory_space<hbm>>) target(%dma_start3A_95 : memref<128x16xf32, #tpu.memory_space<vmem>>) offsets(%dma_start3A_98 : memref<128xi32, #tpu.memory_space<vmem>>) semaphore(%arg7 : memref<!tpu.dma_semaphore, #tpu.memory_space<semaphore_mem>>)
      %mul3A_102 = arith.constant 8 : i32
      %mul3A_103 = arith.muli %scan3A_11, %mul3A_102 : i32
      %add3A_104 = arith.constant 6 : i32
      %add3A_105 = arith.addi %mul3A_103, %add3A_104 : i32
      %dma_start3A_106 = arith.constant 6 : i32
      %dma_start3A_107 = arith.constant 0 : i32
      %dma_start3A_108 = arith.constant 0 : i32
      %dma_start3A_109 = tpu.memref_slice %arg6[%dma_start3A_106, %dma_start3A_107, %dma_start3A_108] : memref<8x128x16xf32, #tpu.memory_space<vmem>> -> memref<1x128x16xf32, #tpu.memory_space<vmem>>
      %dma_start3A_110 = tpu.memref_squeeze %dma_start3A_109 : memref<1x128x16xf32, #tpu.memory_space<vmem>> -> memref<128x16xf32, #tpu.memory_space<vmem>>
      %dma_start3A_111 = arith.constant 0 : i32
      %dma_start3A_112 = tpu.memref_slice %arg5[%add3A_105, %dma_start3A_111] : memref<40x128xi32, #tpu.memory_space<vmem>> -> memref<1x128xi32, #tpu.memory_space<vmem>>
      %dma_start3A_113 = tpu.memref_squeeze %dma_start3A_112 : memref<1x128xi32, #tpu.memory_space<vmem>> -> memref<128xi32, #tpu.memory_space<vmem>>
      %dma_start3A_114 = arith.constant 0 : i32
      %dma_start3A_115 = arith.constant 0 : i32
      %dma_start3A_116 = tpu.memref_slice %arg2[%dma_start3A_114, %dma_start3A_115] : memref<32768x16xf32, #tpu.memory_space<hbm>> -> memref<32768x16xf32, #tpu.memory_space<hbm>>
      tpu.enqueue_indirect_dma source(%dma_start3A_116 : memref<32768x16xf32, #tpu.memory_space<hbm>>) target(%dma_start3A_110 : memref<128x16xf32, #tpu.memory_space<vmem>>) offsets(%dma_start3A_113 : memref<128xi32, #tpu.memory_space<vmem>>) semaphore(%arg7 : memref<!tpu.dma_semaphore, #tpu.memory_space<semaphore_mem>>)
      %mul3A_117 = arith.constant 8 : i32
      %mul3A_118 = arith.muli %scan3A_11, %mul3A_117 : i32
      %add3A_119 = arith.constant 7 : i32
      %add3A_120 = arith.addi %mul3A_118, %add3A_119 : i32
      %dma_start3A_121 = arith.constant 7 : i32
      %dma_start3A_122 = arith.constant 0 : i32
      %dma_start3A_123 = arith.constant 0 : i32
      %dma_start3A_124 = tpu.memref_slice %arg6[%dma_start3A_121, %dma_start3A_122, %dma_start3A_123] : memref<8x128x16xf32, #tpu.memory_space<vmem>> -> memref<1x128x16xf32, #tpu.memory_space<vmem>>
      %dma_start3A_125 = tpu.memref_squeeze %dma_start3A_124 : memref<1x128x16xf32, #tpu.memory_space<vmem>> -> memref<128x16xf32, #tpu.memory_space<vmem>>
      %dma_start3A_126 = arith.constant 0 : i32
      %dma_start3A_127 = tpu.memref_slice %arg5[%add3A_120, %dma_start3A_126] : memref<40x128xi32, #tpu.memory_space<vmem>> -> memref<1x128xi32, #tpu.memory_space<vmem>>
      %dma_start3A_128 = tpu.memref_squeeze %dma_start3A_127 : memref<1x128xi32, #tpu.memory_space<vmem>> -> memref<128xi32, #tpu.memory_space<vmem>>
      %dma_start3A_129 = arith.constant 0 : i32
      %dma_start3A_130 = arith.constant 0 : i32
      %dma_start3A_131 = tpu.memref_slice %arg2[%dma_start3A_129, %dma_start3A_130] : memref<32768x16xf32, #tpu.memory_space<hbm>> -> memref<32768x16xf32, #tpu.memory_space<hbm>>
      tpu.enqueue_indirect_dma source(%dma_start3A_131 : memref<32768x16xf32, #tpu.memory_space<hbm>>) target(%dma_start3A_125 : memref<128x16xf32, #tpu.memory_space<vmem>>) offsets(%dma_start3A_128 : memref<128xi32, #tpu.memory_space<vmem>>) semaphore(%arg7 : memref<!tpu.dma_semaphore, #tpu.memory_space<semaphore_mem>>)
      %mul3A_132 = arith.constant 8 : i32
      %mul3A_133 = arith.muli %scan3A_11, %mul3A_132 : i32
      %add3A_134 = arith.constant 0 : i32
      %add3A_135 = arith.addi %mul3A_133, %add3A_134 : i32
      %dma_wait3A = arith.constant 0 : i32
      %dma_wait3A_136 = arith.constant 0 : i32
      %dma_wait3A_137 = arith.constant 0 : i32
      %dma_wait3A_138 = tpu.memref_slice %arg6[%dma_wait3A, %dma_wait3A_136, %dma_wait3A_137] : memref<8x128x16xf32, #tpu.memory_space<vmem>> -> memref<1x128x16xf32, #tpu.memory_space<vmem>>
      %dma_wait3A_139 = tpu.memref_squeeze %dma_wait3A_138 : memref<1x128x16xf32, #tpu.memory_space<vmem>> -> memref<128x16xf32, #tpu.memory_space<vmem>>
      %dma_wait3A_140 = arith.constant 0 : i32
      %dma_wait3A_141 = tpu.memref_slice %arg5[%add3A_16, %dma_wait3A_140] : memref<40x128xi32, #tpu.memory_space<vmem>> -> memref<1x128xi32, #tpu.memory_space<vmem>>
      %dma_wait3A_142 = tpu.memref_squeeze %dma_wait3A_141 : memref<1x128xi32, #tpu.memory_space<vmem>> -> memref<128xi32, #tpu.memory_space<vmem>>
      %dma_wait3A_143 = arith.constant 0 : i32
      %dma_wait3A_144 = arith.constant 0 : i32
      %dma_wait3A_145 = tpu.memref_slice %arg2[%dma_wait3A_143, %dma_wait3A_144] : memref<32768x16xf32, #tpu.memory_space<hbm>> -> memref<32768x16xf32, #tpu.memory_space<hbm>>
      tpu.wait_indirect_dma semaphore(%arg7 : memref<!tpu.dma_semaphore, #tpu.memory_space<semaphore_mem>>) src(%dma_wait3A_145 : memref<32768x16xf32, #tpu.memory_space<hbm>>) dst(%dma_wait3A_139 : memref<128x16xf32, #tpu.memory_space<vmem>>)
      %mul3A_146 = arith.constant 128 : i32
      %mul3A_147 = arith.muli %add3A_135, %mul3A_146 : i32
      %add3A_148 = arith.addi %mul3A_4, %mul3A_147 : i32
      %dma_start3A_149 = arith.constant 0 : i32
      %dma_start3A_150 = arith.constant 0 : i32
      %dma_start3A_151 = arith.constant 0 : i32
      %dma_start3A_152 = tpu.memref_slice %arg6[%dma_start3A_149, %dma_start3A_150, %dma_start3A_151] : memref<8x128x16xf32, #tpu.memory_space<vmem>> -> memref<1x128x16xf32, #tpu.memory_space<vmem>>
      %dma_start3A_153 = tpu.memref_squeeze %dma_start3A_152 : memref<1x128x16xf32, #tpu.memory_space<vmem>> -> memref<128x16xf32, #tpu.memory_space<vmem>>
      %dma_start3A_154 = arith.constant 0 : i32
      %dma_start3A_155 = tpu.memref_slice %arg4[%add3A_148, %dma_start3A_154] : memref<163840x16xf32, #tpu.memory_space<hbm>> -> memref<128x16xf32, #tpu.memory_space<hbm>>
      %dma_start3A_156 = arith.constant 0 : i32
      %dma_start3A_157 = tpu.memref_slice %arg4[%add3A_148, %dma_start3A_156] : memref<163840x16xf32, #tpu.memory_space<hbm>> -> memref<128x16xf32, #tpu.memory_space<hbm>>
      %dma_start3A_158 = arith.constant 0 : i32
      %dma_start3A_159 = arith.constant 0 : i32
      %dma_start3A_160 = tpu.memref_slice %arg6[%dma_start3A_149, %dma_start3A_158, %dma_start3A_159] : memref<8x128x16xf32, #tpu.memory_space<vmem>> -> memref<1x128x16xf32, #tpu.memory_space<vmem>>
      %dma_start3A_161 = tpu.memref_squeeze %dma_start3A_160 : memref<1x128x16xf32, #tpu.memory_space<vmem>> -> memref<128x16xf32, #tpu.memory_space<vmem>>
      tpu.enqueue_dma source(%dma_start3A_161 : memref<128x16xf32, #tpu.memory_space<vmem>>) target(%dma_start3A_157 : memref<128x16xf32, #tpu.memory_space<hbm>>) target_semaphore(%arg8 : memref<!tpu.dma_semaphore, #tpu.memory_space<semaphore_mem>>)
      %mul3A_162 = arith.constant 8 : i32
      %mul3A_163 = arith.muli %scan3A_11, %mul3A_162 : i32
      %add3A_164 = arith.constant 1 : i32
      %add3A_165 = arith.addi %mul3A_163, %add3A_164 : i32
      %dma_wait3A_166 = arith.constant 1 : i32
      %dma_wait3A_167 = arith.constant 0 : i32
      %dma_wait3A_168 = arith.constant 0 : i32
      %dma_wait3A_169 = tpu.memref_slice %arg6[%dma_wait3A_166, %dma_wait3A_167, %dma_wait3A_168] : memref<8x128x16xf32, #tpu.memory_space<vmem>> -> memref<1x128x16xf32, #tpu.memory_space<vmem>>
      %dma_wait3A_170 = tpu.memref_squeeze %dma_wait3A_169 : memref<1x128x16xf32, #tpu.memory_space<vmem>> -> memref<128x16xf32, #tpu.memory_space<vmem>>
      %dma_wait3A_171 = arith.constant 0 : i32
      %dma_wait3A_172 = tpu.memref_slice %arg5[%add3A_30, %dma_wait3A_171] : memref<40x128xi32, #tpu.memory_space<vmem>> -> memref<1x128xi32, #tpu.memory_space<vmem>>
      %dma_wait3A_173 = tpu.memref_squeeze %dma_wait3A_172 : memref<1x128xi32, #tpu.memory_space<vmem>> -> memref<128xi32, #tpu.memory_space<vmem>>
      %dma_wait3A_174 = arith.constant 0 : i32
      %dma_wait3A_175 = arith.constant 0 : i32
      %dma_wait3A_176 = tpu.memref_slice %arg2[%dma_wait3A_174, %dma_wait3A_175] : memref<32768x16xf32, #tpu.memory_space<hbm>> -> memref<32768x16xf32, #tpu.memory_space<hbm>>
      tpu.wait_indirect_dma semaphore(%arg7 : memref<!tpu.dma_semaphore, #tpu.memory_space<semaphore_mem>>) src(%dma_wait3A_176 : memref<32768x16xf32, #tpu.memory_space<hbm>>) dst(%dma_wait3A_170 : memref<128x16xf32, #tpu.memory_space<vmem>>)
      %mul3A_177 = arith.constant 128 : i32
      %mul3A_178 = arith.muli %add3A_165, %mul3A_177 : i32
      %add3A_179 = arith.addi %mul3A_4, %mul3A_178 : i32
      %dma_start3A_180 = arith.constant 1 : i32
      %dma_start3A_181 = arith.constant 0 : i32
      %dma_start3A_182 = arith.constant 0 : i32
      %dma_start3A_183 = tpu.memref_slice %arg6[%dma_start3A_180, %dma_start3A_181, %dma_start3A_182] : memref<8x128x16xf32, #tpu.memory_space<vmem>> -> memref<1x128x16xf32, #tpu.memory_space<vmem>>
      %dma_start3A_184 = tpu.memref_squeeze %dma_start3A_183 : memref<1x128x16xf32, #tpu.memory_space<vmem>> -> memref<128x16xf32, #tpu.memory_space<vmem>>
      %dma_start3A_185 = arith.constant 0 : i32
      %dma_start3A_186 = tpu.memref_slice %arg4[%add3A_179, %dma_start3A_185] : memref<163840x16xf32, #tpu.memory_space<hbm>> -> memref<128x16xf32, #tpu.memory_space<hbm>>
      %dma_start3A_187 = arith.constant 0 : i32
      %dma_start3A_188 = tpu.memref_slice %arg4[%add3A_179, %dma_start3A_187] : memref<163840x16xf32, #tpu.memory_space<hbm>> -> memref<128x16xf32, #tpu.memory_space<hbm>>
      %dma_start3A_189 = arith.constant 0 : i32
      %dma_start3A_190 = arith.constant 0 : i32
      %dma_start3A_191 = tpu.memref_slice %arg6[%dma_start3A_180, %dma_start3A_189, %dma_start3A_190] : memref<8x128x16xf32, #tpu.memory_space<vmem>> -> memref<1x128x16xf32, #tpu.memory_space<vmem>>
      %dma_start3A_192 = tpu.memref_squeeze %dma_start3A_191 : memref<1x128x16xf32, #tpu.memory_space<vmem>> -> memref<128x16xf32, #tpu.memory_space<vmem>>
      tpu.enqueue_dma source(%dma_start3A_192 : memref<128x16xf32, #tpu.memory_space<vmem>>) target(%dma_start3A_188 : memref<128x16xf32, #tpu.memory_space<hbm>>) target_semaphore(%arg8 : memref<!tpu.dma_semaphore, #tpu.memory_space<semaphore_mem>>)
      %mul3A_193 = arith.constant 8 : i32
      %mul3A_194 = arith.muli %scan3A_11, %mul3A_193 : i32
      %add3A_195 = arith.constant 2 : i32
      %add3A_196 = arith.addi %mul3A_194, %add3A_195 : i32
      %dma_wait3A_197 = arith.constant 2 : i32
      %dma_wait3A_198 = arith.constant 0 : i32
      %dma_wait3A_199 = arith.constant 0 : i32
      %dma_wait3A_200 = tpu.memref_slice %arg6[%dma_wait3A_197, %dma_wait3A_198, %dma_wait3A_199] : memref<8x128x16xf32, #tpu.memory_space<vmem>> -> memref<1x128x16xf32, #tpu.memory_space<vmem>>
      %dma_wait3A_201 = tpu.memref_squeeze %dma_wait3A_200 : memref<1x128x16xf32, #tpu.memory_space<vmem>> -> memref<128x16xf32, #tpu.memory_space<vmem>>
      %dma_wait3A_202 = arith.constant 0 : i32
      %dma_wait3A_203 = tpu.memref_slice %arg5[%add3A_45, %dma_wait3A_202] : memref<40x128xi32, #tpu.memory_space<vmem>> -> memref<1x128xi32, #tpu.memory_space<vmem>>
      %dma_wait3A_204 = tpu.memref_squeeze %dma_wait3A_203 : memref<1x128xi32, #tpu.memory_space<vmem>> -> memref<128xi32, #tpu.memory_space<vmem>>
      %dma_wait3A_205 = arith.constant 0 : i32
      %dma_wait3A_206 = arith.constant 0 : i32
      %dma_wait3A_207 = tpu.memref_slice %arg2[%dma_wait3A_205, %dma_wait3A_206] : memref<32768x16xf32, #tpu.memory_space<hbm>> -> memref<32768x16xf32, #tpu.memory_space<hbm>>
      tpu.wait_indirect_dma semaphore(%arg7 : memref<!tpu.dma_semaphore, #tpu.memory_space<semaphore_mem>>) src(%dma_wait3A_207 : memref<32768x16xf32, #tpu.memory_space<hbm>>) dst(%dma_wait3A_201 : memref<128x16xf32, #tpu.memory_space<vmem>>)
      %mul3A_208 = arith.constant 128 : i32
      %mul3A_209 = arith.muli %add3A_196, %mul3A_208 : i32
      %add3A_210 = arith.addi %mul3A_4, %mul3A_209 : i32
      %dma_start3A_211 = arith.constant 2 : i32
      %dma_start3A_212 = arith.constant 0 : i32
      %dma_start3A_213 = arith.constant 0 : i32
      %dma_start3A_214 = tpu.memref_slice %arg6[%dma_start3A_211, %dma_start3A_212, %dma_start3A_213] : memref<8x128x16xf32, #tpu.memory_space<vmem>> -> memref<1x128x16xf32, #tpu.memory_space<vmem>>
      %dma_start3A_215 = tpu.memref_squeeze %dma_start3A_214 : memref<1x128x16xf32, #tpu.memory_space<vmem>> -> memref<128x16xf32, #tpu.memory_space<vmem>>
      %dma_start3A_216 = arith.constant 0 : i32
      %dma_start3A_217 = tpu.memref_slice %arg4[%add3A_210, %dma_start3A_216] : memref<163840x16xf32, #tpu.memory_space<hbm>> -> memref<128x16xf32, #tpu.memory_space<hbm>>
      %dma_start3A_218 = arith.constant 0 : i32
      %dma_start3A_219 = tpu.memref_slice %arg4[%add3A_210, %dma_start3A_218] : memref<163840x16xf32, #tpu.memory_space<hbm>> -> memref<128x16xf32, #tpu.memory_space<hbm>>
      %dma_start3A_220 = arith.constant 0 : i32
      %dma_start3A_221 = arith.constant 0 : i32
      %dma_start3A_222 = tpu.memref_slice %arg6[%dma_start3A_211, %dma_start3A_220, %dma_start3A_221] : memref<8x128x16xf32, #tpu.memory_space<vmem>> -> memref<1x128x16xf32, #tpu.memory_space<vmem>>
      %dma_start3A_223 = tpu.memref_squeeze %dma_start3A_222 : memref<1x128x16xf32, #tpu.memory_space<vmem>> -> memref<128x16xf32, #tpu.memory_space<vmem>>
      tpu.enqueue_dma source(%dma_start3A_223 : memref<128x16xf32, #tpu.memory_space<vmem>>) target(%dma_start3A_219 : memref<128x16xf32, #tpu.memory_space<hbm>>) target_semaphore(%arg8 : memref<!tpu.dma_semaphore, #tpu.memory_space<semaphore_mem>>)
      %mul3A_224 = arith.constant 8 : i32
      %mul3A_225 = arith.muli %scan3A_11, %mul3A_224 : i32
      %add3A_226 = arith.constant 3 : i32
      %add3A_227 = arith.addi %mul3A_225, %add3A_226 : i32
      %dma_wait3A_228 = arith.constant 3 : i32
      %dma_wait3A_229 = arith.constant 0 : i32
      %dma_wait3A_230 = arith.constant 0 : i32
      %dma_wait3A_231 = tpu.memref_slice %arg6[%dma_wait3A_228, %dma_wait3A_229, %dma_wait3A_230] : memref<8x128x16xf32, #tpu.memory_space<vmem>> -> memref<1x128x16xf32, #tpu.memory_space<vmem>>
      %dma_wait3A_232 = tpu.memref_squeeze %dma_wait3A_231 : memref<1x128x16xf32, #tpu.memory_space<vmem>> -> memref<128x16xf32, #tpu.memory_space<vmem>>
      %dma_wait3A_233 = arith.constant 0 : i32
      %dma_wait3A_234 = tpu.memref_slice %arg5[%add3A_60, %dma_wait3A_233] : memref<40x128xi32, #tpu.memory_space<vmem>> -> memref<1x128xi32, #tpu.memory_space<vmem>>
      %dma_wait3A_235 = tpu.memref_squeeze %dma_wait3A_234 : memref<1x128xi32, #tpu.memory_space<vmem>> -> memref<128xi32, #tpu.memory_space<vmem>>
      %dma_wait3A_236 = arith.constant 0 : i32
      %dma_wait3A_237 = arith.constant 0 : i32
      %dma_wait3A_238 = tpu.memref_slice %arg2[%dma_wait3A_236, %dma_wait3A_237] : memref<32768x16xf32, #tpu.memory_space<hbm>> -> memref<32768x16xf32, #tpu.memory_space<hbm>>
      tpu.wait_indirect_dma semaphore(%arg7 : memref<!tpu.dma_semaphore, #tpu.memory_space<semaphore_mem>>) src(%dma_wait3A_238 : memref<32768x16xf32, #tpu.memory_space<hbm>>) dst(%dma_wait3A_232 : memref<128x16xf32, #tpu.memory_space<vmem>>)
      %mul3A_239 = arith.constant 128 : i32
      %mul3A_240 = arith.muli %add3A_227, %mul3A_239 : i32
      %add3A_241 = arith.addi %mul3A_4, %mul3A_240 : i32
      %dma_start3A_242 = arith.constant 3 : i32
      %dma_start3A_243 = arith.constant 0 : i32
      %dma_start3A_244 = arith.constant 0 : i32
      %dma_start3A_245 = tpu.memref_slice %arg6[%dma_start3A_242, %dma_start3A_243, %dma_start3A_244] : memref<8x128x16xf32, #tpu.memory_space<vmem>> -> memref<1x128x16xf32, #tpu.memory_space<vmem>>
      %dma_start3A_246 = tpu.memref_squeeze %dma_start3A_245 : memref<1x128x16xf32, #tpu.memory_space<vmem>> -> memref<128x16xf32, #tpu.memory_space<vmem>>
      %dma_start3A_247 = arith.constant 0 : i32
      %dma_start3A_248 = tpu.memref_slice %arg4[%add3A_241, %dma_start3A_247] : memref<163840x16xf32, #tpu.memory_space<hbm>> -> memref<128x16xf32, #tpu.memory_space<hbm>>
      %dma_start3A_249 = arith.constant 0 : i32
      %dma_start3A_250 = tpu.memref_slice %arg4[%add3A_241, %dma_start3A_249] : memref<163840x16xf32, #tpu.memory_space<hbm>> -> memref<128x16xf32, #tpu.memory_space<hbm>>
      %dma_start3A_251 = arith.constant 0 : i32
      %dma_start3A_252 = arith.constant 0 : i32
      %dma_start3A_253 = tpu.memref_slice %arg6[%dma_start3A_242, %dma_start3A_251, %dma_start3A_252] : memref<8x128x16xf32, #tpu.memory_space<vmem>> -> memref<1x128x16xf32, #tpu.memory_space<vmem>>
      %dma_start3A_254 = tpu.memref_squeeze %dma_start3A_253 : memref<1x128x16xf32, #tpu.memory_space<vmem>> -> memref<128x16xf32, #tpu.memory_space<vmem>>
      tpu.enqueue_dma source(%dma_start3A_254 : memref<128x16xf32, #tpu.memory_space<vmem>>) target(%dma_start3A_250 : memref<128x16xf32, #tpu.memory_space<hbm>>) target_semaphore(%arg8 : memref<!tpu.dma_semaphore, #tpu.memory_space<semaphore_mem>>)
      %mul3A_255 = arith.constant 8 : i32
      %mul3A_256 = arith.muli %scan3A_11, %mul3A_255 : i32
      %add3A_257 = arith.constant 4 : i32
      %add3A_258 = arith.addi %mul3A_256, %add3A_257 : i32
      %dma_wait3A_259 = arith.constant 4 : i32
      %dma_wait3A_260 = arith.constant 0 : i32
      %dma_wait3A_261 = arith.constant 0 : i32
      %dma_wait3A_262 = tpu.memref_slice %arg6[%dma_wait3A_259, %dma_wait3A_260, %dma_wait3A_261] : memref<8x128x16xf32, #tpu.memory_space<vmem>> -> memref<1x128x16xf32, #tpu.memory_space<vmem>>
      %dma_wait3A_263 = tpu.memref_squeeze %dma_wait3A_262 : memref<1x128x16xf32, #tpu.memory_space<vmem>> -> memref<128x16xf32, #tpu.memory_space<vmem>>
      %dma_wait3A_264 = arith.constant 0 : i32
      %dma_wait3A_265 = tpu.memref_slice %arg5[%add3A_75, %dma_wait3A_264] : memref<40x128xi32, #tpu.memory_space<vmem>> -> memref<1x128xi32, #tpu.memory_space<vmem>>
      %dma_wait3A_266 = tpu.memref_squeeze %dma_wait3A_265 : memref<1x128xi32, #tpu.memory_space<vmem>> -> memref<128xi32, #tpu.memory_space<vmem>>
      %dma_wait3A_267 = arith.constant 0 : i32
      %dma_wait3A_268 = arith.constant 0 : i32
      %dma_wait3A_269 = tpu.memref_slice %arg2[%dma_wait3A_267, %dma_wait3A_268] : memref<32768x16xf32, #tpu.memory_space<hbm>> -> memref<32768x16xf32, #tpu.memory_space<hbm>>
      tpu.wait_indirect_dma semaphore(%arg7 : memref<!tpu.dma_semaphore, #tpu.memory_space<semaphore_mem>>) src(%dma_wait3A_269 : memref<32768x16xf32, #tpu.memory_space<hbm>>) dst(%dma_wait3A_263 : memref<128x16xf32, #tpu.memory_space<vmem>>)
      %mul3A_270 = arith.constant 128 : i32
      %mul3A_271 = arith.muli %add3A_258, %mul3A_270 : i32
      %add3A_272 = arith.addi %mul3A_4, %mul3A_271 : i32
      %dma_start3A_273 = arith.constant 4 : i32
      %dma_start3A_274 = arith.constant 0 : i32
      %dma_start3A_275 = arith.constant 0 : i32
      %dma_start3A_276 = tpu.memref_slice %arg6[%dma_start3A_273, %dma_start3A_274, %dma_start3A_275] : memref<8x128x16xf32, #tpu.memory_space<vmem>> -> memref<1x128x16xf32, #tpu.memory_space<vmem>>
      %dma_start3A_277 = tpu.memref_squeeze %dma_start3A_276 : memref<1x128x16xf32, #tpu.memory_space<vmem>> -> memref<128x16xf32, #tpu.memory_space<vmem>>
      %dma_start3A_278 = arith.constant 0 : i32
      %dma_start3A_279 = tpu.memref_slice %arg4[%add3A_272, %dma_start3A_278] : memref<163840x16xf32, #tpu.memory_space<hbm>> -> memref<128x16xf32, #tpu.memory_space<hbm>>
      %dma_start3A_280 = arith.constant 0 : i32
      %dma_start3A_281 = tpu.memref_slice %arg4[%add3A_272, %dma_start3A_280] : memref<163840x16xf32, #tpu.memory_space<hbm>> -> memref<128x16xf32, #tpu.memory_space<hbm>>
      %dma_start3A_282 = arith.constant 0 : i32
      %dma_start3A_283 = arith.constant 0 : i32
      %dma_start3A_284 = tpu.memref_slice %arg6[%dma_start3A_273, %dma_start3A_282, %dma_start3A_283] : memref<8x128x16xf32, #tpu.memory_space<vmem>> -> memref<1x128x16xf32, #tpu.memory_space<vmem>>
      %dma_start3A_285 = tpu.memref_squeeze %dma_start3A_284 : memref<1x128x16xf32, #tpu.memory_space<vmem>> -> memref<128x16xf32, #tpu.memory_space<vmem>>
      tpu.enqueue_dma source(%dma_start3A_285 : memref<128x16xf32, #tpu.memory_space<vmem>>) target(%dma_start3A_281 : memref<128x16xf32, #tpu.memory_space<hbm>>) target_semaphore(%arg8 : memref<!tpu.dma_semaphore, #tpu.memory_space<semaphore_mem>>)
      %mul3A_286 = arith.constant 8 : i32
      %mul3A_287 = arith.muli %scan3A_11, %mul3A_286 : i32
      %add3A_288 = arith.constant 5 : i32
      %add3A_289 = arith.addi %mul3A_287, %add3A_288 : i32
      %dma_wait3A_290 = arith.constant 5 : i32
      %dma_wait3A_291 = arith.constant 0 : i32
      %dma_wait3A_292 = arith.constant 0 : i32
      %dma_wait3A_293 = tpu.memref_slice %arg6[%dma_wait3A_290, %dma_wait3A_291, %dma_wait3A_292] : memref<8x128x16xf32, #tpu.memory_space<vmem>> -> memref<1x128x16xf32, #tpu.memory_space<vmem>>
      %dma_wait3A_294 = tpu.memref_squeeze %dma_wait3A_293 : memref<1x128x16xf32, #tpu.memory_space<vmem>> -> memref<128x16xf32, #tpu.memory_space<vmem>>
      %dma_wait3A_295 = arith.constant 0 : i32
      %dma_wait3A_296 = tpu.memref_slice %arg5[%add3A_90, %dma_wait3A_295] : memref<40x128xi32, #tpu.memory_space<vmem>> -> memref<1x128xi32, #tpu.memory_space<vmem>>
      %dma_wait3A_297 = tpu.memref_squeeze %dma_wait3A_296 : memref<1x128xi32, #tpu.memory_space<vmem>> -> memref<128xi32, #tpu.memory_space<vmem>>
      %dma_wait3A_298 = arith.constant 0 : i32
      %dma_wait3A_299 = arith.constant 0 : i32
      %dma_wait3A_300 = tpu.memref_slice %arg2[%dma_wait3A_298, %dma_wait3A_299] : memref<32768x16xf32, #tpu.memory_space<hbm>> -> memref<32768x16xf32, #tpu.memory_space<hbm>>
      tpu.wait_indirect_dma semaphore(%arg7 : memref<!tpu.dma_semaphore, #tpu.memory_space<semaphore_mem>>) src(%dma_wait3A_300 : memref<32768x16xf32, #tpu.memory_space<hbm>>) dst(%dma_wait3A_294 : memref<128x16xf32, #tpu.memory_space<vmem>>)
      %mul3A_301 = arith.constant 128 : i32
      %mul3A_302 = arith.muli %add3A_289, %mul3A_301 : i32
      %add3A_303 = arith.addi %mul3A_4, %mul3A_302 : i32
      %dma_start3A_304 = arith.constant 5 : i32
      %dma_start3A_305 = arith.constant 0 : i32
      %dma_start3A_306 = arith.constant 0 : i32
      %dma_start3A_307 = tpu.memref_slice %arg6[%dma_start3A_304, %dma_start3A_305, %dma_start3A_306] : memref<8x128x16xf32, #tpu.memory_space<vmem>> -> memref<1x128x16xf32, #tpu.memory_space<vmem>>
      %dma_start3A_308 = tpu.memref_squeeze %dma_start3A_307 : memref<1x128x16xf32, #tpu.memory_space<vmem>> -> memref<128x16xf32, #tpu.memory_space<vmem>>
      %dma_start3A_309 = arith.constant 0 : i32
      %dma_start3A_310 = tpu.memref_slice %arg4[%add3A_303, %dma_start3A_309] : memref<163840x16xf32, #tpu.memory_space<hbm>> -> memref<128x16xf32, #tpu.memory_space<hbm>>
      %dma_start3A_311 = arith.constant 0 : i32
      %dma_start3A_312 = tpu.memref_slice %arg4[%add3A_303, %dma_start3A_311] : memref<163840x16xf32, #tpu.memory_space<hbm>> -> memref<128x16xf32, #tpu.memory_space<hbm>>
      %dma_start3A_313 = arith.constant 0 : i32
      %dma_start3A_314 = arith.constant 0 : i32
      %dma_start3A_315 = tpu.memref_slice %arg6[%dma_start3A_304, %dma_start3A_313, %dma_start3A_314] : memref<8x128x16xf32, #tpu.memory_space<vmem>> -> memref<1x128x16xf32, #tpu.memory_space<vmem>>
      %dma_start3A_316 = tpu.memref_squeeze %dma_start3A_315 : memref<1x128x16xf32, #tpu.memory_space<vmem>> -> memref<128x16xf32, #tpu.memory_space<vmem>>
      tpu.enqueue_dma source(%dma_start3A_316 : memref<128x16xf32, #tpu.memory_space<vmem>>) target(%dma_start3A_312 : memref<128x16xf32, #tpu.memory_space<hbm>>) target_semaphore(%arg8 : memref<!tpu.dma_semaphore, #tpu.memory_space<semaphore_mem>>)
      %mul3A_317 = arith.constant 8 : i32
      %mul3A_318 = arith.muli %scan3A_11, %mul3A_317 : i32
      %add3A_319 = arith.constant 6 : i32
      %add3A_320 = arith.addi %mul3A_318, %add3A_319 : i32
      %dma_wait3A_321 = arith.constant 6 : i32
      %dma_wait3A_322 = arith.constant 0 : i32
      %dma_wait3A_323 = arith.constant 0 : i32
      %dma_wait3A_324 = tpu.memref_slice %arg6[%dma_wait3A_321, %dma_wait3A_322, %dma_wait3A_323] : memref<8x128x16xf32, #tpu.memory_space<vmem>> -> memref<1x128x16xf32, #tpu.memory_space<vmem>>
      %dma_wait3A_325 = tpu.memref_squeeze %dma_wait3A_324 : memref<1x128x16xf32, #tpu.memory_space<vmem>> -> memref<128x16xf32, #tpu.memory_space<vmem>>
      %dma_wait3A_326 = arith.constant 0 : i32
      %dma_wait3A_327 = tpu.memref_slice %arg5[%add3A_105, %dma_wait3A_326] : memref<40x128xi32, #tpu.memory_space<vmem>> -> memref<1x128xi32, #tpu.memory_space<vmem>>
      %dma_wait3A_328 = tpu.memref_squeeze %dma_wait3A_327 : memref<1x128xi32, #tpu.memory_space<vmem>> -> memref<128xi32, #tpu.memory_space<vmem>>
      %dma_wait3A_329 = arith.constant 0 : i32
      %dma_wait3A_330 = arith.constant 0 : i32
      %dma_wait3A_331 = tpu.memref_slice %arg2[%dma_wait3A_329, %dma_wait3A_330] : memref<32768x16xf32, #tpu.memory_space<hbm>> -> memref<32768x16xf32, #tpu.memory_space<hbm>>
      tpu.wait_indirect_dma semaphore(%arg7 : memref<!tpu.dma_semaphore, #tpu.memory_space<semaphore_mem>>) src(%dma_wait3A_331 : memref<32768x16xf32, #tpu.memory_space<hbm>>) dst(%dma_wait3A_325 : memref<128x16xf32, #tpu.memory_space<vmem>>)
      %mul3A_332 = arith.constant 128 : i32
      %mul3A_333 = arith.muli %add3A_320, %mul3A_332 : i32
      %add3A_334 = arith.addi %mul3A_4, %mul3A_333 : i32
      %dma_start3A_335 = arith.constant 6 : i32
      %dma_start3A_336 = arith.constant 0 : i32
      %dma_start3A_337 = arith.constant 0 : i32
      %dma_start3A_338 = tpu.memref_slice %arg6[%dma_start3A_335, %dma_start3A_336, %dma_start3A_337] : memref<8x128x16xf32, #tpu.memory_space<vmem>> -> memref<1x128x16xf32, #tpu.memory_space<vmem>>
      %dma_start3A_339 = tpu.memref_squeeze %dma_start3A_338 : memref<1x128x16xf32, #tpu.memory_space<vmem>> -> memref<128x16xf32, #tpu.memory_space<vmem>>
      %dma_start3A_340 = arith.constant 0 : i32
      %dma_start3A_341 = tpu.memref_slice %arg4[%add3A_334, %dma_start3A_340] : memref<163840x16xf32, #tpu.memory_space<hbm>> -> memref<128x16xf32, #tpu.memory_space<hbm>>
      %dma_start3A_342 = arith.constant 0 : i32
      %dma_start3A_343 = tpu.memref_slice %arg4[%add3A_334, %dma_start3A_342] : memref<163840x16xf32, #tpu.memory_space<hbm>> -> memref<128x16xf32, #tpu.memory_space<hbm>>
      %dma_start3A_344 = arith.constant 0 : i32
      %dma_start3A_345 = arith.constant 0 : i32
      %dma_start3A_346 = tpu.memref_slice %arg6[%dma_start3A_335, %dma_start3A_344, %dma_start3A_345] : memref<8x128x16xf32, #tpu.memory_space<vmem>> -> memref<1x128x16xf32, #tpu.memory_space<vmem>>
      %dma_start3A_347 = tpu.memref_squeeze %dma_start3A_346 : memref<1x128x16xf32, #tpu.memory_space<vmem>> -> memref<128x16xf32, #tpu.memory_space<vmem>>
      tpu.enqueue_dma source(%dma_start3A_347 : memref<128x16xf32, #tpu.memory_space<vmem>>) target(%dma_start3A_343 : memref<128x16xf32, #tpu.memory_space<hbm>>) target_semaphore(%arg8 : memref<!tpu.dma_semaphore, #tpu.memory_space<semaphore_mem>>)
      %mul3A_348 = arith.constant 8 : i32
      %mul3A_349 = arith.muli %scan3A_11, %mul3A_348 : i32
      %add3A_350 = arith.constant 7 : i32
      %add3A_351 = arith.addi %mul3A_349, %add3A_350 : i32
      %dma_wait3A_352 = arith.constant 7 : i32
      %dma_wait3A_353 = arith.constant 0 : i32
      %dma_wait3A_354 = arith.constant 0 : i32
      %dma_wait3A_355 = tpu.memref_slice %arg6[%dma_wait3A_352, %dma_wait3A_353, %dma_wait3A_354] : memref<8x128x16xf32, #tpu.memory_space<vmem>> -> memref<1x128x16xf32, #tpu.memory_space<vmem>>
      %dma_wait3A_356 = tpu.memref_squeeze %dma_wait3A_355 : memref<1x128x16xf32, #tpu.memory_space<vmem>> -> memref<128x16xf32, #tpu.memory_space<vmem>>
      %dma_wait3A_357 = arith.constant 0 : i32
      %dma_wait3A_358 = tpu.memref_slice %arg5[%add3A_120, %dma_wait3A_357] : memref<40x128xi32, #tpu.memory_space<vmem>> -> memref<1x128xi32, #tpu.memory_space<vmem>>
      %dma_wait3A_359 = tpu.memref_squeeze %dma_wait3A_358 : memref<1x128xi32, #tpu.memory_space<vmem>> -> memref<128xi32, #tpu.memory_space<vmem>>
      %dma_wait3A_360 = arith.constant 0 : i32
      %dma_wait3A_361 = arith.constant 0 : i32
      %dma_wait3A_362 = tpu.memref_slice %arg2[%dma_wait3A_360, %dma_wait3A_361] : memref<32768x16xf32, #tpu.memory_space<hbm>> -> memref<32768x16xf32, #tpu.memory_space<hbm>>
      tpu.wait_indirect_dma semaphore(%arg7 : memref<!tpu.dma_semaphore, #tpu.memory_space<semaphore_mem>>) src(%dma_wait3A_362 : memref<32768x16xf32, #tpu.memory_space<hbm>>) dst(%dma_wait3A_356 : memref<128x16xf32, #tpu.memory_space<vmem>>)
      %mul3A_363 = arith.constant 128 : i32
      %mul3A_364 = arith.muli %add3A_351, %mul3A_363 : i32
      %add3A_365 = arith.addi %mul3A_4, %mul3A_364 : i32
      %dma_start3A_366 = arith.constant 7 : i32
      %dma_start3A_367 = arith.constant 0 : i32
      %dma_start3A_368 = arith.constant 0 : i32
      %dma_start3A_369 = tpu.memref_slice %arg6[%dma_start3A_366, %dma_start3A_367, %dma_start3A_368] : memref<8x128x16xf32, #tpu.memory_space<vmem>> -> memref<1x128x16xf32, #tpu.memory_space<vmem>>
      %dma_start3A_370 = tpu.memref_squeeze %dma_start3A_369 : memref<1x128x16xf32, #tpu.memory_space<vmem>> -> memref<128x16xf32, #tpu.memory_space<vmem>>
      %dma_start3A_371 = arith.constant 0 : i32
      %dma_start3A_372 = tpu.memref_slice %arg4[%add3A_365, %dma_start3A_371] : memref<163840x16xf32, #tpu.memory_space<hbm>> -> memref<128x16xf32, #tpu.memory_space<hbm>>
      %dma_start3A_373 = arith.constant 0 : i32
      %dma_start3A_374 = tpu.memref_slice %arg4[%add3A_365, %dma_start3A_373] : memref<163840x16xf32, #tpu.memory_space<hbm>> -> memref<128x16xf32, #tpu.memory_space<hbm>>
      %dma_start3A_375 = arith.constant 0 : i32
      %dma_start3A_376 = arith.constant 0 : i32
      %dma_start3A_377 = tpu.memref_slice %arg6[%dma_start3A_366, %dma_start3A_375, %dma_start3A_376] : memref<8x128x16xf32, #tpu.memory_space<vmem>> -> memref<1x128x16xf32, #tpu.memory_space<vmem>>
      %dma_start3A_378 = tpu.memref_squeeze %dma_start3A_377 : memref<1x128x16xf32, #tpu.memory_space<vmem>> -> memref<128x16xf32, #tpu.memory_space<vmem>>
      tpu.enqueue_dma source(%dma_start3A_378 : memref<128x16xf32, #tpu.memory_space<vmem>>) target(%dma_start3A_374 : memref<128x16xf32, #tpu.memory_space<hbm>>) target_semaphore(%arg8 : memref<!tpu.dma_semaphore, #tpu.memory_space<semaphore_mem>>)
      %dma_wait3A_379 = arith.constant 0 : i32
      %dma_wait3A_380 = arith.constant 0 : i32
      %dma_wait3A_381 = arith.constant 0 : i32
      %dma_wait3A_382 = tpu.memref_slice %arg6[%dma_wait3A_379, %dma_wait3A_380, %dma_wait3A_381] : memref<8x128x16xf32, #tpu.memory_space<vmem>> -> memref<1x128x16xf32, #tpu.memory_space<vmem>>
      %dma_wait3A_383 = tpu.memref_squeeze %dma_wait3A_382 : memref<1x128x16xf32, #tpu.memory_space<vmem>> -> memref<128x16xf32, #tpu.memory_space<vmem>>
      %dma_wait3A_384 = arith.constant 0 : i32
      %dma_wait3A_385 = tpu.memref_slice %arg4[%add3A_148, %dma_wait3A_384] : memref<163840x16xf32, #tpu.memory_space<hbm>> -> memref<128x16xf32, #tpu.memory_space<hbm>>
      %dma_wait3A_386 = arith.constant 0 : i32
      %dma_wait3A_387 = tpu.memref_slice %arg4[%add3A_148, %dma_wait3A_386] : memref<163840x16xf32, #tpu.memory_space<hbm>> -> memref<128x16xf32, #tpu.memory_space<hbm>>
      %dma_wait3A_388 = arith.constant 0 : i32
      %dma_wait3A_389 = arith.constant 0 : i32
      %dma_wait3A_390 = tpu.memref_slice %arg6[%dma_wait3A_379, %dma_wait3A_388, %dma_wait3A_389] : memref<8x128x16xf32, #tpu.memory_space<vmem>> -> memref<1x128x16xf32, #tpu.memory_space<vmem>>
      %dma_wait3A_391 = tpu.memref_squeeze %dma_wait3A_390 : memref<1x128x16xf32, #tpu.memory_space<vmem>> -> memref<128x16xf32, #tpu.memory_space<vmem>>
      tpu.wait_dma2 semaphore(%arg8 : memref<!tpu.dma_semaphore, #tpu.memory_space<semaphore_mem>>) src(%dma_wait3A_391 : memref<128x16xf32, #tpu.memory_space<vmem>>) dst(%dma_wait3A_387 : memref<128x16xf32, #tpu.memory_space<hbm>>)
      %dma_wait3A_392 = arith.constant 1 : i32
      %dma_wait3A_393 = arith.constant 0 : i32
      %dma_wait3A_394 = arith.constant 0 : i32
      %dma_wait3A_395 = tpu.memref_slice %arg6[%dma_wait3A_392, %dma_wait3A_393, %dma_wait3A_394] : memref<8x128x16xf32, #tpu.memory_space<vmem>> -> memref<1x128x16xf32, #tpu.memory_space<vmem>>
      %dma_wait3A_396 = tpu.memref_squeeze %dma_wait3A_395 : memref<1x128x16xf32, #tpu.memory_space<vmem>> -> memref<128x16xf32, #tpu.memory_space<vmem>>
      %dma_wait3A_397 = arith.constant 0 : i32
      %dma_wait3A_398 = tpu.memref_slice %arg4[%add3A_179, %dma_wait3A_397] : memref<163840x16xf32, #tpu.memory_space<hbm>> -> memref<128x16xf32, #tpu.memory_space<hbm>>
      %dma_wait3A_399 = arith.constant 0 : i32
      %dma_wait3A_400 = tpu.memref_slice %arg4[%add3A_179, %dma_wait3A_399] : memref<163840x16xf32, #tpu.memory_space<hbm>> -> memref<128x16xf32, #tpu.memory_space<hbm>>
      %dma_wait3A_401 = arith.constant 0 : i32
      %dma_wait3A_402 = arith.constant 0 : i32
      %dma_wait3A_403 = tpu.memref_slice %arg6[%dma_wait3A_392, %dma_wait3A_401, %dma_wait3A_402] : memref<8x128x16xf32, #tpu.memory_space<vmem>> -> memref<1x128x16xf32, #tpu.memory_space<vmem>>
      %dma_wait3A_404 = tpu.memref_squeeze %dma_wait3A_403 : memref<1x128x16xf32, #tpu.memory_space<vmem>> -> memref<128x16xf32, #tpu.memory_space<vmem>>
      tpu.wait_dma2 semaphore(%arg8 : memref<!tpu.dma_semaphore, #tpu.memory_space<semaphore_mem>>) src(%dma_wait3A_404 : memref<128x16xf32, #tpu.memory_space<vmem>>) dst(%dma_wait3A_400 : memref<128x16xf32, #tpu.memory_space<hbm>>)
      %dma_wait3A_405 = arith.constant 2 : i32
      %dma_wait3A_406 = arith.constant 0 : i32
      %dma_wait3A_407 = arith.constant 0 : i32
      %dma_wait3A_408 = tpu.memref_slice %arg6[%dma_wait3A_405, %dma_wait3A_406, %dma_wait3A_407] : memref<8x128x16xf32, #tpu.memory_space<vmem>> -> memref<1x128x16xf32, #tpu.memory_space<vmem>>
      %dma_wait3A_409 = tpu.memref_squeeze %dma_wait3A_408 : memref<1x128x16xf32, #tpu.memory_space<vmem>> -> memref<128x16xf32, #tpu.memory_space<vmem>>
      %dma_wait3A_410 = arith.constant 0 : i32
      %dma_wait3A_411 = tpu.memref_slice %arg4[%add3A_210, %dma_wait3A_410] : memref<163840x16xf32, #tpu.memory_space<hbm>> -> memref<128x16xf32, #tpu.memory_space<hbm>>
      %dma_wait3A_412 = arith.constant 0 : i32
      %dma_wait3A_413 = tpu.memref_slice %arg4[%add3A_210, %dma_wait3A_412] : memref<163840x16xf32, #tpu.memory_space<hbm>> -> memref<128x16xf32, #tpu.memory_space<hbm>>
      %dma_wait3A_414 = arith.constant 0 : i32
      %dma_wait3A_415 = arith.constant 0 : i32
      %dma_wait3A_416 = tpu.memref_slice %arg6[%dma_wait3A_405, %dma_wait3A_414, %dma_wait3A_415] : memref<8x128x16xf32, #tpu.memory_space<vmem>> -> memref<1x128x16xf32, #tpu.memory_space<vmem>>
      %dma_wait3A_417 = tpu.memref_squeeze %dma_wait3A_416 : memref<1x128x16xf32, #tpu.memory_space<vmem>> -> memref<128x16xf32, #tpu.memory_space<vmem>>
      tpu.wait_dma2 semaphore(%arg8 : memref<!tpu.dma_semaphore, #tpu.memory_space<semaphore_mem>>) src(%dma_wait3A_417 : memref<128x16xf32, #tpu.memory_space<vmem>>) dst(%dma_wait3A_413 : memref<128x16xf32, #tpu.memory_space<hbm>>)
      %dma_wait3A_418 = arith.constant 3 : i32
      %dma_wait3A_419 = arith.constant 0 : i32
      %dma_wait3A_420 = arith.constant 0 : i32
      %dma_wait3A_421 = tpu.memref_slice %arg6[%dma_wait3A_418, %dma_wait3A_419, %dma_wait3A_420] : memref<8x128x16xf32, #tpu.memory_space<vmem>> -> memref<1x128x16xf32, #tpu.memory_space<vmem>>
      %dma_wait3A_422 = tpu.memref_squeeze %dma_wait3A_421 : memref<1x128x16xf32, #tpu.memory_space<vmem>> -> memref<128x16xf32, #tpu.memory_space<vmem>>
      %dma_wait3A_423 = arith.constant 0 : i32
      %dma_wait3A_424 = tpu.memref_slice %arg4[%add3A_241, %dma_wait3A_423] : memref<163840x16xf32, #tpu.memory_space<hbm>> -> memref<128x16xf32, #tpu.memory_space<hbm>>
      %dma_wait3A_425 = arith.constant 0 : i32
      %dma_wait3A_426 = tpu.memref_slice %arg4[%add3A_241, %dma_wait3A_425] : memref<163840x16xf32, #tpu.memory_space<hbm>> -> memref<128x16xf32, #tpu.memory_space<hbm>>
      %dma_wait3A_427 = arith.constant 0 : i32
      %dma_wait3A_428 = arith.constant 0 : i32
      %dma_wait3A_429 = tpu.memref_slice %arg6[%dma_wait3A_418, %dma_wait3A_427, %dma_wait3A_428] : memref<8x128x16xf32, #tpu.memory_space<vmem>> -> memref<1x128x16xf32, #tpu.memory_space<vmem>>
      %dma_wait3A_430 = tpu.memref_squeeze %dma_wait3A_429 : memref<1x128x16xf32, #tpu.memory_space<vmem>> -> memref<128x16xf32, #tpu.memory_space<vmem>>
      tpu.wait_dma2 semaphore(%arg8 : memref<!tpu.dma_semaphore, #tpu.memory_space<semaphore_mem>>) src(%dma_wait3A_430 : memref<128x16xf32, #tpu.memory_space<vmem>>) dst(%dma_wait3A_426 : memref<128x16xf32, #tpu.memory_space<hbm>>)
      %dma_wait3A_431 = arith.constant 4 : i32
      %dma_wait3A_432 = arith.constant 0 : i32
      %dma_wait3A_433 = arith.constant 0 : i32
      %dma_wait3A_434 = tpu.memref_slice %arg6[%dma_wait3A_431, %dma_wait3A_432, %dma_wait3A_433] : memref<8x128x16xf32, #tpu.memory_space<vmem>> -> memref<1x128x16xf32, #tpu.memory_space<vmem>>
      %dma_wait3A_435 = tpu.memref_squeeze %dma_wait3A_434 : memref<1x128x16xf32, #tpu.memory_space<vmem>> -> memref<128x16xf32, #tpu.memory_space<vmem>>
      %dma_wait3A_436 = arith.constant 0 : i32
      %dma_wait3A_437 = tpu.memref_slice %arg4[%add3A_272, %dma_wait3A_436] : memref<163840x16xf32, #tpu.memory_space<hbm>> -> memref<128x16xf32, #tpu.memory_space<hbm>>
      %dma_wait3A_438 = arith.constant 0 : i32
      %dma_wait3A_439 = tpu.memref_slice %arg4[%add3A_272, %dma_wait3A_438] : memref<163840x16xf32, #tpu.memory_space<hbm>> -> memref<128x16xf32, #tpu.memory_space<hbm>>
      %dma_wait3A_440 = arith.constant 0 : i32
      %dma_wait3A_441 = arith.constant 0 : i32
      %dma_wait3A_442 = tpu.memref_slice %arg6[%dma_wait3A_431, %dma_wait3A_440, %dma_wait3A_441] : memref<8x128x16xf32, #tpu.memory_space<vmem>> -> memref<1x128x16xf32, #tpu.memory_space<vmem>>
      %dma_wait3A_443 = tpu.memref_squeeze %dma_wait3A_442 : memref<1x128x16xf32, #tpu.memory_space<vmem>> -> memref<128x16xf32, #tpu.memory_space<vmem>>
      tpu.wait_dma2 semaphore(%arg8 : memref<!tpu.dma_semaphore, #tpu.memory_space<semaphore_mem>>) src(%dma_wait3A_443 : memref<128x16xf32, #tpu.memory_space<vmem>>) dst(%dma_wait3A_439 : memref<128x16xf32, #tpu.memory_space<hbm>>)
      %dma_wait3A_444 = arith.constant 5 : i32
      %dma_wait3A_445 = arith.constant 0 : i32
      %dma_wait3A_446 = arith.constant 0 : i32
      %dma_wait3A_447 = tpu.memref_slice %arg6[%dma_wait3A_444, %dma_wait3A_445, %dma_wait3A_446] : memref<8x128x16xf32, #tpu.memory_space<vmem>> -> memref<1x128x16xf32, #tpu.memory_space<vmem>>
      %dma_wait3A_448 = tpu.memref_squeeze %dma_wait3A_447 : memref<1x128x16xf32, #tpu.memory_space<vmem>> -> memref<128x16xf32, #tpu.memory_space<vmem>>
      %dma_wait3A_449 = arith.constant 0 : i32
      %dma_wait3A_450 = tpu.memref_slice %arg4[%add3A_303, %dma_wait3A_449] : memref<163840x16xf32, #tpu.memory_space<hbm>> -> memref<128x16xf32, #tpu.memory_space<hbm>>
      %dma_wait3A_451 = arith.constant 0 : i32
      %dma_wait3A_452 = tpu.memref_slice %arg4[%add3A_303, %dma_wait3A_451] : memref<163840x16xf32, #tpu.memory_space<hbm>> -> memref<128x16xf32, #tpu.memory_space<hbm>>
      %dma_wait3A_453 = arith.constant 0 : i32
      %dma_wait3A_454 = arith.constant 0 : i32
      %dma_wait3A_455 = tpu.memref_slice %arg6[%dma_wait3A_444, %dma_wait3A_453, %dma_wait3A_454] : memref<8x128x16xf32, #tpu.memory_space<vmem>> -> memref<1x128x16xf32, #tpu.memory_space<vmem>>
      %dma_wait3A_456 = tpu.memref_squeeze %dma_wait3A_455 : memref<1x128x16xf32, #tpu.memory_space<vmem>> -> memref<128x16xf32, #tpu.memory_space<vmem>>
      tpu.wait_dma2 semaphore(%arg8 : memref<!tpu.dma_semaphore, #tpu.memory_space<semaphore_mem>>) src(%dma_wait3A_456 : memref<128x16xf32, #tpu.memory_space<vmem>>) dst(%dma_wait3A_452 : memref<128x16xf32, #tpu.memory_space<hbm>>)
      %dma_wait3A_457 = arith.constant 6 : i32
      %dma_wait3A_458 = arith.constant 0 : i32
      %dma_wait3A_459 = arith.constant 0 : i32
      %dma_wait3A_460 = tpu.memref_slice %arg6[%dma_wait3A_457, %dma_wait3A_458, %dma_wait3A_459] : memref<8x128x16xf32, #tpu.memory_space<vmem>> -> memref<1x128x16xf32, #tpu.memory_space<vmem>>
      %dma_wait3A_461 = tpu.memref_squeeze %dma_wait3A_460 : memref<1x128x16xf32, #tpu.memory_space<vmem>> -> memref<128x16xf32, #tpu.memory_space<vmem>>
      %dma_wait3A_462 = arith.constant 0 : i32
      %dma_wait3A_463 = tpu.memref_slice %arg4[%add3A_334, %dma_wait3A_462] : memref<163840x16xf32, #tpu.memory_space<hbm>> -> memref<128x16xf32, #tpu.memory_space<hbm>>
      %dma_wait3A_464 = arith.constant 0 : i32
      %dma_wait3A_465 = tpu.memref_slice %arg4[%add3A_334, %dma_wait3A_464] : memref<163840x16xf32, #tpu.memory_space<hbm>> -> memref<128x16xf32, #tpu.memory_space<hbm>>
      %dma_wait3A_466 = arith.constant 0 : i32
      %dma_wait3A_467 = arith.constant 0 : i32
      %dma_wait3A_468 = tpu.memref_slice %arg6[%dma_wait3A_457, %dma_wait3A_466, %dma_wait3A_467] : memref<8x128x16xf32, #tpu.memory_space<vmem>> -> memref<1x128x16xf32, #tpu.memory_space<vmem>>
      %dma_wait3A_469 = tpu.memref_squeeze %dma_wait3A_468 : memref<1x128x16xf32, #tpu.memory_space<vmem>> -> memref<128x16xf32, #tpu.memory_space<vmem>>
      tpu.wait_dma2 semaphore(%arg8 : memref<!tpu.dma_semaphore, #tpu.memory_space<semaphore_mem>>) src(%dma_wait3A_469 : memref<128x16xf32, #tpu.memory_space<vmem>>) dst(%dma_wait3A_465 : memref<128x16xf32, #tpu.memory_space<hbm>>)
      %dma_wait3A_470 = arith.constant 7 : i32
      %dma_wait3A_471 = arith.constant 0 : i32
      %dma_wait3A_472 = arith.constant 0 : i32
      %dma_wait3A_473 = tpu.memref_slice %arg6[%dma_wait3A_470, %dma_wait3A_471, %dma_wait3A_472] : memref<8x128x16xf32, #tpu.memory_space<vmem>> -> memref<1x128x16xf32, #tpu.memory_space<vmem>>
      %dma_wait3A_474 = tpu.memref_squeeze %dma_wait3A_473 : memref<1x128x16xf32, #tpu.memory_space<vmem>> -> memref<128x16xf32, #tpu.memory_space<vmem>>
      %dma_wait3A_475 = arith.constant 0 : i32
      %dma_wait3A_476 = tpu.memref_slice %arg4[%add3A_365, %dma_wait3A_475] : memref<163840x16xf32, #tpu.memory_space<hbm>> -> memref<128x16xf32, #tpu.memory_space<hbm>>
      %dma_wait3A_477 = arith.constant 0 : i32
      %dma_wait3A_478 = tpu.memref_slice %arg4[%add3A_365, %dma_wait3A_477] : memref<163840x16xf32, #tpu.memory_space<hbm>> -> memref<128x16xf32, #tpu.memory_space<hbm>>
      %dma_wait3A_479 = arith.constant 0 : i32
      %dma_wait3A_480 = arith.constant 0 : i32
      %dma_wait3A_481 = tpu.memref_slice %arg6[%dma_wait3A_470, %dma_wait3A_479, %dma_wait3A_480] : memref<8x128x16xf32, #tpu.memory_space<vmem>> -> memref<1x128x16xf32, #tpu.memory_space<vmem>>
      %dma_wait3A_482 = tpu.memref_squeeze %dma_wait3A_481 : memref<1x128x16xf32, #tpu.memory_space<vmem>> -> memref<128x16xf32, #tpu.memory_space<vmem>>
      tpu.wait_dma2 semaphore(%arg8 : memref<!tpu.dma_semaphore, #tpu.memory_space<semaphore_mem>>) src(%dma_wait3A_482 : memref<128x16xf32, #tpu.memory_space<vmem>>) dst(%dma_wait3A_478 : memref<128x16xf32, #tpu.memory_space<hbm>>)
      %scan3A_483 = arith.constant 0 : i32
      scf.yield %scan3A_483 : i32
    }
    %scan3A_10 = arith.constant 5 : i32
    return
  }
}

module attributes {stable_mosaic.version = 14 : i64} {
  func.func @_knn_body(%arg0: i32, %arg1: i32, %arg2: memref<1x3x2048xf32, #tpu.memory_space<vmem>>, %arg3: memref<1x2048x3xf32, #tpu.memory_space<vmem>>, %arg4: memref<1x3x512xf32, #tpu.memory_space<vmem>>, %arg5: memref<1x10x512xi32, #tpu.memory_space<vmem>>) attributes {dimension_semantics = [#tpu.dimension_semantics<arbitrary>, #tpu.dimension_semantics<arbitrary>], iteration_bounds = array<i64: 8, 4>, scalar_prefetch = 0 : i64, scratch_operands = 0 : i64, tpu.core_type = #tpu.core_type<tc>, window_params = [{transform_indices = @transform_0, window_bounds = array<i64: 1, 3, 2048>}, {transform_indices = @transform_1, window_bounds = array<i64: 1, 2048, 3>}, {transform_indices = @transform_2, window_bounds = array<i64: 1, 3, 512>}, {transform_indices = @transform_3, window_bounds = array<i64: 1, 10, 512>}]} {
    %get3A = arith.constant 0 : index
    %get3A_0 = arith.constant 0 : index
    %get3A_1 = arith.constant 0 : index
    %get3A_2 = vector.load %arg2[%get3A, %get3A_0, %get3A_1] : memref<1x3x2048xf32, #tpu.memory_space<vmem>>, vector<1x3x2048xf32>
    %get3A_3 = vector.shape_cast %get3A_2 : vector<1x3x2048xf32> to vector<3x2048xf32>
    %get3A_4 = arith.constant 0 : index
    %get3A_5 = arith.constant 0 : index
    %get3A_6 = arith.constant 0 : index
    %get3A_7 = vector.load %arg3[%get3A_4, %get3A_5, %get3A_6] : memref<1x2048x3xf32, #tpu.memory_space<vmem>>, vector<1x2048x3xf32>
    %get3A_8 = vector.shape_cast %get3A_7 : vector<1x2048x3xf32> to vector<2048x3xf32>
    %get3A_9 = arith.constant 0 : index
    %get3A_10 = arith.constant 0 : index
    %get3A_11 = arith.constant 0 : index
    %get3A_12 = vector.load %arg4[%get3A_9, %get3A_10, %get3A_11] : memref<1x3x512xf32, #tpu.memory_space<vmem>>, vector<1x3x512xf32>
    %get3A_13 = vector.shape_cast %get3A_12 : vector<1x3x512xf32> to vector<3x512xf32>
    %dot_general3A = arith.constant dense<0.000000e+00> : vector<2048x512xf32>
    %dot_general3A_14 = tpu.matmul %get3A_3, %get3A_13, %dot_general3A {dimension_numbers = #tpu.dot_dimension_numbers<[0], [0], [1], [1], [0, 1, 1, 1], [], []>, transpose_lhs_hint = false} : vector<3x2048xf32>, vector<3x512xf32>, vector<2048x512xf32> -> vector<2048x512xf32>
    %mul3A = arith.mulf %get3A_8, %get3A_8 : vector<2048x3xf32>
    %reduce_sum3A = arith.constant dense<0.000000e+00> : vector<2048xf32>
    %reduce_sum3A_15 = vector.multi_reduction <add>, %mul3A, %reduce_sum3A [1] : vector<2048x3xf32> to vector<2048xf32>
    %broadcast_in_dim3A = vector.shape_cast %reduce_sum3A_15 : vector<2048xf32> to vector<2048x1xf32>
    %mul3A_16 = arith.mulf %get3A_13, %get3A_13 : vector<3x512xf32>
    %reduce_sum3A_17 = arith.constant dense<0.000000e+00> : vector<512xf32>
    %reduce_sum3A_18 = vector.multi_reduction <add>, %mul3A_16, %reduce_sum3A_17 [0] : vector<3x512xf32> to vector<512xf32>
    %broadcast_in_dim3A_19 = vector.shape_cast %reduce_sum3A_18 : vector<512xf32> to vector<1x512xf32>
    %mul3A_20 = arith.constant 2.000000e+00 : f32
    %mul3A_21 = vector.broadcast %mul3A_20 : f32 to vector<2048x512xf32>
    %mul3A_22 = arith.mulf %mul3A_21, %dot_general3A_14 : vector<2048x512xf32>
    %sub3A = vector.broadcast %broadcast_in_dim3A : vector<2048x1xf32> to vector<2048x512xf32>
    %sub3A_23 = arith.subf %mul3A_22, %sub3A : vector<2048x512xf32>
    %sub3A_24 = vector.broadcast %broadcast_in_dim3A_19 : vector<1x512xf32> to vector<2048x512xf32>
    %sub3A_25 = arith.subf %sub3A_23, %sub3A_24 : vector<2048x512xf32>
    %iota3A = tpu.iota {dimensions = array<i32: 0>} : vector<2048x512xi32>
    %argmax3A = tpu.reduce_index %sub3A_25 {axis = 0 : i32, kind = #tpu.reduction_kind<arg_max>} : vector<2048x512xf32> -> vector<512xi32>
    %reshape3A = vector.shape_cast %argmax3A : vector<512xi32> to vector<1x512xi32>
    %eq3A = vector.broadcast %reshape3A : vector<1x512xi32> to vector<2048x512xi32>
    %eq3A_26 = arith.cmpi eq, %iota3A, %eq3A : vector<2048x512xi32>
    %jit3A = arith.constant 0xFF800000 : f32
    %broadcast_in_dim3A_27 = vector.broadcast %jit3A : f32 to vector<2048x512xf32>
    %select_n3A = arith.select %eq3A_26, %broadcast_in_dim3A_27, %sub3A_25 : vector<2048x512xi1>, vector<2048x512xf32>
    %argmax3A_28 = tpu.reduce_index %select_n3A {axis = 0 : i32, kind = #tpu.reduction_kind<arg_max>} : vector<2048x512xf32> -> vector<512xi32>
    %reshape3A_29 = vector.shape_cast %argmax3A_28 : vector<512xi32> to vector<1x512xi32>
    %eq3A_30 = vector.broadcast %reshape3A_29 : vector<1x512xi32> to vector<2048x512xi32>
    %eq3A_31 = arith.cmpi eq, %iota3A, %eq3A_30 : vector<2048x512xi32>
    %jit3A_32 = arith.constant 0xFF800000 : f32
    %broadcast_in_dim3A_33 = vector.broadcast %jit3A_32 : f32 to vector<2048x512xf32>
    %select_n3A_34 = arith.select %eq3A_31, %broadcast_in_dim3A_33, %select_n3A : vector<2048x512xi1>, vector<2048x512xf32>
    %argmax3A_35 = tpu.reduce_index %select_n3A_34 {axis = 0 : i32, kind = #tpu.reduction_kind<arg_max>} : vector<2048x512xf32> -> vector<512xi32>
    %reshape3A_36 = vector.shape_cast %argmax3A_35 : vector<512xi32> to vector<1x512xi32>
    %eq3A_37 = vector.broadcast %reshape3A_36 : vector<1x512xi32> to vector<2048x512xi32>
    %eq3A_38 = arith.cmpi eq, %iota3A, %eq3A_37 : vector<2048x512xi32>
    %jit3A_39 = arith.constant 0xFF800000 : f32
    %broadcast_in_dim3A_40 = vector.broadcast %jit3A_39 : f32 to vector<2048x512xf32>
    %select_n3A_41 = arith.select %eq3A_38, %broadcast_in_dim3A_40, %select_n3A_34 : vector<2048x512xi1>, vector<2048x512xf32>
    %argmax3A_42 = tpu.reduce_index %select_n3A_41 {axis = 0 : i32, kind = #tpu.reduction_kind<arg_max>} : vector<2048x512xf32> -> vector<512xi32>
    %reshape3A_43 = vector.shape_cast %argmax3A_42 : vector<512xi32> to vector<1x512xi32>
    %eq3A_44 = vector.broadcast %reshape3A_43 : vector<1x512xi32> to vector<2048x512xi32>
    %eq3A_45 = arith.cmpi eq, %iota3A, %eq3A_44 : vector<2048x512xi32>
    %jit3A_46 = arith.constant 0xFF800000 : f32
    %broadcast_in_dim3A_47 = vector.broadcast %jit3A_46 : f32 to vector<2048x512xf32>
    %select_n3A_48 = arith.select %eq3A_45, %broadcast_in_dim3A_47, %select_n3A_41 : vector<2048x512xi1>, vector<2048x512xf32>
    %argmax3A_49 = tpu.reduce_index %select_n3A_48 {axis = 0 : i32, kind = #tpu.reduction_kind<arg_max>} : vector<2048x512xf32> -> vector<512xi32>
    %reshape3A_50 = vector.shape_cast %argmax3A_49 : vector<512xi32> to vector<1x512xi32>
    %eq3A_51 = vector.broadcast %reshape3A_50 : vector<1x512xi32> to vector<2048x512xi32>
    %eq3A_52 = arith.cmpi eq, %iota3A, %eq3A_51 : vector<2048x512xi32>
    %jit3A_53 = arith.constant 0xFF800000 : f32
    %broadcast_in_dim3A_54 = vector.broadcast %jit3A_53 : f32 to vector<2048x512xf32>
    %select_n3A_55 = arith.select %eq3A_52, %broadcast_in_dim3A_54, %select_n3A_48 : vector<2048x512xi1>, vector<2048x512xf32>
    %argmax3A_56 = tpu.reduce_index %select_n3A_55 {axis = 0 : i32, kind = #tpu.reduction_kind<arg_max>} : vector<2048x512xf32> -> vector<512xi32>
    %reshape3A_57 = vector.shape_cast %argmax3A_56 : vector<512xi32> to vector<1x512xi32>
    %eq3A_58 = vector.broadcast %reshape3A_57 : vector<1x512xi32> to vector<2048x512xi32>
    %eq3A_59 = arith.cmpi eq, %iota3A, %eq3A_58 : vector<2048x512xi32>
    %jit3A_60 = arith.constant 0xFF800000 : f32
    %broadcast_in_dim3A_61 = vector.broadcast %jit3A_60 : f32 to vector<2048x512xf32>
    %select_n3A_62 = arith.select %eq3A_59, %broadcast_in_dim3A_61, %select_n3A_55 : vector<2048x512xi1>, vector<2048x512xf32>
    %argmax3A_63 = tpu.reduce_index %select_n3A_62 {axis = 0 : i32, kind = #tpu.reduction_kind<arg_max>} : vector<2048x512xf32> -> vector<512xi32>
    %reshape3A_64 = vector.shape_cast %argmax3A_63 : vector<512xi32> to vector<1x512xi32>
    %eq3A_65 = vector.broadcast %reshape3A_64 : vector<1x512xi32> to vector<2048x512xi32>
    %eq3A_66 = arith.cmpi eq, %iota3A, %eq3A_65 : vector<2048x512xi32>
    %jit3A_67 = arith.constant 0xFF800000 : f32
    %broadcast_in_dim3A_68 = vector.broadcast %jit3A_67 : f32 to vector<2048x512xf32>
    %select_n3A_69 = arith.select %eq3A_66, %broadcast_in_dim3A_68, %select_n3A_62 : vector<2048x512xi1>, vector<2048x512xf32>
    %argmax3A_70 = tpu.reduce_index %select_n3A_69 {axis = 0 : i32, kind = #tpu.reduction_kind<arg_max>} : vector<2048x512xf32> -> vector<512xi32>
    %reshape3A_71 = vector.shape_cast %argmax3A_70 : vector<512xi32> to vector<1x512xi32>
    %eq3A_72 = vector.broadcast %reshape3A_71 : vector<1x512xi32> to vector<2048x512xi32>
    %eq3A_73 = arith.cmpi eq, %iota3A, %eq3A_72 : vector<2048x512xi32>
    %jit3A_74 = arith.constant 0xFF800000 : f32
    %broadcast_in_dim3A_75 = vector.broadcast %jit3A_74 : f32 to vector<2048x512xf32>
    %select_n3A_76 = arith.select %eq3A_73, %broadcast_in_dim3A_75, %select_n3A_69 : vector<2048x512xi1>, vector<2048x512xf32>
    %argmax3A_77 = tpu.reduce_index %select_n3A_76 {axis = 0 : i32, kind = #tpu.reduction_kind<arg_max>} : vector<2048x512xf32> -> vector<512xi32>
    %reshape3A_78 = vector.shape_cast %argmax3A_77 : vector<512xi32> to vector<1x512xi32>
    %eq3A_79 = vector.broadcast %reshape3A_78 : vector<1x512xi32> to vector<2048x512xi32>
    %eq3A_80 = arith.cmpi eq, %iota3A, %eq3A_79 : vector<2048x512xi32>
    %jit3A_81 = arith.constant 0xFF800000 : f32
    %broadcast_in_dim3A_82 = vector.broadcast %jit3A_81 : f32 to vector<2048x512xf32>
    %select_n3A_83 = arith.select %eq3A_80, %broadcast_in_dim3A_82, %select_n3A_76 : vector<2048x512xi1>, vector<2048x512xf32>
    %argmax3A_84 = tpu.reduce_index %select_n3A_83 {axis = 0 : i32, kind = #tpu.reduction_kind<arg_max>} : vector<2048x512xf32> -> vector<512xi32>
    %reshape3A_85 = vector.shape_cast %argmax3A_84 : vector<512xi32> to vector<1x512xi32>
    %concatenate3A = tpu.concatenate %reshape3A, %reshape3A_29, %reshape3A_36, %reshape3A_43, %reshape3A_50, %reshape3A_57, %reshape3A_64, %reshape3A_71, %reshape3A_78, %reshape3A_85 in 0 : vector<1x512xi32>, vector<1x512xi32>, vector<1x512xi32>, vector<1x512xi32>, vector<1x512xi32>, vector<1x512xi32>, vector<1x512xi32>, vector<1x512xi32>, vector<1x512xi32>, vector<1x512xi32> -> vector<10x512xi32>
    %add3A = arith.constant 0 : i32
    %add3A_86 = arith.addi %arg0, %add3A : i32
    %mul3A_87 = arith.constant 2048 : i32
    %mul3A_88 = arith.muli %add3A_86, %mul3A_87 : i32
    %add3A_89 = vector.broadcast %mul3A_88 : i32 to vector<10x512xi32>
    %add3A_90 = arith.addi %concatenate3A, %add3A_89 : vector<10x512xi32>
    %swap3A = arith.constant 0 : index
    %swap3A_91 = arith.constant 0 : index
    %swap3A_92 = arith.constant 0 : index
    %swap3A_93 = vector.load %arg5[%swap3A, %swap3A_91, %swap3A_92] : memref<1x10x512xi32, #tpu.memory_space<vmem>>, vector<1x10x512xi32>
    %swap3A_94 = vector.shape_cast %swap3A_93 : vector<1x10x512xi32> to vector<10x512xi32>
    %swap3A_95 = vector.shape_cast %add3A_90 : vector<10x512xi32> to vector<1x10x512xi32>
    tpu.vector_store %arg5[%swap3A, %swap3A_91, %swap3A_92], %swap3A_95 {strides = array<i32>} : memref<1x10x512xi32, #tpu.memory_space<vmem>>, vector<1x10x512xi32>,
    return
  }
  func.func @transform_0(%arg0: i32, %arg1: i32) -> (i32, i32, i32) {
    %c0_i32 = arith.constant 0 : i32
    %c0_i32_0 = arith.constant 0 : i32
    %c0_i32_1 = arith.constant 0 : i32
    return %arg0, %c0_i32, %c0_i32_0 : i32, i32, i32
  }
  func.func @transform_1(%arg0: i32, %arg1: i32) -> (i32, i32, i32) {
    %c0_i32 = arith.constant 0 : i32
    %c0_i32_0 = arith.constant 0 : i32
    %c0_i32_1 = arith.constant 0 : i32
    return %arg0, %c0_i32, %c0_i32_0 : i32, i32, i32
  }
  func.func @transform_2(%arg0: i32, %arg1: i32) -> (i32, i32, i32) {
    %c0_i32 = arith.constant 0 : i32
    %c0_i32_0 = arith.constant 0 : i32
    return %arg0, %c0_i32, %arg1 : i32, i32, i32
  }
  func.func @transform_3(%arg0: i32, %arg1: i32) -> (i32, i32, i32) {
    %c0_i32 = arith.constant 0 : i32
    %c0_i32_0 = arith.constant 0 : i32
    return %arg0, %c0_i32, %arg1 : i32, i32, i32
  }
}

module attributes {stable_mosaic.version = 14 : i64} {
  func.func @_knn_body(%arg0: i32, %arg1: i32, %arg2: memref<1x3x2048xf32, #tpu.memory_space<vmem>>, %arg3: memref<1x2048x3xf32, #tpu.memory_space<vmem>>, %arg4: memref<1x3x512xf32, #tpu.memory_space<vmem>>, %arg5: memref<1x10x512xi32, #tpu.memory_space<vmem>>) attributes {dimension_semantics = [#tpu.dimension_semantics<arbitrary>, #tpu.dimension_semantics<arbitrary>], iteration_bounds = array<i64: 8, 4>, scalar_prefetch = 0 : i64, scratch_operands = 0 : i64, tpu.core_type = #tpu.core_type<tc>, window_params = [{transform_indices = @transform_0, window_bounds = array<i64: 1, 3, 2048>}, {transform_indices = @transform_1, window_bounds = array<i64: 1, 2048, 3>}, {transform_indices = @transform_2, window_bounds = array<i64: 1, 3, 512>}, {transform_indices = @transform_3, window_bounds = array<i64: 1, 10, 512>}]} {
    %get3A = arith.constant 0 : index
    %get3A_0 = arith.constant 0 : index
    %get3A_1 = arith.constant 0 : index
    %get3A_2 = vector.load %arg2[%get3A, %get3A_0, %get3A_1] : memref<1x3x2048xf32, #tpu.memory_space<vmem>>, vector<1x3x2048xf32>
    %get3A_3 = vector.shape_cast %get3A_2 : vector<1x3x2048xf32> to vector<3x2048xf32>
    %get3A_4 = arith.constant 0 : index
    %get3A_5 = arith.constant 0 : index
    %get3A_6 = arith.constant 0 : index
    %get3A_7 = vector.load %arg3[%get3A_4, %get3A_5, %get3A_6] : memref<1x2048x3xf32, #tpu.memory_space<vmem>>, vector<1x2048x3xf32>
    %get3A_8 = vector.shape_cast %get3A_7 : vector<1x2048x3xf32> to vector<2048x3xf32>
    %get3A_9 = arith.constant 0 : index
    %get3A_10 = arith.constant 0 : index
    %get3A_11 = arith.constant 0 : index
    %get3A_12 = vector.load %arg4[%get3A_9, %get3A_10, %get3A_11] : memref<1x3x512xf32, #tpu.memory_space<vmem>>, vector<1x3x512xf32>
    %get3A_13 = vector.shape_cast %get3A_12 : vector<1x3x512xf32> to vector<3x512xf32>
    %dot_general3A = arith.constant dense<0.000000e+00> : vector<2048x512xf32>
    %dot_general3A_14 = tpu.matmul %get3A_3, %get3A_13, %dot_general3A {dimension_numbers = #tpu.dot_dimension_numbers<[0], [0], [1], [1], [0, 1, 1, 1], [], []>, transpose_lhs_hint = false} : vector<3x2048xf32>, vector<3x512xf32>, vector<2048x512xf32> -> vector<2048x512xf32>
    %mul3A = arith.mulf %get3A_8, %get3A_8 : vector<2048x3xf32>
    %reduce_sum3A = arith.constant dense<0.000000e+00> : vector<2048xf32>
    %reduce_sum3A_15 = vector.multi_reduction <add>, %mul3A, %reduce_sum3A [1] : vector<2048x3xf32> to vector<2048xf32>
    %broadcast_in_dim3A = vector.shape_cast %reduce_sum3A_15 : vector<2048xf32> to vector<2048x1xf32>
    %mul3A_16 = arith.mulf %get3A_13, %get3A_13 : vector<3x512xf32>
    %reduce_sum3A_17 = arith.constant dense<0.000000e+00> : vector<512xf32>
    %reduce_sum3A_18 = vector.multi_reduction <add>, %mul3A_16, %reduce_sum3A_17 [0] : vector<3x512xf32> to vector<512xf32>
    %broadcast_in_dim3A_19 = vector.shape_cast %reduce_sum3A_18 : vector<512xf32> to vector<1x512xf32>
    %mul3A_20 = arith.constant 2.000000e+00 : f32
    %mul3A_21 = vector.broadcast %mul3A_20 : f32 to vector<2048x512xf32>
    %mul3A_22 = arith.mulf %mul3A_21, %dot_general3A_14 : vector<2048x512xf32>
    %sub3A = vector.broadcast %broadcast_in_dim3A : vector<2048x1xf32> to vector<2048x512xf32>
    %sub3A_23 = arith.subf %mul3A_22, %sub3A : vector<2048x512xf32>
    %sub3A_24 = vector.broadcast %broadcast_in_dim3A_19 : vector<1x512xf32> to vector<2048x512xf32>
    %sub3A_25 = arith.subf %sub3A_23, %sub3A_24 : vector<2048x512xf32>
    %iota3A = tpu.iota {dimensions = array<i32: 0>} : vector<2048x512xi32>
    %argmax3A = tpu.reduce_index %sub3A_25 {axis = 0 : i32, kind = #tpu.reduction_kind<arg_max>} : vector<2048x512xf32> -> vector<512xi32>
    %reshape3A = vector.shape_cast %argmax3A : vector<512xi32> to vector<1x512xi32>
    %eq3A = vector.broadcast %reshape3A : vector<1x512xi32> to vector<2048x512xi32>
    %eq3A_26 = arith.cmpi eq, %iota3A, %eq3A : vector<2048x512xi32>
    %jit3A = arith.constant 0xFF800000 : f32
    %broadcast_in_dim3A_27 = vector.broadcast %jit3A : f32 to vector<2048x512xf32>
    %select_n3A = arith.select %eq3A_26, %broadcast_in_dim3A_27, %sub3A_25 : vector<2048x512xi1>, vector<2048x512xf32>
    %argmax3A_28 = tpu.reduce_index %select_n3A {axis = 0 : i32, kind = #tpu.reduction_kind<arg_max>} : vector<2048x512xf32> -> vector<512xi32>
    %reshape3A_29 = vector.shape_cast %argmax3A_28 : vector<512xi32> to vector<1x512xi32>
    %eq3A_30 = vector.broadcast %reshape3A_29 : vector<1x512xi32> to vector<2048x512xi32>
    %eq3A_31 = arith.cmpi eq, %iota3A, %eq3A_30 : vector<2048x512xi32>
    %jit3A_32 = arith.constant 0xFF800000 : f32
    %broadcast_in_dim3A_33 = vector.broadcast %jit3A_32 : f32 to vector<2048x512xf32>
    %select_n3A_34 = arith.select %eq3A_31, %broadcast_in_dim3A_33, %select_n3A : vector<2048x512xi1>, vector<2048x512xf32>
    %argmax3A_35 = tpu.reduce_index %select_n3A_34 {axis = 0 : i32, kind = #tpu.reduction_kind<arg_max>} : vector<2048x512xf32> -> vector<512xi32>
    %reshape3A_36 = vector.shape_cast %argmax3A_35 : vector<512xi32> to vector<1x512xi32>
    %eq3A_37 = vector.broadcast %reshape3A_36 : vector<1x512xi32> to vector<2048x512xi32>
    %eq3A_38 = arith.cmpi eq, %iota3A, %eq3A_37 : vector<2048x512xi32>
    %jit3A_39 = arith.constant 0xFF800000 : f32
    %broadcast_in_dim3A_40 = vector.broadcast %jit3A_39 : f32 to vector<2048x512xf32>
    %select_n3A_41 = arith.select %eq3A_38, %broadcast_in_dim3A_40, %select_n3A_34 : vector<2048x512xi1>, vector<2048x512xf32>
    %argmax3A_42 = tpu.reduce_index %select_n3A_41 {axis = 0 : i32, kind = #tpu.reduction_kind<arg_max>} : vector<2048x512xf32> -> vector<512xi32>
    %reshape3A_43 = vector.shape_cast %argmax3A_42 : vector<512xi32> to vector<1x512xi32>
    %eq3A_44 = vector.broadcast %reshape3A_43 : vector<1x512xi32> to vector<2048x512xi32>
    %eq3A_45 = arith.cmpi eq, %iota3A, %eq3A_44 : vector<2048x512xi32>
    %jit3A_46 = arith.constant 0xFF800000 : f32
    %broadcast_in_dim3A_47 = vector.broadcast %jit3A_46 : f32 to vector<2048x512xf32>
    %select_n3A_48 = arith.select %eq3A_45, %broadcast_in_dim3A_47, %select_n3A_41 : vector<2048x512xi1>, vector<2048x512xf32>
    %argmax3A_49 = tpu.reduce_index %select_n3A_48 {axis = 0 : i32, kind = #tpu.reduction_kind<arg_max>} : vector<2048x512xf32> -> vector<512xi32>
    %reshape3A_50 = vector.shape_cast %argmax3A_49 : vector<512xi32> to vector<1x512xi32>
    %eq3A_51 = vector.broadcast %reshape3A_50 : vector<1x512xi32> to vector<2048x512xi32>
    %eq3A_52 = arith.cmpi eq, %iota3A, %eq3A_51 : vector<2048x512xi32>
    %jit3A_53 = arith.constant 0xFF800000 : f32
    %broadcast_in_dim3A_54 = vector.broadcast %jit3A_53 : f32 to vector<2048x512xf32>
    %select_n3A_55 = arith.select %eq3A_52, %broadcast_in_dim3A_54, %select_n3A_48 : vector<2048x512xi1>, vector<2048x512xf32>
    %argmax3A_56 = tpu.reduce_index %select_n3A_55 {axis = 0 : i32, kind = #tpu.reduction_kind<arg_max>} : vector<2048x512xf32> -> vector<512xi32>
    %reshape3A_57 = vector.shape_cast %argmax3A_56 : vector<512xi32> to vector<1x512xi32>
    %eq3A_58 = vector.broadcast %reshape3A_57 : vector<1x512xi32> to vector<2048x512xi32>
    %eq3A_59 = arith.cmpi eq, %iota3A, %eq3A_58 : vector<2048x512xi32>
    %jit3A_60 = arith.constant 0xFF800000 : f32
    %broadcast_in_dim3A_61 = vector.broadcast %jit3A_60 : f32 to vector<2048x512xf32>
    %select_n3A_62 = arith.select %eq3A_59, %broadcast_in_dim3A_61, %select_n3A_55 : vector<2048x512xi1>, vector<2048x512xf32>
    %argmax3A_63 = tpu.reduce_index %select_n3A_62 {axis = 0 : i32, kind = #tpu.reduction_kind<arg_max>} : vector<2048x512xf32> -> vector<512xi32>
    %reshape3A_64 = vector.shape_cast %argmax3A_63 : vector<512xi32> to vector<1x512xi32>
    %eq3A_65 = vector.broadcast %reshape3A_64 : vector<1x512xi32> to vector<2048x512xi32>
    %eq3A_66 = arith.cmpi eq, %iota3A, %eq3A_65 : vector<2048x512xi32>
    %jit3A_67 = arith.constant 0xFF800000 : f32
    %broadcast_in_dim3A_68 = vector.broadcast %jit3A_67 : f32 to vector<2048x512xf32>
    %select_n3A_69 = arith.select %eq3A_66, %broadcast_in_dim3A_68, %select_n3A_62 : vector<2048x512xi1>, vector<2048x512xf32>
    %argmax3A_70 = tpu.reduce_index %select_n3A_69 {axis = 0 : i32, kind = #tpu.reduction_kind<arg_max>} : vector<2048x512xf32> -> vector<512xi32>
    %reshape3A_71 = vector.shape_cast %argmax3A_70 : vector<512xi32> to vector<1x512xi32>
    %eq3A_72 = vector.broadcast %reshape3A_71 : vector<1x512xi32> to vector<2048x512xi32>
    %eq3A_73 = arith.cmpi eq, %iota3A, %eq3A_72 : vector<2048x512xi32>
    %jit3A_74 = arith.constant 0xFF800000 : f32
    %broadcast_in_dim3A_75 = vector.broadcast %jit3A_74 : f32 to vector<2048x512xf32>
    %select_n3A_76 = arith.select %eq3A_73, %broadcast_in_dim3A_75, %select_n3A_69 : vector<2048x512xi1>, vector<2048x512xf32>
    %argmax3A_77 = tpu.reduce_index %select_n3A_76 {axis = 0 : i32, kind = #tpu.reduction_kind<arg_max>} : vector<2048x512xf32> -> vector<512xi32>
    %reshape3A_78 = vector.shape_cast %argmax3A_77 : vector<512xi32> to vector<1x512xi32>
    %eq3A_79 = vector.broadcast %reshape3A_78 : vector<1x512xi32> to vector<2048x512xi32>
    %eq3A_80 = arith.cmpi eq, %iota3A, %eq3A_79 : vector<2048x512xi32>
    %jit3A_81 = arith.constant 0xFF800000 : f32
    %broadcast_in_dim3A_82 = vector.broadcast %jit3A_81 : f32 to vector<2048x512xf32>
    %select_n3A_83 = arith.select %eq3A_80, %broadcast_in_dim3A_82, %select_n3A_76 : vector<2048x512xi1>, vector<2048x512xf32>
    %argmax3A_84 = tpu.reduce_index %select_n3A_83 {axis = 0 : i32, kind = #tpu.reduction_kind<arg_max>} : vector<2048x512xf32> -> vector<512xi32>
    %reshape3A_85 = vector.shape_cast %argmax3A_84 : vector<512xi32> to vector<1x512xi32>
    %concatenate3A = tpu.concatenate %reshape3A, %reshape3A_29, %reshape3A_36, %reshape3A_43, %reshape3A_50, %reshape3A_57, %reshape3A_64, %reshape3A_71, %reshape3A_78, %reshape3A_85 in 0 : vector<1x512xi32>, vector<1x512xi32>, vector<1x512xi32>, vector<1x512xi32>, vector<1x512xi32>, vector<1x512xi32>, vector<1x512xi32>, vector<1x512xi32>, vector<1x512xi32>, vector<1x512xi32> -> vector<10x512xi32>
    %add3A = arith.constant 8 : i32
    %add3A_86 = arith.addi %arg0, %add3A : i32
    %mul3A_87 = arith.constant 2048 : i32
    %mul3A_88 = arith.muli %add3A_86, %mul3A_87 : i32
    %add3A_89 = vector.broadcast %mul3A_88 : i32 to vector<10x512xi32>
    %add3A_90 = arith.addi %concatenate3A, %add3A_89 : vector<10x512xi32>
    %swap3A = arith.constant 0 : index
    %swap3A_91 = arith.constant 0 : index
    %swap3A_92 = arith.constant 0 : index
    %swap3A_93 = vector.load %arg5[%swap3A, %swap3A_91, %swap3A_92] : memref<1x10x512xi32, #tpu.memory_space<vmem>>, vector<1x10x512xi32>
    %swap3A_94 = vector.shape_cast %swap3A_93 : vector<1x10x512xi32> to vector<10x512xi32>
    %swap3A_95 = vector.shape_cast %add3A_90 : vector<10x512xi32> to vector<1x10x512xi32>
    tpu.vector_store %arg5[%swap3A, %swap3A_91, %swap3A_92], %swap3A_95 {strides = array<i32>} : memref<1x10x512xi32, #tpu.memory_space<vmem>>, vector<1x10x512xi32>,
    return
  }
  func.func @transform_0(%arg0: i32, %arg1: i32) -> (i32, i32, i32) {
    %c0_i32 = arith.constant 0 : i32
    %c0_i32_0 = arith.constant 0 : i32
    %c0_i32_1 = arith.constant 0 : i32
    return %arg0, %c0_i32, %c0_i32_0 : i32, i32, i32
  }
  func.func @transform_1(%arg0: i32, %arg1: i32) -> (i32, i32, i32) {
    %c0_i32 = arith.constant 0 : i32
    %c0_i32_0 = arith.constant 0 : i32
    %c0_i32_1 = arith.constant 0 : i32
    return %arg0, %c0_i32, %c0_i32_0 : i32, i32, i32
  }
  func.func @transform_2(%arg0: i32, %arg1: i32) -> (i32, i32, i32) {
    %c0_i32 = arith.constant 0 : i32
    %c0_i32_0 = arith.constant 0 : i32
    return %arg0, %c0_i32, %arg1 : i32, i32, i32
  }
  func.func @transform_3(%arg0: i32, %arg1: i32) -> (i32, i32, i32) {
    %c0_i32 = arith.constant 0 : i32
    %c0_i32_0 = arith.constant 0 : i32
    return %arg0, %c0_i32, %arg1 : i32, i32, i32
  }
}

module attributes {stable_mosaic.version = 14 : i64} {
  func.func @_mlp_body(%arg0: i32, %arg1: memref<10x2048x16xf32, #tpu.memory_space<vmem>>, %arg2: memref<16x64xf32, #tpu.memory_space<vmem>>, %arg3: memref<2048x64xf32, #tpu.memory_space<vmem>>, %arg4: memref<8x64xf32, #tpu.memory_space<vmem>>) attributes {dimension_semantics = [#tpu.dimension_semantics<arbitrary>], iteration_bounds = array<i64: 8>, scalar_prefetch = 0 : i64, scratch_operands = 0 : i64, tpu.core_type = #tpu.core_type<tc>, window_params = [{transform_indices = @transform_0, window_bounds = array<i64: 10, 2048, 16>}, {pipeline_mode = #tpu.pipeline_mode<synchronous>, transform_indices = @transform_1, window_bounds = array<i64: 16, 64>}, {transform_indices = @transform_2, window_bounds = array<i64: 2048, 64>}, {pipeline_mode = #tpu.pipeline_mode<synchronous>, transform_indices = @transform_3, window_bounds = array<i64: 8, 64>}]} {
    %get3A = arith.constant 0 : index
    %get3A_0 = arith.constant 0 : index
    %get3A_1 = arith.constant 0 : index
    %get3A_2 = vector.load %arg1[%get3A, %get3A_0, %get3A_1] : memref<10x2048x16xf32, #tpu.memory_space<vmem>>, vector<10x2048x16xf32>
    %reduce_sum3A = arith.constant dense<0.000000e+00> : vector<2048x16xf32>
    %reduce_sum3A_3 = vector.multi_reduction <add>, %get3A_2, %reduce_sum3A [0] : vector<10x2048x16xf32> to vector<2048x16xf32>
    %broadcast_in_dim3A = vector.shape_cast %reduce_sum3A_3 : vector<2048x16xf32> to vector<1x2048x16xf32>
    %div3A = arith.constant 1.000000e+01 : f32
    %div3A_4 = vector.broadcast %div3A : f32 to vector<1x2048x16xf32>
    %div3A_5 = arith.divf %broadcast_in_dim3A, %div3A_4 : vector<1x2048x16xf32>
    %iota3A = tpu.iota {dimensions = array<i32: 2>} : vector<1x1x16xi32>
    %lt3A = arith.constant 3 : i32
    %lt3A_6 = vector.broadcast %lt3A : i32 to vector<1x1x16xi32>
    %lt3A_7 = arith.cmpi slt, %iota3A, %lt3A_6 : vector<1x1x16xi32>
    %sub3A = vector.broadcast %div3A_5 : vector<1x2048x16xf32> to vector<10x2048x16xf32>
    %sub3A_8 = arith.subf %get3A_2, %sub3A : vector<10x2048x16xf32>
    %mul3A = arith.constant 1.000000e+01 : f32
    %mul3A_9 = vector.broadcast %mul3A : f32 to vector<10x2048x16xf32>
    %mul3A_10 = arith.mulf %sub3A_8, %mul3A_9 : vector<10x2048x16xf32>
    %broadcast_in_dim3A_11 = vector.shape_cast %lt3A_7 : vector<1x1x16xi1> to vector<1x1x16xi1>
    %broadcast_in_dim3A_12 = vector.broadcast %broadcast_in_dim3A_11 : vector<1x1x16xi1> to vector<10x2048x16xi1>
    %select_n3A = arith.select %broadcast_in_dim3A_12, %mul3A_10, %get3A_2 : vector<10x2048x16xi1>, vector<10x2048x16xf32>
    %reshape3A = vector.shape_cast %select_n3A : vector<10x2048x16xf32> to vector<20480x16xf32>
    %get3A_13 = arith.constant 0 : index
    %get3A_14 = arith.constant 0 : index
    %get3A_15 = vector.load %arg2[%get3A_13, %get3A_14] : memref<16x64xf32, #tpu.memory_space<vmem>>, vector<16x64xf32>
    %dot_general3A = arith.constant dense<0.000000e+00> : vector<20480x64xf32>
    %dot_general3A_16 = tpu.matmul %reshape3A, %get3A_15, %dot_general3A {dimension_numbers = #tpu.dot_dimension_numbers<[1], [0], [0], [1], [0, 0, 1, 1], [], []>, transpose_lhs_hint = false} : vector<20480x16xf32>, vector<16x64xf32>, vector<20480x64xf32> -> vector<20480x64xf32>
    %reshape3A_17 = vector.shape_cast %dot_general3A_16 : vector<20480x64xf32> to vector<10x2048x64xf32>
    %reduce_max3A = arith.constant dense<0xFF800000> : vector<2048x64xf32>
    %reduce_max3A_18 = vector.multi_reduction <maximumf>, %reshape3A_17, %reduce_max3A [0] : vector<10x2048x64xf32> to vector<2048x64xf32>
    %swap3A = arith.constant 0 : index
    %swap3A_19 = arith.constant 0 : index
    %swap3A_20 = vector.load %arg3[%swap3A, %swap3A_19] : memref<2048x64xf32, #tpu.memory_space<vmem>>, vector<2048x64xf32>
    tpu.vector_store %arg3[%swap3A, %swap3A_19], %reduce_max3A_18 {strides = array<i32>} : memref<2048x64xf32, #tpu.memory_space<vmem>>, vector<2048x64xf32>,
    %broadcast_in_dim3A_21 = arith.constant 1.000000e+00 : f32
    %broadcast_in_dim3A_22 = vector.broadcast %broadcast_in_dim3A_21 : f32 to vector<1x20480xf32>
    %dot_general3A_23 = arith.constant dense<0.000000e+00> : vector<1x64xf32>
    %dot_general3A_24 = tpu.matmul %broadcast_in_dim3A_22, %dot_general3A_16, %dot_general3A_23 {dimension_numbers = #tpu.dot_dimension_numbers<[1], [0], [0], [1], [0, 0, 1, 1], [], []>, transpose_lhs_hint = false} : vector<1x20480xf32>, vector<20480x64xf32>, vector<1x64xf32> -> vector<1x64xf32>
    %dot_general3A_25 = arith.constant dense<0.000000e+00> : vector<64x64xf32>
    %dot_general3A_26 = tpu.matmul %dot_general3A_16, %dot_general3A_16, %dot_general3A_25 {dimension_numbers = #tpu.dot_dimension_numbers<[0], [0], [1], [1], [0, 1, 1, 1], [], []>, transpose_lhs_hint = false} : vector<20480x64xf32>, vector<20480x64xf32>, vector<64x64xf32> -> vector<64x64xf32>
    %iota3A_27 = tpu.iota {dimensions = array<i32: 0>} : vector<64x64xi32>
    %iota3A_28 = tpu.iota {dimensions = array<i32: 1>} : vector<64x64xi32>
    %eq3A = arith.cmpi eq, %iota3A_27, %iota3A_28 : vector<64x64xi32>
    %jit3A = arith.constant 0.000000e+00 : f32
    %broadcast_in_dim3A_29 = vector.broadcast %jit3A : f32 to vector<64x64xf32>
    %select_n3A_30 = arith.select %eq3A, %dot_general3A_26, %broadcast_in_dim3A_29 : vector<64x64xi1>, vector<64x64xf32>
    %reduce_sum3A_31 = arith.constant dense<0.000000e+00> : vector<64xf32>
    %reduce_sum3A_32 = vector.multi_reduction <add>, %select_n3A_30, %reduce_sum3A_31 [0] : vector<64x64xf32> to vector<64xf32>
    %broadcast_in_dim3A_33 = vector.shape_cast %reduce_sum3A_32 : vector<64xf32> to vector<1x64xf32>
    %broadcast_in_dim3A_34 = arith.constant 0.000000e+00 : f32
    %broadcast_in_dim3A_35 = vector.broadcast %broadcast_in_dim3A_34 : f32 to vector<6x64xf32>
    %concatenate3A = tpu.concatenate %dot_general3A_24, %broadcast_in_dim3A_33, %broadcast_in_dim3A_35 in 0 : vector<1x64xf32>, vector<1x64xf32>, vector<6x64xf32> -> vector<8x64xf32>
    %eq3A_36 = arith.constant 0 : i32
    %eq3A_37 = arith.cmpi eq, %arg0, %eq3A_36 : i32
    %convert_element_type3A = arith.extui %eq3A_37 : i1 to i32
    %cond3A = arith.constant 0 : i32
    %cond3A_38 = arith.cmpi ne, %convert_element_type3A, %cond3A : i32
    scf.if %cond3A_38 {
      %broadcast_in_dim3A_45 = arith.constant 0.000000e+00 : f32
      %broadcast_in_dim3A_46 = vector.broadcast %broadcast_in_dim3A_45 : f32 to vector<8x64xf32>
      %swap3A_47 = arith.constant 0 : index
      %swap3A_48 = arith.constant 0 : index
      %swap3A_49 = vector.load %arg4[%swap3A_47, %swap3A_48] : memref<8x64xf32, #tpu.memory_space<vmem>>, vector<8x64xf32>
      tpu.vector_store %arg4[%swap3A_47, %swap3A_48], %broadcast_in_dim3A_46 {strides = array<i32>} : memref<8x64xf32, #tpu.memory_space<vmem>>, vector<8x64xf32>,
    } else {
    }
    %get3A_39 = arith.constant 0 : index
    %get3A_40 = arith.constant 0 : index
    %get3A_41 = vector.load %arg4[%get3A_39, %get3A_40] : memref<8x64xf32, #tpu.memory_space<vmem>>, vector<8x64xf32>
    %add3A = arith.addf %get3A_41, %concatenate3A : vector<8x64xf32>
    %swap3A_42 = arith.constant 0 : index
    %swap3A_43 = arith.constant 0 : index
    %swap3A_44 = vector.load %arg4[%swap3A_42, %swap3A_43] : memref<8x64xf32, #tpu.memory_space<vmem>>, vector<8x64xf32>
    tpu.vector_store %arg4[%swap3A_42, %swap3A_43], %add3A {strides = array<i32>} : memref<8x64xf32, #tpu.memory_space<vmem>>, vector<8x64xf32>,
    return
  }
  func.func @transform_0(%arg0: i32) -> (i32, i32, i32) {
    %c0_i32 = arith.constant 0 : i32
    %c0_i32_0 = arith.constant 0 : i32
    %c0_i32_1 = arith.constant 0 : i32
    return %c0_i32, %arg0, %c0_i32_0 : i32, i32, i32
  }
  func.func @transform_1(%arg0: i32) -> (i32, i32) {
    %c0_i32 = arith.constant 0 : i32
    %c0_i32_0 = arith.constant 0 : i32
    %c0_i32_1 = arith.constant 0 : i32
    return %c0_i32, %c0_i32_0 : i32, i32
  }
  func.func @transform_2(%arg0: i32) -> (i32, i32) {
    %c0_i32 = arith.constant 0 : i32
    %c0_i32_0 = arith.constant 0 : i32
    return %arg0, %c0_i32 : i32, i32
  }
  func.func @transform_3(%arg0: i32) -> (i32, i32) {
    %c0_i32 = arith.constant 0 : i32
    %c0_i32_0 = arith.constant 0 : i32
    %c0_i32_1 = arith.constant 0 : i32
    return %c0_i32, %c0_i32_0 : i32, i32
  }
}

module attributes {stable_mosaic.version = 14 : i64} {
  func.func @_final_body(%arg0: i32, %arg1: memref<1x2048x64xf32, #tpu.memory_space<vmem>>, %arg2: memref<8x64xf32, #tpu.memory_space<vmem>>, %arg3: memref<8x64xf32, #tpu.memory_space<vmem>>, %arg4: memref<1x64xf32, #tpu.memory_space<vmem>>, %arg5: memref<1x64xf32, #tpu.memory_space<vmem>>, %arg6: memref<1x1x128xf32, #tpu.memory_space<vmem>>) attributes {dimension_semantics = [#tpu.dimension_semantics<arbitrary>], iteration_bounds = array<i64: 16>, scalar_prefetch = 0 : i64, scratch_operands = 0 : i64, tpu.core_type = #tpu.core_type<tc>, window_params = [{transform_indices = @transform_0, window_bounds = array<i64: 1, 2048, 64>}, {pipeline_mode = #tpu.pipeline_mode<synchronous>, transform_indices = @transform_1, window_bounds = array<i64: 8, 64>}, {pipeline_mode = #tpu.pipeline_mode<synchronous>, transform_indices = @transform_2, window_bounds = array<i64: 8, 64>}, {pipeline_mode = #tpu.pipeline_mode<synchronous>, transform_indices = @transform_3, window_bounds = array<i64: 1, 64>}, {pipeline_mode = #tpu.pipeline_mode<synchronous>, transform_indices = @transform_4, window_bounds = array<i64: 1, 64>}, {transform_indices = @transform_5, window_bounds = array<i64: 1, 1, 128>}]} {
    %get3A = arith.constant 0 : index
    %get3A_0 = arith.constant 0 : index
    %get3A_1 = arith.constant 0 : index
    %get3A_2 = vector.load %arg1[%get3A, %get3A_0, %get3A_1] : memref<1x2048x64xf32, #tpu.memory_space<vmem>>, vector<1x2048x64xf32>
    %get3A_3 = vector.shape_cast %get3A_2 : vector<1x2048x64xf32> to vector<2048x64xf32>
    %get3A_4 = arith.constant 0 : index
    %get3A_5 = arith.constant 0 : index
    %get3A_6 = vector.load %arg2[%get3A_4, %get3A_5] : memref<8x64xf32, #tpu.memory_space<vmem>>, vector<8x64xf32>
    %get3A_7 = arith.constant 0 : index
    %get3A_8 = arith.constant 0 : index
    %get3A_9 = vector.load %arg3[%get3A_7, %get3A_8] : memref<8x64xf32, #tpu.memory_space<vmem>>, vector<8x64xf32>
    %add3A = arith.addf %get3A_6, %get3A_9 : vector<8x64xf32>
    %slice3A = vector.extract_strided_slice %add3A {offsets = [0, 0], sizes = [1, 64], strides = [1, 1]} : vector<8x64xf32> to vector<1x64xf32>
    %div3A = arith.constant 3.276800e+05 : f32
    %div3A_10 = vector.broadcast %div3A : f32 to vector<1x64xf32>
    %div3A_11 = arith.divf %slice3A, %div3A_10 : vector<1x64xf32>
    %slice3A_12 = vector.extract_strided_slice %add3A {offsets = [1, 0], sizes = [1, 64], strides = [1, 1]} : vector<8x64xf32> to vector<1x64xf32>
    %div3A_13 = arith.constant 3.276800e+05 : f32
    %div3A_14 = vector.broadcast %div3A_13 : f32 to vector<1x64xf32>
    %div3A_15 = arith.divf %slice3A_12, %div3A_14 : vector<1x64xf32>
    %mul3A = arith.mulf %div3A_11, %div3A_11 : vector<1x64xf32>
    %sub3A = arith.subf %div3A_15, %mul3A : vector<1x64xf32>
    %add3A_16 = arith.constant 9.99999974E-6 : f32
    %add3A_17 = vector.broadcast %add3A_16 : f32 to vector<1x64xf32>
    %add3A_18 = arith.addf %sub3A, %add3A_17 : vector<1x64xf32>
    %rsqrt3A = math.rsqrt %add3A_18 : vector<1x64xf32>
    %get3A_19 = arith.constant 0 : index
    %get3A_20 = arith.constant 0 : index
    %get3A_21 = vector.load %arg4[%get3A_19, %get3A_20] : memref<1x64xf32, #tpu.memory_space<vmem>>, vector<1x64xf32>
    %mul3A_22 = arith.mulf %get3A_21, %rsqrt3A : vector<1x64xf32>
    %get3A_23 = arith.constant 0 : index
    %get3A_24 = arith.constant 0 : index
    %get3A_25 = vector.load %arg5[%get3A_23, %get3A_24] : memref<1x64xf32, #tpu.memory_space<vmem>>, vector<1x64xf32>
    %mul3A_26 = arith.mulf %div3A_11, %mul3A_22 : vector<1x64xf32>
    %sub3A_27 = arith.subf %get3A_25, %mul3A_26 : vector<1x64xf32>
    %mul3A_28 = vector.broadcast %mul3A_22 : vector<1x64xf32> to vector<2048x64xf32>
    %mul3A_29 = arith.mulf %get3A_3, %mul3A_28 : vector<2048x64xf32>
    %add3A_30 = vector.broadcast %sub3A_27 : vector<1x64xf32> to vector<2048x64xf32>
    %add3A_31 = arith.addf %mul3A_29, %add3A_30 : vector<2048x64xf32>
    %ge3A = arith.constant 0.000000e+00 : f32
    %ge3A_32 = vector.broadcast %ge3A : f32 to vector<2048x64xf32>
    %ge3A_33 = arith.cmpf oge, %add3A_31, %ge3A_32 : vector<2048x64xf32>
    %mul3A_34 = arith.constant 2.000000e-01 : f32
    %mul3A_35 = vector.broadcast %mul3A_34 : f32 to vector<2048x64xf32>
    %mul3A_36 = arith.mulf %mul3A_35, %add3A_31 : vector<2048x64xf32>
    %select_n3A = arith.select %ge3A_33, %add3A_31, %mul3A_36 : vector<2048x64xi1>, vector<2048x64xf32>
    %reduce_sum3A = arith.constant dense<0.000000e+00> : vector<64xf32>
    %reduce_sum3A_37 = vector.multi_reduction <add>, %select_n3A, %reduce_sum3A [0] : vector<2048x64xf32> to vector<64xf32>
    %broadcast_in_dim3A = vector.shape_cast %reduce_sum3A_37 : vector<64xf32> to vector<1x64xf32>
    %div3A_38 = arith.constant 2.048000e+03 : f32
    %div3A_39 = vector.broadcast %div3A_38 : f32 to vector<1x64xf32>
    %div3A_40 = arith.divf %broadcast_in_dim3A, %div3A_39 : vector<1x64xf32>
    %reduce_max3A = arith.constant dense<0xFF800000> : vector<64xf32>
    %reduce_max3A_41 = vector.multi_reduction <maximumf>, %get3A_3, %reduce_max3A [0] : vector<2048x64xf32> to vector<64xf32>
    %broadcast_in_dim3A_42 = vector.shape_cast %reduce_max3A_41 : vector<64xf32> to vector<1x64xf32>
    %mul3A_43 = arith.mulf %broadcast_in_dim3A_42, %mul3A_22 : vector<1x64xf32>
    %add3A_44 = arith.addf %mul3A_43, %sub3A_27 : vector<1x64xf32>
    %ge3A_45 = arith.constant 0.000000e+00 : f32
    %ge3A_46 = vector.broadcast %ge3A_45 : f32 to vector<1x64xf32>
    %ge3A_47 = arith.cmpf oge, %add3A_44, %ge3A_46 : vector<1x64xf32>
    %mul3A_48 = arith.constant 2.000000e-01 : f32
    %mul3A_49 = vector.broadcast %mul3A_48 : f32 to vector<1x64xf32>
    %mul3A_50 = arith.mulf %mul3A_49, %add3A_44 : vector<1x64xf32>
    %select_n3A_51 = arith.select %ge3A_47, %add3A_44, %mul3A_50 : vector<1x64xi1>, vector<1x64xf32>
    %concatenate3A = tpu.concatenate %select_n3A_51, %div3A_40 in 1 : vector<1x64xf32>, vector<1x64xf32> -> vector<1x128xf32>
    %swap3A = arith.constant 0 : index
    %swap3A_52 = arith.constant 0 : index
    %swap3A_53 = arith.constant 0 : index
    %swap3A_54 = vector.load %arg6[%swap3A, %swap3A_52, %swap3A_53] : memref<1x1x128xf32, #tpu.memory_space<vmem>>, vector<1x1x128xf32>
    %swap3A_55 = vector.shape_cast %swap3A_54 : vector<1x1x128xf32> to vector<1x128xf32>
    %swap3A_56 = vector.shape_cast %concatenate3A : vector<1x128xf32> to vector<1x1x128xf32>
    tpu.vector_store %arg6[%swap3A, %swap3A_52, %swap3A_53], %swap3A_56 {strides = array<i32>} : memref<1x1x128xf32, #tpu.memory_space<vmem>>, vector<1x1x128xf32>,
    return
  }
  func.func @transform_0(%arg0: i32) -> (i32, i32, i32) {
    %c0_i32 = arith.constant 0 : i32
    %c0_i32_0 = arith.constant 0 : i32
    %c0_i32_1 = arith.constant 0 : i32
    return %arg0, %c0_i32, %c0_i32_0 : i32, i32, i32
  }
  func.func @transform_1(%arg0: i32) -> (i32, i32) {
    %c0_i32 = arith.constant 0 : i32
    %c0_i32_0 = arith.constant 0 : i32
    %c0_i32_1 = arith.constant 0 : i32
    return %c0_i32, %c0_i32_0 : i32, i32
  }
  func.func @transform_2(%arg0: i32) -> (i32, i32) {
    %c0_i32 = arith.constant 0 : i32
    %c0_i32_0 = arith.constant 0 : i32
    %c0_i32_1 = arith.constant 0 : i32
    return %c0_i32, %c0_i32_0 : i32, i32
  }
  func.func @transform_3(%arg0: i32) -> (i32, i32) {
    %c0_i32 = arith.constant 0 : i32
    %c0_i32_0 = arith.constant 0 : i32
    %c0_i32_1 = arith.constant 0 : i32
    return %c0_i32, %c0_i32_0 : i32, i32
  }
  func.func @transform_4(%arg0: i32) -> (i32, i32) {
    %c0_i32 = arith.constant 0 : i32
    %c0_i32_0 = arith.constant 0 : i32
    %c0_i32_1 = arith.constant 0 : i32
    return %c0_i32, %c0_i32_0 : i32, i32
  }
  func.func @transform_5(%arg0: i32) -> (i32, i32, i32) {
    %c0_i32 = arith.constant 0 : i32
    %c0_i32_0 = arith.constant 0 : i32
    %c0_i32_1 = arith.constant 0 : i32
    return %arg0, %c0_i32, %c0_i32_0 : i32, i32, i32
  }
}

</mosaic_0001>

<sc_bundles>
// kernel: kernel.12.cloned.1.call-start
scs
__scs_entry_jumppad:
0x0: {  	(pc) =	sbr.rel $0x88, $3  }
0x1: {  	(tag) =	ssettag $0x0;
	lr =	simm.s32 $0x1  }
0x2: {  	[smem:$0x3F9D] =	sst lr;
	_ =	strace $0xD0000000  }
0x3: {  	_ = 	snop  }
0x4: {  	_ = 	snop  }
0x5: {  	_ = 	snop  }
0x6: {  	_ = 	snop  }
0x7: {  	_ = 	snop  }
__scs_overlays_trampoline_lowered:
0x8: {  	[smem:$0x3FAC] =	sst s0  }
0x9: {  	[smem:$0x3FAD] =	sst s1  }
0xa: {  	[smem:$0x3FAE] =	sst s2  }
0xb: {  	[smem:$0x3FAF] =	sst s3  }
0xc: {  	[smem:$0x3FB0] =	sst s4  }
0xd: {  	[smem:$0x3FB1] =	sst s5  }
0xe: {  	[smem:$0x3FB2] =	sst s6  }
0xf: {  	[smem:$0x3FB3] =	sst s7  }
0x10: {  	[smem:$0x3FB4] =	sst s8  }
0x11: {  	[smem:$0x3FB5] =	sst s9;
	s0 =	simm.s32 @!p0 $0x0  }
0x12: {  	s1 =	sld [smem:$0x3F9B];
	s0 =	simm.s32 @p0 $0x1  }
0x13: {  	[smem:$0x3FB6] =	sst s0;
	s0 =	simm.s32 @!p1 $0x0  }
0x14: {  	s2 =	sld [smem:$0x3F9A];
	s0 =	simm.s32 @p1 $0x1  }
0x15: {  	[smem:$0x3FB7] =	sst s0;
	s0 =	simm.s32 @!p2 $0x0  }
0x16: {  	s3 =	sld [smem:$0x3FDB];
	s0 =	simm.s32 @p2 $0x1  }
0x17: {  	s4 =	simm.s32 $0x1BF5;
	[smem:$0x3FB9] =	sst s0  }
0x18: {  	s0 =	sld [smem:$0x3F9C];
	_ =	swait.ge [sflag:s4], $0x0  }
0x19: {  	s7 =	sld [smem:$0x3F9D]  }
0x1a: {  	s8 =	sadd.s32 $0xFFFFE003, lr  }
0x1b: {  	s9 =	sadd.s32 $0xFFFFFEF7, lr;
	s5 =	simm.s32 $0xFFFFFFFF;
	p2 =	slt.u32 s8, $0xFFFFF086  }
0x1c: {  	p1 =	slt.u32 s9, $0xF7A;
	s5 =	simm.s32 @!p2 $0x0  }
0x1d: {  	s5 =	simm.s32 @p1 $0x1;
	p0 =	seq.s32 s7, s2  }
0x1e: {  	s7 =	smul.u32 @!p0 $0xF7A, s2;
	p2 =	seq.s32 @!p0 s5, $0x0  }
0x1f: {  	s9 =	smul.u32 $0xF7A, s1;
	s8 =	simm.s32 @!p0 $0x1BF5;
	p2 =	por !p2, p0  }
0x20: {  	[sflag:s8] =	ssyncset.s32 @!p0 $0xFFFFF086;
	s6 =	sadd.s32 @!p0 s3, s7;
	s7 =	simm.s32 @!p0 $0x108  }
0x21: {  	s3 =	sadd.s32 s3, s9;
	s6 =	sadd.s32 @!p0 $0x88, s6;
	s7 =	simm.s32 @p2 $0x1082  }
0x22: {  	[simem:s7], [sflag:s8] =	dma.local @!p0 [hbm:s6], $0xF7A  }
0x23: {  	s9 =	sor.u32 $0xD0000000, s2;
	s6 =	simm.s32 $0x108;
	_ =	swait.ge @!p0 [sflag:s8], $0x0  }
0x24: {  	s3 =	sadd.s32 $0x88, s3;
	s6 =	simm.s32 @!p1 $0x1082;
	[sflag:s4] =	ssyncset.s32 $0xFFFFF086  }
0x25: {  	[simem:s6], [sflag:s4] =	dma.local [hbm:s3], $0xF7A  }
0x26: {  	[smem:$0x3F9D] =	sst s1;
	(tag) =	ssettag s2;
	_ =	strace s9  }
0x27: {  	s1 =	sld [smem:$0x3FAD]  }
0x28: {  	s2 =	sld [smem:$0x3FAE]  }
0x29: {  	s4 =	sld [smem:$0x3FB0]  }
0x2a: {  	p0 =	seq.s32 s5, $0x0;
	s5 =	sld [smem:$0x3FB1]  }
0x2b: {  	s6 =	sld [smem:$0x3FB2]  }
0x2c: {  	s7 =	sld [smem:$0x3FB3]  }
0x2d: {  	s3 =	simm.s32 $0x108;
	s8 =	sld [smem:$0x3FB4]  }
0x2e: {  	s3 =	simm.s32 @!p0 $0x1082;
	s9 =	sld [smem:$0x3FB5]  }
0x2f: {  	lr =	sadd.s32 s0, s3;
	s0 =	sld [smem:$0x3FAC]  }
0x30: {  	s3 =	sld [smem:$0x3FAF]  }
0x31: {  	[smem:$0x3FB8] =	sst s10  }
0x32: {  	s10 =	sld [smem:$0x3FB6];
	_ =	sdelay $0x3  }
0x33: {  	p0 =	seq.s32 s10, $0x1;
	s10 =	sld [smem:$0x3FB8];
	_ =	sdelay $0x3  }
0x34: {  	[smem:$0x3FB8] =	sst s10  }
0x35: {  	s10 =	sld [smem:$0x3FB7];
	_ =	sdelay $0x3  }
0x36: {  	p1 =	seq.s32 s10, $0x1;
	s10 =	sld [smem:$0x3FB8];
	_ =	sdelay $0x3  }
0x37: {  	[smem:$0x3FB8] =	sst s10  }
0x38: {  	s10 =	sld [smem:$0x3FB9]  }
0x39: {  	_ = 	snop;
	(pc) =	sbr.ind lr, $3  }
0x3a: {  	_ = 	snop  }
0x3b: {  	_ = 	snop  }
0x3c: {  	p2 =	seq.s32 s10, $0x1;
	s10 =	sld [smem:$0x3FB8]  }
0x3d: {  	_ =	shalt  }
0x3e: {  	_ =	shalt  }
0x3f: {  	_ =	shalt  }
0x40: {  	_ =	shalt  }
0x41: {  	_ =	shalt  }
0x42: {  	_ =	shalt  }
0x43: {  	_ =	shalt  }
0x44: {  	_ =	shalt  }
0x45: {  	_ =	shalt  }
0x46: {  	_ =	shalt  }
0x47: {  	_ =	shalt  }
0x48: {  	_ =	shalt  }
0x49: {  	_ =	shalt  }
0x4a: {  	_ =	shalt  }
0x4b: {  	_ =	shalt  }
0x4c: {  	_ =	shalt  }
0x4d: {  	_ =	shalt  }
0x4e: {  	_ =	shalt  }
0x4f: {  	_ =	shalt  }
0x50: {  	_ =	shalt  }
0x51: {  	_ =	shalt  }
0x52: {  	_ =	shalt  }
0x53: {  	_ =	shalt  }
0x54: {  	_ =	shalt  }
0x55: {  	_ =	shalt  }
0x56: {  	_ =	shalt  }
0x57: {  	_ =	shalt  }
0x58: {  	_ =	shalt  }
0x59: {  	_ =	shalt  }
0x5a: {  	_ =	shalt  }
0x5b: {  	_ =	shalt  }
0x5c: {  	_ =	shalt  }
0x5d: {  	_ =	shalt  }
0x5e: {  	_ =	shalt  }
0x5f: {  	_ =	shalt  }
0x60: {  	_ =	shalt  }
0x61: {  	_ =	shalt  }
0x62: {  	_ =	shalt  }
0x63: {  	_ =	shalt  }
0x64: {  	_ =	shalt  }
0x65: {  	_ =	shalt  }
0x66: {  	_ =	shalt  }
0x67: {  	_ =	shalt  }
0x68: {  	_ =	shalt  }
0x69: {  	_ =	shalt  }
0x6a: {  	_ =	shalt  }
0x6b: {  	_ =	shalt  }
0x6c: {  	_ =	shalt  }
0x6d: {  	_ =	shalt  }
0x6e: {  	_ =	shalt  }
0x6f: {  	_ =	shalt  }
0x70: {  	_ =	shalt  }
0x71: {  	_ =	shalt  }
0x72: {  	_ =	shalt  }
0x73: {  	_ =	shalt  }
0x74: {  	_ =	shalt  }
0x75: {  	_ =	shalt  }
0x76: {  	_ =	shalt  }
0x77: {  	_ =	shalt  }
0x78: {  	_ =	shalt  }
0x79: {  	_ =	shalt  }
0x7a: {  	_ =	shalt  }
0x7b: {  	_ =	shalt  }
0x7c: {  	_ =	shalt  }
0x7d: {  	_ =	shalt  }
0x7e: {  	_ =	shalt  }
0x7f: {  	_ =	shalt  }
0x80: {  	_ =	shalt  }
0x81: {  	_ =	shalt  }
0x82: {  	_ =	shalt  }
0x83: {  	_ =	shalt  }
0x84: {  	_ =	shalt  }
0x85: {  	_ =	shalt  }
0x86: {  	_ =	shalt  }
0x87: {  	_ =	shalt  }
.Lfunc_end0:
.L_simem_size_0:
called_computation.1_lowered:
.L_overlay_start_0:
0x88: {  	s2 =	sld [smem:$0x3FD9]  }
0x89: {  	s3 =	sld [smem:$0x3FFE];
	_ =	sdelay $0x1  }
0x8a: {  	s1 =	srdreg.scid  }
0x8b: {  	s0 =	sand.u32 $0x1, s1  }
0x8c: {  	s17 =	sshll.u32 s0, $0xA;
	s2 =	sadd.s32 s3, s2  }
0x8d: {  	s2 =	sadd.s32 s2, s17  }
0x8e: {  	[smem:$0x3FC4] =	sst s2  }
0x8f: {  	_ = 	snop  }
0x90: {  	(tm) =	ssettm $0x1  }
0x91: {  	s18 =	sld [smem:$0x3FFB];
	_ =	sdelay $0x3  }
0x92: {  	_ =	strace s18  }
0x93: {  	s2 =	sld [smem:$0x3FFC];
	_ =	sdelay $0x3  }
0x94: {  	_ =	strace s2  }
0x95: {  	s2 =	sld [smem:$0x3FFD];
	_ =	sdelay $0x3  }
0x96: {  	_ =	strace s2  }
0x97: {  	_ =	strace $0x8FFFFFFF  }
0x98: {  	s19 =	sld [smem:$0x3FDB];
	_ =	sdelay $0x1  }
0x99: {  	s20 =	simm.s32 $_scs_section_size  }
0x9a: {  	s4 =	simm.s32 $_size__tile_overlayer_lowered;
	s5 =	simm.s32 $_tile_overlayer_lowered  }
0x9b: {  	s6 =	simm.s32 $0x1BFF;
	s21 =	sshll.u32 s5, $0x1;
	s3 =	sadd.s32 s20, s19  }
0x9c: {  	s22 =	simm.s32 $0x0;
	s4 =	sshll.u32 s4, $0x1;
	s5 =	sadd.s32 s21, s3  }
0x9d: {  	[timem:s22], [sflag:s6] =	dma.local [hbm:s5], s4  }
0x9e: {  	_ =	swait.ge [sflag:s6], s4  }
0x9f: {  	s4 =	ssub.s32 $0x0, s4;
	[sflag:s6] =	ssyncset.done $0x0  }
0xa0: {  	[sflag:s6] =	ssyncadd.s32 s4;
	_ =	sdelay $0x1  }
0xa1: {  	s23 =	simm.s32 $0x1B8B  }
0xa2: {  	_ =	swait.ge [sflag:s23], $0x1  }
0xa3: {  	[sflag:s23] =	ssyncset.done $0x0  }
0xa4: {  	[sflag:s23] =	ssyncadd.s32 $0xFFFFFFFF  }
0xa5: {  	s4 =	sld [smem:$0x0]  }
0xa6: {  	s5 =	sand.u32 $0xFFFFFFFE, s1  }
0xa7: {  	p0 =	sne.s32 s1, s5  }
0xa8: {  	s5 =	sshll.u32 @p0 s5, $0xE  }
0xa9: {  	s5 =	sadd.s32 @p0 $0x11B8D, s5;
	s6 =	sshll.u32 @p0 s4, $0x11  }
0xaa: {  	s5 =	sor.u32 @p0 s6, s5  }
0xab: {  	[sflag:s5] =	ssyncadd.remote.s32 @p0 $0x1;
	_ =	sdelay $0x1  }
0xac: {  	s5 =	simm.s32 @p0 $0x1B8D  }
0xad: {  	_ =	swait.eq @p0 [sflag:s5], $0x1  }
0xae: {  	[sflag:s5] =	ssyncadd.s32 @p0 $0xFFFFFFFF  }
0xaf: {  	s6 =	sshll.u32 @!p0 s1, $0xE  }
0xb0: {  	s6 =	sor.u32 @!p0 $0x4000, s6;
	s5 =	simm.s32 @!p0 $0x1B8D  }
0xb1: {  	s4 =	sshll.u32 @!p0 s4, $0x11;
	s6 =	sadd.s32 @!p0 $0x11B8D, s6;
	_ =	swait.eq @!p0 [sflag:s5], $0x1  }
0xb2: {  	s4 =	sor.u32 @!p0 s4, s6;
	[sflag:s5] =	ssyncadd.s32 @!p0 $0xFFFFFFFF  }
0xb3: {  	s25 =	simm.s32 $0x1B8E;
	s24 =	sld [smem:$0x3FFE];
	[sflag:s4] =	ssyncadd.remote.s32 @!p0 $0x1  }
0xb4: {  	s26 =	simm.s32 $execute0_lowered;
	[smem:$0x3FD2] =	sst s25  }
0xb5: {  	s5 =	sshll.u32 s26, $0x1;
	_ =	strace $0x80000049;
	[dreg:$0x1] =	wrdreg $0xFFFFFFFF  }
0xb6: {  	s28 =	simm.s32 $_size_execute0_lowered;
	s3 =	sadd.s32 s3, s5;
	[dreg:$0x0] =	wrdreg $0x0  }
0xb7: {  	s5 =	sshll.u32 s28, $0x1;
	[dreg:$0x2] =	wrdreg s3  }
0xb8: {  	[dreg:$0x3] =	wrdreg s5  }
0xb9: {  	[dreg:$0x4] =	wrdreg $0xC0  }
0xba: {  	_ =	task [dreg:s22], $0x5FFFF  }
0xbb: {  	[dreg:$0x1] =	wrdreg $0xFFFFFFFF  }
0xbc: {  	[dreg:$0x0] =	wrdreg $0x60  }
0xbd: {  	[dreg:$0x2] =	wrdreg s24  }
0xbe: {  	[dreg:$0x3] =	wrdreg $0xA  }
0xbf: {  	_ =	task.clear_ibuf [dreg:s22], $0x4FFFF;
	_ =	strace $0x90000049  }
0xc0: {  	s29 =	simm.s32 $0xA;
	_ =	strace $0x8000004B  }
0xc1: {  	_ =	swait.ge [sflag:s29], $0x1  }
0xc2: {  	[sflag:s29] =	ssyncadd.s32 $0xFFFFFFFF  }
0xc3: {  	_ =	strace $0x9000004B  }
0xc4: {  	_ =	sfence  }
0xc5: {  	s30 =	sld [smem:$0x0];
	_ =	sdelay $0x2  }
0xc6: {  	s31 =	sshll.u32 s1, $0xD;
	s1 =	sshrl.u32 s1, $0x2  }
0xc7: {  	s4 =	sand.u32 $0x4000, s31;
	s1 =	sadd.s32 s1, s30  }
0xc8: {  	s0 =	sor.u32 s4, s0;
	s1 =	sshll.u32 s1, $0x11  }
0xc9: {  	s0 =	sor.u32 s1, s0  }
0xca: {  	s0 =	sadd.s32 $0x8F2B, s0  }
0xcb: {  	[sflag:s0] =	ssyncadd.remote.s32 $0x1  }
0xcc: {  	_ =	sfence.sel $0xFFFF  }
0xcd: {  	[dreg:$0x0] =	wrdreg $0xFFFFFFFF;
	(pc) =	sbr.abs _section_cstart, $3  }
0xce: {  	[dreg:$0x1] =	wrdreg $0xFFFFFFFF  }
0xcf: {  	_ =	task.clear_ibuf [dreg:s22], $0x2FFFF;
	_ =	strace $0x9FFFFFFF  }
0xd0: {  	(tm) =	ssettm $0x7FFFFFFF  }
0xd1: {  	_ =	shalt  }
tec
execute0_lowered:
.L_overlay_start_1:
0x0: {  	(tag) =	ssettag $0x1  }
0x1: {  	s1 =	srdreg.scid  }
0x2: {  	s0 =	stileid.u32;
	s5 =	rddreg [dreg:$0x0];
	s2 =	simm.s32 $0x0  }
0x3: {  	s10 =	simm.s32 $0x1400;
	s11 =	simm.s32 $0x1C00;
	s12 =	simm.s32 $0x2400  }
0x4: {  	s13 =	simm.s32 $0x2C00;
	s14 =	simm.s32 $0x3400;
	s15 =	simm.s32 $0x3C00  }
0x5: {  	s16 =	simm.s32 $0x4400;
	s17 =	simm.s32 $0x4C00;
	s18 =	simm.s32 $0x1  }
0x6: {  	s19 =	simm.s32 $0x2;
	s20 =	simm.s32 $0x0;
	s3 =	smul.u32 $0x28000, s0  }
0x7: {  	s4 =	sand.u32 $0x1, s1;
	s1 =	rddreg [dreg:$0x1];
	s7 =	smul.u32 $0x2800, s0  }
0x8: {  	[smem:$0x7FF] =	sst s2;
	s9 =	sshll.u32 s0, $0x1;
	s6 =	smul.u32 $0x14000, s4  }
0x9: {  	s23 =	sadd.s32 $0x5B800, s5;
	s8 =	smul.u32 $0x1400, s4;
	s9 =	sor.u32 s4, s9  }
0xa: {  	_ =	strace $0x8000004A;
	s4 =	ssub.s32 $0x2, s4;
	s24 =	smul.u32 $0x280, s9  }
0xb: {  	s29 =	sshrl.u32 s4, $0x1;
	s3 =	sadd.s32 s6, s3;
	s22 =	sadd.s32 s8, s7  }
0xc: {  	s9 =	simm.s32 $0x80;
	s3 =	sshrl.u32 s3, $0x3;
	s6 =	sshll.u32 s22, $0x1  }
0xd: {  	s8 =	ssub.s32 s4, s29;
	s25 =	sadd.s32 s3, s23;
	s7 =	sadd.s32 s6, s23  }
0xe: {  	s3 =	sadd.s32 $0x101800, s5;
	[dreg:$0x2] =	wrdreg s25;
	s6 =	sadd.s32 $0x600, s7  }
0xf: {  	s5 =	sadd.s32 s24, s5;
	s26 =	sadd.s32 $0x500, s7;
	[dreg:$0x3] =	wrdreg s6  }
0x10: {  	s28 =	sadd.s32 $0x400, s7;
	s30 =	sadd.s32 $0x300, s7;
	[dreg:$0x4] =	wrdreg s26  }
0x11: {  	s31 =	sadd.s32 $0x200, s7;
	s4 =	sadd.s32 $0x56800, s5;
	[dreg:$0x5] =	wrdreg s28  }
0x12: {  	s5 =	smax.u32 s8, $0x1;
	s8 =	simm.s32 $0x3;
	[dreg:$0x6] =	wrdreg s30  }
0x13: {  	[dreg:$0x7] =	wrdreg s31;
	s6 =	sadd.s32 $0x100, s7;
	s7 =	sadd.s32 $0x700, s7  }
.LBB2_1:
0x14: {  	[tilespmem:s2], [sflag:$0x3] =	stream.linear.gather [hbm4b:s4+s2], $0x1400, $0x38;
	[tilespmem:$0x5400] =	vst v63  }
0x15: {  	_ =	swait.ge [sflag:s8], $0x1400  }
0x16: {  	[sflag:s8] =	ssyncset.done $0x0  }
0x17: {  	[sflag:s8] =	ssyncadd.s32 $0xFFFFEC00  }
0x18: {  	[tilespmem:s10], [sflag:$0x1] =	stream.indirect.gather [hbm4b:s3+s9], $0x10, s2, s9, $0xb8;
	[tilespmem:$0x5400] =	vst v63  }
0x19: {  	s21 =	simm.s32 $0x80  }
0x1a: {  	[tilespmem:s11], [sflag:$0x1] =	stream.indirect.gather [hbm4b:s3+s9], $0x10, s21, s9, $0xb8;
	[tilespmem:$0x5400] =	vst v63  }
0x1b: {  	s26 =	simm.s32 $0x100  }
0x1c: {  	[tilespmem:s12], [sflag:$0x1] =	stream.indirect.gather [hbm4b:s3+s9], $0x10, s26, s9, $0xb8;
	[tilespmem:$0x5400] =	vst v63  }
0x1d: {  	s28 =	simm.s32 $0x180  }
0x1e: {  	[tilespmem:s13], [sflag:$0x1] =	stream.indirect.gather [hbm4b:s3+s9], $0x10, s28, s9, $0xb8;
	[tilespmem:$0x5400] =	vst v63  }
0x1f: {  	s29 =	simm.s32 $0x200  }
0x20: {  	[tilespmem:s14], [sflag:$0x1] =	stream.indirect.gather [hbm4b:s3+s9], $0x10, s29, s9, $0xb8;
	[tilespmem:$0x5400] =	vst v63  }
0x21: {  	s30 =	simm.s32 $0x280  }
0x22: {  	[tilespmem:s15], [sflag:$0x1] =	stream.indirect.gather [hbm4b:s3+s9], $0x10, s30, s9, $0xb8;
	[tilespmem:$0x5400] =	vst v63  }
0x23: {  	s31 =	simm.s32 $0x300  }
0x24: {  	[tilespmem:s16], [sflag:$0x1] =	stream.indirect.gather [hbm4b:s3+s9], $0x10, s31, s9, $0xb8;
	[tilespmem:$0x5400] =	vst v63  }
0x25: {  	s22 =	simm.s32 $0x380  }
0x26: {  	[tilespmem:s17], [sflag:$0x1] =	stream.indirect.gather [hbm4b:s3+s9], $0x10, s22, s9, $0xb8;
	[tilespmem:$0x5400] =	vst v63  }
0x27: {  	_ =	swait.ge [sflag:s18], $0x800  }
0x28: {  	s23 =	rddreg [dreg:$0x2];
	[sflag:s18] =	ssyncset.done $0x0  }
0x29: {  	[sflag:s18] =	ssyncadd.s32 $0xFFFFF800;
	s21 =	sadd.s32 $0x0, s23  }
0x2a: {  	[hbm4b:s21+s2] =	stream.linear.scatter [tilespmem:s10], [sflag:$0x2], $0x800, $0x38;
	[tilespmem:$0x5400] =	vst v63  }
0x2b: {  	_ =	swait.ge [sflag:s18], $0x800  }
0x2c: {  	[sflag:s18] =	ssyncset.done $0x0  }
0x2d: {  	s24 =	sadd.s32 $0x0, s6;
	[sflag:s18] =	ssyncadd.s32 $0xFFFFF800  }
0x2e: {  	[hbm4b:s24+s2] =	stream.linear.scatter [tilespmem:s11], [sflag:$0x2], $0x800, $0x38;
	[tilespmem:$0x5400] =	vst v63  }
0x2f: {  	_ =	swait.ge [sflag:s18], $0x800  }
0x30: {  	s25 =	rddreg [dreg:$0x7];
	[sflag:s18] =	ssyncset.done $0x0  }
0x31: {  	[sflag:s18] =	ssyncadd.s32 $0xFFFFF800;
	s21 =	sadd.s32 $0x0, s25  }
0x32: {  	[hbm4b:s21+s2] =	stream.linear.scatter [tilespmem:s12], [sflag:$0x2], $0x800, $0x38;
	[tilespmem:$0x5400] =	vst v63  }
0x33: {  	_ =	swait.ge [sflag:s18], $0x800  }
0x34: {  	s26 =	rddreg [dreg:$0x6];
	[sflag:s18] =	ssyncset.done $0x0  }
0x35: {  	[sflag:s18] =	ssyncadd.s32 $0xFFFFF800;
	s21 =	sadd.s32 $0x0, s26  }
0x36: {  	[hbm4b:s21+s2] =	stream.linear.scatter [tilespmem:s13], [sflag:$0x2], $0x800, $0x38;
	[tilespmem:$0x5400] =	vst v63  }
0x37: {  	_ =	swait.ge [sflag:s18], $0x800  }
0x38: {  	s28 =	rddreg [dreg:$0x5];
	[sflag:s18] =	ssyncset.done $0x0  }
0x39: {  	[sflag:s18] =	ssyncadd.s32 $0xFFFFF800;
	s21 =	sadd.s32 $0x0, s28  }
0x3a: {  	[hbm4b:s21+s2] =	stream.linear.scatter [tilespmem:s14], [sflag:$0x2], $0x800, $0x38;
	[tilespmem:$0x5400] =	vst v63  }
0x3b: {  	_ =	swait.ge [sflag:s18], $0x800  }
0x3c: {  	s29 =	rddreg [dreg:$0x4];
	[sflag:s18] =	ssyncset.done $0x0  }
0x3d: {  	[sflag:s18] =	ssyncadd.s32 $0xFFFFF800;
	s21 =	sadd.s32 $0x0, s29  }
0x3e: {  	[hbm4b:s21+s2] =	stream.linear.scatter [tilespmem:s15], [sflag:$0x2], $0x800, $0x38;
	[tilespmem:$0x5400] =	vst v63  }
0x3f: {  	_ =	swait.ge [sflag:s18], $0x800  }
0x40: {  	s30 =	rddreg [dreg:$0x3];
	[sflag:s18] =	ssyncset.done $0x0  }
0x41: {  	[sflag:s18] =	ssyncadd.s32 $0xFFFFF800;
	s21 =	sadd.s32 $0x0, s30  }
0x42: {  	[hbm4b:s21+s2] =	stream.linear.scatter [tilespmem:s16], [sflag:$0x2], $0x800, $0x38;
	[tilespmem:$0x5400] =	vst v63  }
0x43: {  	_ =	swait.ge [sflag:s18], $0x800  }
0x44: {  	[sflag:s18] =	ssyncset.done $0x0  }
0x45: {  	s31 =	sadd.s32 $0x0, s7;
	[sflag:s18] =	ssyncadd.s32 $0xFFFFF800  }
0x46: {  	[hbm4b:s31+s2] =	stream.linear.scatter [tilespmem:s17], [sflag:$0x2], $0x800, $0x38;
	[tilespmem:$0x5400] =	vst v63  }
0x47: {  	_ =	swait.ge [sflag:s19], $0x800  }
0x48: {  	[sflag:s19] =	ssyncset.done $0x0  }
0x49: {  	[sflag:s19] =	ssyncadd.s32 $0xFFFFF800  }
0x4a: {  	_ =	swait.ge [sflag:s19], $0x800  }
0x4b: {  	[sflag:s19] =	ssyncset.done $0x0  }
0x4c: {  	[sflag:s19] =	ssyncadd.s32 $0xFFFFF800  }
0x4d: {  	_ =	swait.ge [sflag:s19], $0x800  }
0x4e: {  	[sflag:s19] =	ssyncset.done $0x0  }
0x4f: {  	[sflag:s19] =	ssyncadd.s32 $0xFFFFF800  }
0x50: {  	_ =	swait.ge [sflag:s19], $0x800  }
0x51: {  	[sflag:s19] =	ssyncset.done $0x0  }
0x52: {  	[sflag:s19] =	ssyncadd.s32 $0xFFFFF800  }
0x53: {  	_ =	swait.ge [sflag:s19], $0x800  }
0x54: {  	[sflag:s19] =	ssyncset.done $0x0  }
0x55: {  	[sflag:s19] =	ssyncadd.s32 $0xFFFFF800  }
0x56: {  	_ =	swait.ge [sflag:s19], $0x800  }
0x57: {  	[sflag:s19] =	ssyncset.done $0x0  }
0x58: {  	[sflag:s19] =	ssyncadd.s32 $0xFFFFF800  }
0x59: {  	_ =	swait.ge [sflag:s19], $0x800  }
0x5a: {  	[sflag:s19] =	ssyncset.done $0x0  }
0x5b: {  	[sflag:s19] =	ssyncadd.s32 $0xFFFFF800  }
0x5c: {  	_ =	swait.ge [sflag:s19], $0x800  }
0x5d: {  	s22 =	simm.s32 $0x0;
	s21 =	simm.s32 $0x800;
	[sflag:s19] =	ssyncset.done $0x0  }
.LBB2_2:
0x5e: {  	[sflag:s19] =	ssyncadd.s32 $0xFFFFF800;
	s22 =	sadd.s32 $0x400, s22  }
0x5f: {  	[tilespmem:s10], [sflag:$0x1] =	stream.indirect.gather [hbm4b:s3+s9], $0x10, s22, s9, $0xb8;
	[tilespmem:$0x5400] =	vst v63  }
0x60: {  	s24 =	sadd.s32 $0x80, s22  }
0x61: {  	[tilespmem:s11], [sflag:$0x1] =	stream.indirect.gather [hbm4b:s3+s9], $0x10, s24, s9, $0xb8;
	[tilespmem:$0x5400] =	vst v63  }
0x62: {  	s31 =	sadd.s32 $0x100, s22  }
0x63: {  	[tilespmem:s12], [sflag:$0x1] =	stream.indirect.gather [hbm4b:s3+s9], $0x10, s31, s9, $0xb8;
	[tilespmem:$0x5400] =	vst v63  }
0x64: {  	s25 =	sadd.s32 $0x180, s22  }
0x65: {  	[tilespmem:s13], [sflag:$0x1] =	stream.indirect.gather [hbm4b:s3+s9], $0x10, s25, s9, $0xb8;
	[tilespmem:$0x5400] =	vst v63  }
0x66: {  	s26 =	sadd.s32 $0x200, s22  }
0x67: {  	[tilespmem:s14], [sflag:$0x1] =	stream.indirect.gather [hbm4b:s3+s9], $0x10, s26, s9, $0xb8;
	[tilespmem:$0x5400] =	vst v63  }
0x68: {  	s28 =	sadd.s32 $0x280, s22  }
0x69: {  	[tilespmem:s15], [sflag:$0x1] =	stream.indirect.gather [hbm4b:s3+s9], $0x10, s28, s9, $0xb8;
	[tilespmem:$0x5400] =	vst v63  }
0x6a: {  	s29 =	sadd.s32 $0x300, s22  }
0x6b: {  	[tilespmem:s16], [sflag:$0x1] =	stream.indirect.gather [hbm4b:s3+s9], $0x10, s29, s9, $0xb8;
	[tilespmem:$0x5400] =	vst v63  }
0x6c: {  	s30 =	sadd.s32 $0x380, s22  }
0x6d: {  	[tilespmem:s17], [sflag:$0x1] =	stream.indirect.gather [hbm4b:s3+s9], $0x10, s30, s9, $0xb8;
	[tilespmem:$0x5400] =	vst v63  }
0x6e: {  	_ =	swait.ge [sflag:s18], $0x800  }
0x6f: {  	s23 =	smov.u32 s21;
	s31 =	rddreg [dreg:$0x2];
	[sflag:s18] =	ssyncset.done $0x0  }
0x70: {  	[sflag:s18] =	ssyncadd.s32 $0xFFFFF800;
	s24 =	sadd.s32 s23, s31  }
0x71: {  	[hbm4b:s24+s2] =	stream.linear.scatter [tilespmem:s10], [sflag:$0x2], $0x800, $0x38;
	[tilespmem:$0x5400] =	vst v63  }
0x72: {  	_ =	swait.ge [sflag:s18], $0x800  }
0x73: {  	[sflag:s18] =	ssyncset.done $0x0  }
0x74: {  	s25 =	sadd.s32 s23, s6;
	[sflag:s18] =	ssyncadd.s32 $0xFFFFF800  }
0x75: {  	[hbm4b:s25+s2] =	stream.linear.scatter [tilespmem:s11], [sflag:$0x2], $0x800, $0x38;
	[tilespmem:$0x5400] =	vst v63  }
0x76: {  	_ =	swait.ge [sflag:s18], $0x800  }
0x77: {  	s26 =	rddreg [dreg:$0x7];
	[sflag:s18] =	ssyncset.done $0x0  }
0x78: {  	[sflag:s18] =	ssyncadd.s32 $0xFFFFF800;
	s24 =	sadd.s32 s23, s26  }
0x79: {  	[hbm4b:s24+s2] =	stream.linear.scatter [tilespmem:s12], [sflag:$0x2], $0x800, $0x38;
	[tilespmem:$0x5400] =	vst v63  }
0x7a: {  	_ =	swait.ge [sflag:s18], $0x800  }
0x7b: {  	s28 =	rddreg [dreg:$0x6];
	[sflag:s18] =	ssyncset.done $0x0  }
0x7c: {  	[sflag:s18] =	ssyncadd.s32 $0xFFFFF800;
	s24 =	sadd.s32 s23, s28  }
0x7d: {  	[hbm4b:s24+s2] =	stream.linear.scatter [tilespmem:s13], [sflag:$0x2], $0x800, $0x38;
	[tilespmem:$0x5400] =	vst v63  }
0x7e: {  	_ =	swait.ge [sflag:s18], $0x800  }
0x7f: {  	s29 =	rddreg [dreg:$0x5];
	[sflag:s18] =	ssyncset.done $0x0  }
0x80: {  	[sflag:s18] =	ssyncadd.s32 $0xFFFFF800;
	s24 =	sadd.s32 s23, s29  }
0x81: {  	[hbm4b:s24+s2] =	stream.linear.scatter [tilespmem:s14], [sflag:$0x2], $0x800, $0x38;
	[tilespmem:$0x5400] =	vst v63  }
0x82: {  	_ =	swait.ge [sflag:s18], $0x800  }
0x83: {  	s30 =	rddreg [dreg:$0x4];
	[sflag:s18] =	ssyncset.done $0x0  }
0x84: {  	[sflag:s18] =	ssyncadd.s32 $0xFFFFF800;
	s24 =	sadd.s32 s23, s30  }
0x85: {  	[hbm4b:s24+s2] =	stream.linear.scatter [tilespmem:s15], [sflag:$0x2], $0x800, $0x38;
	[tilespmem:$0x5400] =	vst v63  }
0x86: {  	_ =	swait.ge [sflag:s18], $0x800  }
0x87: {  	s31 =	rddreg [dreg:$0x3];
	[sflag:s18] =	ssyncset.done $0x0  }
0x88: {  	[sflag:s18] =	ssyncadd.s32 $0xFFFFF800;
	s24 =	sadd.s32 s23, s31  }
0x89: {  	[hbm4b:s24+s2] =	stream.linear.scatter [tilespmem:s16], [sflag:$0x2], $0x800, $0x38;
	[tilespmem:$0x5400] =	vst v63  }
0x8a: {  	_ =	swait.ge [sflag:s18], $0x800  }
0x8b: {  	[sflag:s18] =	ssyncset.done $0x0  }
0x8c: {  	s23 =	sadd.s32 s23, s7;
	[sflag:s18] =	ssyncadd.s32 $0xFFFFF800  }
0x8d: {  	[hbm4b:s23+s2] =	stream.linear.scatter [tilespmem:s17], [sflag:$0x2], $0x800, $0x38;
	[tilespmem:$0x5400] =	vst v63  }
0x8e: {  	_ =	swait.ge [sflag:s19], $0x800  }
0x8f: {  	[sflag:s19] =	ssyncset.done $0x0  }
0x90: {  	[sflag:s19] =	ssyncadd.s32 $0xFFFFF800  }
0x91: {  	_ =	swait.ge [sflag:s19], $0x800  }
0x92: {  	[sflag:s19] =	ssyncset.done $0x0  }
0x93: {  	[sflag:s19] =	ssyncadd.s32 $0xFFFFF800  }
0x94: {  	_ =	swait.ge [sflag:s19], $0x800  }
0x95: {  	[sflag:s19] =	ssyncset.done $0x0  }
0x96: {  	[sflag:s19] =	ssyncadd.s32 $0xFFFFF800  }
0x97: {  	_ =	swait.ge [sflag:s19], $0x800  }
0x98: {  	[sflag:s19] =	ssyncset.done $0x0  }
0x99: {  	[sflag:s19] =	ssyncadd.s32 $0xFFFFF800  }
0x9a: {  	_ =	swait.ge [sflag:s19], $0x800  }
0x9b: {  	[sflag:s19] =	ssyncset.done $0x0  }
0x9c: {  	[sflag:s19] =	ssyncadd.s32 $0xFFFFF800  }
0x9d: {  	_ =	swait.ge [sflag:s19], $0x800  }
0x9e: {  	[sflag:s19] =	ssyncset.done $0x0  }
0x9f: {  	p0 =	sne.s32 s21, $0x2000;
	[sflag:s19] =	ssyncadd.s32 $0xFFFFF800  }
.Ltmp0:
0xa0: {  	_ =	swait.ge [sflag:s19], $0x800;
	(pc) =	sbr.rel @p0 .LBB2_2-.Ltmp0, $4  }
0xa1: {  	[sflag:s19] =	ssyncset.done $0x0  }
0xa2: {  	[sflag:s19] =	ssyncadd.s32 $0xFFFFF800  }
0xa3: {  	_ =	swait.ge [sflag:s19], $0x800  }
0xa4: {  	s21 =	sadd.s32 $0x800, s21;
	[sflag:s19] =	ssyncset.done $0x0  }
0xa5: {  	s20 =	sadd.s32 $0x1, s20  }
0xa6: {  	p0 =	sne.s32 s20, s5  }
.Ltmp1:
0xa7: {  	_ = 	snop;
	(pc) =	sbr.rel @p0 .LBB2_1-.Ltmp1, $2  }
0xa8: {  	_ =	sdelay $0x2  }
0xa9: {  	[sflag:s19] =	ssyncadd.s32 $0xFFFFF800  }
0xaa: {  	_ =	sfence.sel $0x180000  }
0xab: {  	[bflag:$0x0] =	sbarrier.arrive $0xFFFF  }
0xac: {  	p0 =	sne.s32 s0, $0x0;
	_ =	strace $0x9000004A  }
0xad: {  	s0 =	sadd.s32 @!p0 $0x100000, s1;
	[bflag:$0x2] =	sbarrier.arrive $0xFFFF  }
0xae: {  	[sflag:s0] =	ssyncadd.tile.s32 @!p0 $0x1;
	_ =	shalt  }
.Lfunc_end2:
_tile_overlayer_lowered:
.L_overlay_start_2:
0xaf: {  	(tag) =	ssettag $0x2  }
0xb0: {  	s0 =	rddreg [dreg:$0x0];
	s2 =	stileid.u32  }
0xb1: {  	s1 =	rddreg [dreg:$0x1];
	p0 =	sne.s32 s2, $0x0  }
0xb2: {  	s3 =	rddreg [dreg:$0x2];
	[bflag:$0x3] =	sbarrier.arrive $0xFFFF;
	s2 =	simm.s32 @!p0 $0x1C03  }
0xb3: {  	[timem:s3], [sflag:s2] =	dma.local @!p0 [hbm:s0], s1  }
0xb4: {  	s0 =	simm.s32 @!p0 $0x3  }
0xb5: {  	_ =	swait.ge @!p0 [sflag:s0], s1  }
0xb6: {  	s1 =	ssub.s32 @!p0 $0x0, s1;
	[sflag:s0] =	ssyncset.done @!p0 $0x0  }
0xb7: {  	[sflag:s0] =	ssyncadd.s32 @!p0 s1  }
0xb8: {  	[bflag:$0x3] =	sbarrier.arrive $0xFFFF  }
0xb9: {  	_ =	shalt  }

// kernel: kernel.9.cloned.1.call-start
scs
__scs_entry_jumppad:
0x0: {  	(pc) =	sbr.rel $0x88, $3  }
0x1: {  	(tag) =	ssettag $0x0;
	lr =	simm.s32 $0x1  }
0x2: {  	[smem:$0x3F9D] =	sst lr;
	_ =	strace $0xD0000000  }
0x3: {  	_ = 	snop  }
0x4: {  	_ = 	snop  }
0x5: {  	_ = 	snop  }
0x6: {  	_ = 	snop  }
0x7: {  	_ = 	snop  }
__scs_overlays_trampoline_lowered:
0x8: {  	[smem:$0x3FAC] =	sst s0  }
0x9: {  	[smem:$0x3FAD] =	sst s1  }
0xa: {  	[smem:$0x3FAE] =	sst s2  }
0xb: {  	[smem:$0x3FAF] =	sst s3  }
0xc: {  	[smem:$0x3FB0] =	sst s4  }
0xd: {  	[smem:$0x3FB1] =	sst s5  }
0xe: {  	[smem:$0x3FB2] =	sst s6  }
0xf: {  	[smem:$0x3FB3] =	sst s7  }
0x10: {  	[smem:$0x3FB4] =	sst s8  }
0x11: {  	[smem:$0x3FB5] =	sst s9;
	s0 =	simm.s32 @!p0 $0x0  }
0x12: {  	s1 =	sld [smem:$0x3F9B];
	s0 =	simm.s32 @p0 $0x1  }
0x13: {  	[smem:$0x3FB6] =	sst s0;
	s0 =	simm.s32 @!p1 $0x0  }
0x14: {  	s2 =	sld [smem:$0x3F9A];
	s0 =	simm.s32 @p1 $0x1  }
0x15: {  	[smem:$0x3FB7] =	sst s0;
	s0 =	simm.s32 @!p2 $0x0  }
0x16: {  	s3 =	sld [smem:$0x3FDB];
	s0 =	simm.s32 @p2 $0x1  }
0x17: {  	s4 =	simm.s32 $0x1BF5;
	[smem:$0x3FB9] =	sst s0  }
0x18: {  	s0 =	sld [smem:$0x3F9C];
	_ =	swait.ge [sflag:s4], $0x0  }
0x19: {  	s7 =	sld [smem:$0x3F9D]  }
0x1a: {  	s8 =	sadd.s32 $0xFFFFE003, lr  }
0x1b: {  	s9 =	sadd.s32 $0xFFFFFEF7, lr;
	s5 =	simm.s32 $0xFFFFFFFF;
	p2 =	slt.u32 s8, $0xFFFFF086  }
0x1c: {  	p1 =	slt.u32 s9, $0xF7A;
	s5 =	simm.s32 @!p2 $0x0  }
0x1d: {  	s5 =	simm.s32 @p1 $0x1;
	p0 =	seq.s32 s7, s2  }
0x1e: {  	s7 =	smul.u32 @!p0 $0xF7A, s2;
	p2 =	seq.s32 @!p0 s5, $0x0  }
0x1f: {  	s9 =	smul.u32 $0xF7A, s1;
	s8 =	simm.s32 @!p0 $0x1BF5;
	p2 =	por !p2, p0  }
0x20: {  	[sflag:s8] =	ssyncset.s32 @!p0 $0xFFFFF086;
	s6 =	sadd.s32 @!p0 s3, s7;
	s7 =	simm.s32 @!p0 $0x108  }
0x21: {  	s3 =	sadd.s32 s3, s9;
	s6 =	sadd.s32 @!p0 $0x88, s6;
	s7 =	simm.s32 @p2 $0x1082  }
0x22: {  	[simem:s7], [sflag:s8] =	dma.local @!p0 [hbm:s6], $0xF7A  }
0x23: {  	s9 =	sor.u32 $0xD0000000, s2;
	s6 =	simm.s32 $0x108;
	_ =	swait.ge @!p0 [sflag:s8], $0x0  }
0x24: {  	s3 =	sadd.s32 $0x88, s3;
	s6 =	simm.s32 @!p1 $0x1082;
	[sflag:s4] =	ssyncset.s32 $0xFFFFF086  }
0x25: {  	[simem:s6], [sflag:s4] =	dma.local [hbm:s3], $0xF7A  }
0x26: {  	[smem:$0x3F9D] =	sst s1;
	(tag) =	ssettag s2;
	_ =	strace s9  }
0x27: {  	s1 =	sld [smem:$0x3FAD]  }
0x28: {  	s2 =	sld [smem:$0x3FAE]  }
0x29: {  	s4 =	sld [smem:$0x3FB0]  }
0x2a: {  	p0 =	seq.s32 s5, $0x0;
	s5 =	sld [smem:$0x3FB1]  }
0x2b: {  	s6 =	sld [smem:$0x3FB2]  }
0x2c: {  	s7 =	sld [smem:$0x3FB3]  }
0x2d: {  	s3 =	simm.s32 $0x108;
	s8 =	sld [smem:$0x3FB4]  }
0x2e: {  	s3 =	simm.s32 @!p0 $0x1082;
	s9 =	sld [smem:$0x3FB5]  }
0x2f: {  	lr =	sadd.s32 s0, s3;
	s0 =	sld [smem:$0x3FAC]  }
0x30: {  	s3 =	sld [smem:$0x3FAF]  }
0x31: {  	[smem:$0x3FB8] =	sst s10  }
0x32: {  	s10 =	sld [smem:$0x3FB6];
	_ =	sdelay $0x3  }
0x33: {  	p0 =	seq.s32 s10, $0x1;
	s10 =	sld [smem:$0x3FB8];
	_ =	sdelay $0x3  }
0x34: {  	[smem:$0x3FB8] =	sst s10  }
0x35: {  	s10 =	sld [smem:$0x3FB7];
	_ =	sdelay $0x3  }
0x36: {  	p1 =	seq.s32 s10, $0x1;
	s10 =	sld [smem:$0x3FB8];
	_ =	sdelay $0x3  }
0x37: {  	[smem:$0x3FB8] =	sst s10  }
0x38: {  	s10 =	sld [smem:$0x3FB9]  }
0x39: {  	_ = 	snop;
	(pc) =	sbr.ind lr, $3  }
0x3a: {  	_ = 	snop  }
0x3b: {  	_ = 	snop  }
0x3c: {  	p2 =	seq.s32 s10, $0x1;
	s10 =	sld [smem:$0x3FB8]  }
0x3d: {  	_ =	shalt  }
0x3e: {  	_ =	shalt  }
0x3f: {  	_ =	shalt  }
0x40: {  	_ =	shalt  }
0x41: {  	_ =	shalt  }
0x42: {  	_ =	shalt  }
0x43: {  	_ =	shalt  }
0x44: {  	_ =	shalt  }
0x45: {  	_ =	shalt  }
0x46: {  	_ =	shalt  }
0x47: {  	_ =	shalt  }
0x48: {  	_ =	shalt  }
0x49: {  	_ =	shalt  }
0x4a: {  	_ =	shalt  }
0x4b: {  	_ =	shalt  }
0x4c: {  	_ =	shalt  }
0x4d: {  	_ =	shalt  }
0x4e: {  	_ =	shalt  }
0x4f: {  	_ =	shalt  }
0x50: {  	_ =	shalt  }
0x51: {  	_ =	shalt  }
0x52: {  	_ =	shalt  }
0x53: {  	_ =	shalt  }
0x54: {  	_ =	shalt  }
0x55: {  	_ =	shalt  }
0x56: {  	_ =	shalt  }
0x57: {  	_ =	shalt  }
0x58: {  	_ =	shalt  }
0x59: {  	_ =	shalt  }
0x5a: {  	_ =	shalt  }
0x5b: {  	_ =	shalt  }
0x5c: {  	_ =	shalt  }
0x5d: {  	_ =	shalt  }
0x5e: {  	_ =	shalt  }
0x5f: {  	_ =	shalt  }
0x60: {  	_ =	shalt  }
0x61: {  	_ =	shalt  }
0x62: {  	_ =	shalt  }
0x63: {  	_ =	shalt  }
0x64: {  	_ =	shalt  }
0x65: {  	_ =	shalt  }
0x66: {  	_ =	shalt  }
0x67: {  	_ =	shalt  }
0x68: {  	_ =	shalt  }
0x69: {  	_ =	shalt  }
0x6a: {  	_ =	shalt  }
0x6b: {  	_ =	shalt  }
0x6c: {  	_ =	shalt  }
0x6d: {  	_ =	shalt  }
0x6e: {  	_ =	shalt  }
0x6f: {  	_ =	shalt  }
0x70: {  	_ =	shalt  }
0x71: {  	_ =	shalt  }
0x72: {  	_ =	shalt  }
0x73: {  	_ =	shalt  }
0x74: {  	_ =	shalt  }
0x75: {  	_ =	shalt  }
0x76: {  	_ =	shalt  }
0x77: {  	_ =	shalt  }
0x78: {  	_ =	shalt  }
0x79: {  	_ =	shalt  }
0x7a: {  	_ =	shalt  }
0x7b: {  	_ =	shalt  }
0x7c: {  	_ =	shalt  }
0x7d: {  	_ =	shalt  }
0x7e: {  	_ =	shalt  }
0x7f: {  	_ =	shalt  }
0x80: {  	_ =	shalt  }
0x81: {  	_ =	shalt  }
0x82: {  	_ =	shalt  }
0x83: {  	_ =	shalt  }
0x84: {  	_ =	shalt  }
0x85: {  	_ =	shalt  }
0x86: {  	_ =	shalt  }
0x87: {  	_ =	shalt  }
.Lfunc_end0:
.L_simem_size_0:
called_computation_lowered:
.L_overlay_start_0:
0x88: {  	s2 =	sld [smem:$0x3FD9]  }
0x89: {  	s3 =	sld [smem:$0x3FFE];
	_ =	sdelay $0x1  }
0x8a: {  	s1 =	srdreg.scid  }
0x8b: {  	s0 =	sand.u32 $0x1, s1  }
0x8c: {  	s16 =	sshll.u32 s0, $0xA;
	s2 =	sadd.s32 s3, s2  }
0x8d: {  	s2 =	sadd.s32 s2, s16  }
0x8e: {  	[smem:$0x3FC4] =	sst s2  }
0x8f: {  	_ = 	snop  }
0x90: {  	(tm) =	ssettm $0x1  }
0x91: {  	s17 =	sld [smem:$0x3FFB];
	_ =	sdelay $0x3  }
0x92: {  	_ =	strace s17  }
0x93: {  	s2 =	sld [smem:$0x3FFC];
	_ =	sdelay $0x3  }
0x94: {  	_ =	strace s2  }
0x95: {  	s2 =	sld [smem:$0x3FFD];
	_ =	sdelay $0x3  }
0x96: {  	_ =	strace s2  }
0x97: {  	_ =	strace $0x8FFFFFFF  }
0x98: {  	s18 =	sld [smem:$0x3FDB];
	_ =	sdelay $0x1  }
0x99: {  	s19 =	simm.s32 $_scs_section_size  }
0x9a: {  	s4 =	simm.s32 $_size__tile_overlayer_lowered;
	s5 =	simm.s32 $_tile_overlayer_lowered  }
0x9b: {  	s22 =	simm.s32 $0x1BFF;
	s21 =	sshll.u32 s5, $0x1;
	s2 =	sadd.s32 s19, s18  }
0x9c: {  	s6 =	simm.s32 $0x0;
	s20 =	sshll.u32 s4, $0x1;
	s4 =	sadd.s32 s21, s2  }
0x9d: {  	[timem:s6], [sflag:s22] =	dma.local [hbm:s4], s20  }
0x9e: {  	_ =	swait.ge [sflag:s22], s20  }
0x9f: {  	s3 =	ssub.s32 $0x0, s20;
	[sflag:s22] =	ssyncset.done $0x0  }
0xa0: {  	[sflag:s22] =	ssyncadd.s32 s3;
	_ =	sdelay $0x1  }
0xa1: {  	s23 =	simm.s32 $0x1B8B  }
0xa2: {  	_ =	swait.ge [sflag:s23], $0x1  }
0xa3: {  	[sflag:s23] =	ssyncset.done $0x0  }
0xa4: {  	s25 =	simm.s32 $0x1B8E;
	s24 =	sld [smem:$0x3FFE];
	[sflag:s23] =	ssyncadd.s32 $0xFFFFFFFF  }
0xa5: {  	s26 =	simm.s32 $execute0_lowered;
	[smem:$0x3FD2] =	sst s25  }
0xa6: {  	s4 =	sshll.u32 s26, $0x1;
	_ =	strace $0x80000046;
	[dreg:$0x1] =	wrdreg $0xFFFFFFFF  }
0xa7: {  	s28 =	simm.s32 $_size_execute0_lowered;
	s2 =	sadd.s32 s2, s4;
	[dreg:$0x0] =	wrdreg $0x0  }
0xa8: {  	s4 =	sshll.u32 s28, $0x1;
	[dreg:$0x2] =	wrdreg s2  }
0xa9: {  	[dreg:$0x3] =	wrdreg s4  }
0xaa: {  	[dreg:$0x4] =	wrdreg $0xC0  }
0xab: {  	_ =	task [dreg:s6], $0x5FFFF  }
0xac: {  	[dreg:$0x1] =	wrdreg $0xFFFFFFFF  }
0xad: {  	[dreg:$0x0] =	wrdreg $0x60  }
0xae: {  	[dreg:$0x2] =	wrdreg s24  }
0xaf: {  	[dreg:$0x3] =	wrdreg $0x9  }
0xb0: {  	_ =	task.clear_ibuf [dreg:s6], $0x4FFFF;
	_ =	strace $0x90000046  }
0xb1: {  	s29 =	simm.s32 $0x9;
	_ =	strace $0x80000048  }
0xb2: {  	_ =	swait.ge [sflag:s29], $0x1  }
0xb3: {  	[sflag:s29] =	ssyncadd.s32 $0xFFFFFFFF  }
0xb4: {  	_ =	strace $0x90000048  }
0xb5: {  	_ =	sfence  }
0xb6: {  	s30 =	sld [smem:$0x0];
	_ =	sdelay $0x2  }
0xb7: {  	s31 =	sshll.u32 s1, $0xD;
	s1 =	sshrl.u32 s1, $0x2  }
0xb8: {  	s3 =	sand.u32 $0x4000, s31;
	s1 =	sadd.s32 s1, s30  }
0xb9: {  	s0 =	sor.u32 s3, s0;
	s1 =	sshll.u32 s1, $0x11  }
0xba: {  	s0 =	sor.u32 s1, s0  }
0xbb: {  	s0 =	sadd.s32 $0x8F2B, s0  }
0xbc: {  	[sflag:s0] =	ssyncadd.remote.s32 $0x1  }
0xbd: {  	_ =	sfence.sel $0xFFFF  }
0xbe: {  	[dreg:$0x0] =	wrdreg $0xFFFFFFFF;
	(pc) =	sbr.abs _section_cstart, $3  }
0xbf: {  	[dreg:$0x1] =	wrdreg $0xFFFFFFFF  }
0xc0: {  	_ =	task.clear_ibuf [dreg:s6], $0x2FFFF;
	_ =	strace $0x9FFFFFFF  }
0xc1: {  	(tm) =	ssettm $0x7FFFFFFF  }
tec
execute0_lowered:
.L_overlay_start_1:
0x0: {  	(tag) =	ssettag $0x1  }
0x1: {  	s1 =	srdreg.scid  }
0x2: {  	s0 =	stileid.u32;
	s5 =	rddreg [dreg:$0x0];
	s2 =	simm.s32 $0x0  }
0x3: {  	s10 =	simm.s32 $0x1400;
	s11 =	simm.s32 $0x1C00;
	s12 =	simm.s32 $0x2400  }
0x4: {  	s13 =	simm.s32 $0x2C00;
	s14 =	simm.s32 $0x3400;
	s15 =	simm.s32 $0x3C00  }
0x5: {  	s16 =	simm.s32 $0x4400;
	s17 =	simm.s32 $0x4C00;
	s18 =	simm.s32 $0x1  }
0x6: {  	s19 =	simm.s32 $0x2;
	s20 =	simm.s32 $0x0;
	s3 =	smul.u32 $0x28000, s0  }
0x7: {  	s4 =	sand.u32 $0x1, s1;
	s1 =	rddreg [dreg:$0x1];
	s7 =	smul.u32 $0x2800, s0  }
0x8: {  	[smem:$0x7FF] =	sst s2;
	s9 =	sshll.u32 s0, $0x1;
	s6 =	smul.u32 $0x14000, s4  }
0x9: {  	s23 =	sadd.s32 $0x6800, s5;
	s8 =	smul.u32 $0x1400, s4;
	s9 =	sor.u32 s4, s9  }
0xa: {  	_ =	strace $0x80000047;
	s4 =	ssub.s32 $0x2, s4;
	s24 =	smul.u32 $0x280, s9  }
0xb: {  	s29 =	sshrl.u32 s4, $0x1;
	s3 =	sadd.s32 s6, s3;
	s22 =	sadd.s32 s8, s7  }
0xc: {  	s9 =	simm.s32 $0x80;
	s3 =	sshrl.u32 s3, $0x3;
	s6 =	sshll.u32 s22, $0x1  }
0xd: {  	s8 =	ssub.s32 s4, s29;
	s25 =	sadd.s32 s3, s23;
	s7 =	sadd.s32 s6, s23  }
0xe: {  	s3 =	sadd.s32 $0x101800, s5;
	[dreg:$0x2] =	wrdreg s25;
	s6 =	sadd.s32 $0x600, s7  }
0xf: {  	s5 =	sadd.s32 s24, s5;
	s26 =	sadd.s32 $0x500, s7;
	[dreg:$0x3] =	wrdreg s6  }
0x10: {  	s28 =	sadd.s32 $0x400, s7;
	s30 =	sadd.s32 $0x300, s7;
	[dreg:$0x4] =	wrdreg s26  }
0x11: {  	s31 =	sadd.s32 $0x200, s7;
	s4 =	sadd.s32 $0x1800, s5;
	[dreg:$0x5] =	wrdreg s28  }
0x12: {  	s5 =	smax.u32 s8, $0x1;
	s8 =	simm.s32 $0x3;
	[dreg:$0x6] =	wrdreg s30  }
0x13: {  	[dreg:$0x7] =	wrdreg s31;
	s6 =	sadd.s32 $0x100, s7;
	s7 =	sadd.s32 $0x700, s7  }
.LBB2_1:
0x14: {  	[tilespmem:s2], [sflag:$0x3] =	stream.linear.gather [hbm4b:s4+s2], $0x1400, $0x38;
	[tilespmem:$0x5400] =	vst v63  }
0x15: {  	_ =	swait.ge [sflag:s8], $0x1400  }
0x16: {  	[sflag:s8] =	ssyncset.done $0x0  }
0x17: {  	[sflag:s8] =	ssyncadd.s32 $0xFFFFEC00  }
0x18: {  	[tilespmem:s10], [sflag:$0x1] =	stream.indirect.gather [hbm4b:s3+s9], $0x10, s2, s9, $0xb8;
	[tilespmem:$0x5400] =	vst v63  }
0x19: {  	s21 =	simm.s32 $0x80  }
0x1a: {  	[tilespmem:s11], [sflag:$0x1] =	stream.indirect.gather [hbm4b:s3+s9], $0x10, s21, s9, $0xb8;
	[tilespmem:$0x5400] =	vst v63  }
0x1b: {  	s26 =	simm.s32 $0x100  }
0x1c: {  	[tilespmem:s12], [sflag:$0x1] =	stream.indirect.gather [hbm4b:s3+s9], $0x10, s26, s9, $0xb8;
	[tilespmem:$0x5400] =	vst v63  }
0x1d: {  	s28 =	simm.s32 $0x180  }
0x1e: {  	[tilespmem:s13], [sflag:$0x1] =	stream.indirect.gather [hbm4b:s3+s9], $0x10, s28, s9, $0xb8;
	[tilespmem:$0x5400] =	vst v63  }
0x1f: {  	s29 =	simm.s32 $0x200  }
0x20: {  	[tilespmem:s14], [sflag:$0x1] =	stream.indirect.gather [hbm4b:s3+s9], $0x10, s29, s9, $0xb8;
	[tilespmem:$0x5400] =	vst v63  }
0x21: {  	s30 =	simm.s32 $0x280  }
0x22: {  	[tilespmem:s15], [sflag:$0x1] =	stream.indirect.gather [hbm4b:s3+s9], $0x10, s30, s9, $0xb8;
	[tilespmem:$0x5400] =	vst v63  }
0x23: {  	s31 =	simm.s32 $0x300  }
0x24: {  	[tilespmem:s16], [sflag:$0x1] =	stream.indirect.gather [hbm4b:s3+s9], $0x10, s31, s9, $0xb8;
	[tilespmem:$0x5400] =	vst v63  }
0x25: {  	s22 =	simm.s32 $0x380  }
0x26: {  	[tilespmem:s17], [sflag:$0x1] =	stream.indirect.gather [hbm4b:s3+s9], $0x10, s22, s9, $0xb8;
	[tilespmem:$0x5400] =	vst v63  }
0x27: {  	_ =	swait.ge [sflag:s18], $0x800  }
0x28: {  	s23 =	rddreg [dreg:$0x2];
	[sflag:s18] =	ssyncset.done $0x0  }
0x29: {  	[sflag:s18] =	ssyncadd.s32 $0xFFFFF800;
	s21 =	sadd.s32 $0x0, s23  }
0x2a: {  	[hbm4b:s21+s2] =	stream.linear.scatter [tilespmem:s10], [sflag:$0x2], $0x800, $0x38;
	[tilespmem:$0x5400] =	vst v63  }
0x2b: {  	_ =	swait.ge [sflag:s18], $0x800  }
0x2c: {  	[sflag:s18] =	ssyncset.done $0x0  }
0x2d: {  	s24 =	sadd.s32 $0x0, s6;
	[sflag:s18] =	ssyncadd.s32 $0xFFFFF800  }
0x2e: {  	[hbm4b:s24+s2] =	stream.linear.scatter [tilespmem:s11], [sflag:$0x2], $0x800, $0x38;
	[tilespmem:$0x5400] =	vst v63  }
0x2f: {  	_ =	swait.ge [sflag:s18], $0x800  }
0x30: {  	s25 =	rddreg [dreg:$0x7];
	[sflag:s18] =	ssyncset.done $0x0  }
0x31: {  	[sflag:s18] =	ssyncadd.s32 $0xFFFFF800;
	s21 =	sadd.s32 $0x0, s25  }
0x32: {  	[hbm4b:s21+s2] =	stream.linear.scatter [tilespmem:s12], [sflag:$0x2], $0x800, $0x38;
	[tilespmem:$0x5400] =	vst v63  }
0x33: {  	_ =	swait.ge [sflag:s18], $0x800  }
0x34: {  	s26 =	rddreg [dreg:$0x6];
	[sflag:s18] =	ssyncset.done $0x0  }
0x35: {  	[sflag:s18] =	ssyncadd.s32 $0xFFFFF800;
	s21 =	sadd.s32 $0x0, s26  }
0x36: {  	[hbm4b:s21+s2] =	stream.linear.scatter [tilespmem:s13], [sflag:$0x2], $0x800, $0x38;
	[tilespmem:$0x5400] =	vst v63  }
0x37: {  	_ =	swait.ge [sflag:s18], $0x800  }
0x38: {  	s28 =	rddreg [dreg:$0x5];
	[sflag:s18] =	ssyncset.done $0x0  }
0x39: {  	[sflag:s18] =	ssyncadd.s32 $0xFFFFF800;
	s21 =	sadd.s32 $0x0, s28  }
0x3a: {  	[hbm4b:s21+s2] =	stream.linear.scatter [tilespmem:s14], [sflag:$0x2], $0x800, $0x38;
	[tilespmem:$0x5400] =	vst v63  }
0x3b: {  	_ =	swait.ge [sflag:s18], $0x800  }
0x3c: {  	s29 =	rddreg [dreg:$0x4];
	[sflag:s18] =	ssyncset.done $0x0  }
0x3d: {  	[sflag:s18] =	ssyncadd.s32 $0xFFFFF800;
	s21 =	sadd.s32 $0x0, s29  }
0x3e: {  	[hbm4b:s21+s2] =	stream.linear.scatter [tilespmem:s15], [sflag:$0x2], $0x800, $0x38;
	[tilespmem:$0x5400] =	vst v63  }
0x3f: {  	_ =	swait.ge [sflag:s18], $0x800  }
0x40: {  	s30 =	rddreg [dreg:$0x3];
	[sflag:s18] =	ssyncset.done $0x0  }
0x41: {  	[sflag:s18] =	ssyncadd.s32 $0xFFFFF800;
	s21 =	sadd.s32 $0x0, s30  }
0x42: {  	[hbm4b:s21+s2] =	stream.linear.scatter [tilespmem:s16], [sflag:$0x2], $0x800, $0x38;
	[tilespmem:$0x5400] =	vst v63  }
0x43: {  	_ =	swait.ge [sflag:s18], $0x800  }
0x44: {  	[sflag:s18] =	ssyncset.done $0x0  }
0x45: {  	s31 =	sadd.s32 $0x0, s7;
	[sflag:s18] =	ssyncadd.s32 $0xFFFFF800  }
0x46: {  	[hbm4b:s31+s2] =	stream.linear.scatter [tilespmem:s17], [sflag:$0x2], $0x800, $0x38;
	[tilespmem:$0x5400] =	vst v63  }
0x47: {  	_ =	swait.ge [sflag:s19], $0x800  }
0x48: {  	[sflag:s19] =	ssyncset.done $0x0  }
0x49: {  	[sflag:s19] =	ssyncadd.s32 $0xFFFFF800  }
0x4a: {  	_ =	swait.ge [sflag:s19], $0x800  }
0x4b: {  	[sflag:s19] =	ssyncset.done $0x0  }
0x4c: {  	[sflag:s19] =	ssyncadd.s32 $0xFFFFF800  }
0x4d: {  	_ =	swait.ge [sflag:s19], $0x800  }
0x4e: {  	[sflag:s19] =	ssyncset.done $0x0  }
0x4f: {  	[sflag:s19] =	ssyncadd.s32 $0xFFFFF800  }
0x50: {  	_ =	swait.ge [sflag:s19], $0x800  }
0x51: {  	[sflag:s19] =	ssyncset.done $0x0  }
0x52: {  	[sflag:s19] =	ssyncadd.s32 $0xFFFFF800  }
0x53: {  	_ =	swait.ge [sflag:s19], $0x800  }
0x54: {  	[sflag:s19] =	ssyncset.done $0x0  }
0x55: {  	[sflag:s19] =	ssyncadd.s32 $0xFFFFF800  }
0x56: {  	_ =	swait.ge [sflag:s19], $0x800  }
0x57: {  	[sflag:s19] =	ssyncset.done $0x0  }
0x58: {  	[sflag:s19] =	ssyncadd.s32 $0xFFFFF800  }
0x59: {  	_ =	swait.ge [sflag:s19], $0x800  }
0x5a: {  	[sflag:s19] =	ssyncset.done $0x0  }
0x5b: {  	[sflag:s19] =	ssyncadd.s32 $0xFFFFF800  }
0x5c: {  	_ =	swait.ge [sflag:s19], $0x800  }
0x5d: {  	s22 =	simm.s32 $0x0;
	s21 =	simm.s32 $0x800;
	[sflag:s19] =	ssyncset.done $0x0  }
.LBB2_2:
0x5e: {  	[sflag:s19] =	ssyncadd.s32 $0xFFFFF800;
	s22 =	sadd.s32 $0x400, s22  }
0x5f: {  	[tilespmem:s10], [sflag:$0x1] =	stream.indirect.gather [hbm4b:s3+s9], $0x10, s22, s9, $0xb8;
	[tilespmem:$0x5400] =	vst v63  }
0x60: {  	s24 =	sadd.s32 $0x80, s22  }
0x61: {  	[tilespmem:s11], [sflag:$0x1] =	stream.indirect.gather [hbm4b:s3+s9], $0x10, s24, s9, $0xb8;
	[tilespmem:$0x5400] =	vst v63  }
0x62: {  	s31 =	sadd.s32 $0x100, s22  }
0x63: {  	[tilespmem:s12], [sflag:$0x1] =	stream.indirect.gather [hbm4b:s3+s9], $0x10, s31, s9, $0xb8;
	[tilespmem:$0x5400] =	vst v63  }
0x64: {  	s25 =	sadd.s32 $0x180, s22  }
0x65: {  	[tilespmem:s13], [sflag:$0x1] =	stream.indirect.gather [hbm4b:s3+s9], $0x10, s25, s9, $0xb8;
	[tilespmem:$0x5400] =	vst v63  }
0x66: {  	s26 =	sadd.s32 $0x200, s22  }
0x67: {  	[tilespmem:s14], [sflag:$0x1] =	stream.indirect.gather [hbm4b:s3+s9], $0x10, s26, s9, $0xb8;
	[tilespmem:$0x5400] =	vst v63  }
0x68: {  	s28 =	sadd.s32 $0x280, s22  }
0x69: {  	[tilespmem:s15], [sflag:$0x1] =	stream.indirect.gather [hbm4b:s3+s9], $0x10, s28, s9, $0xb8;
	[tilespmem:$0x5400] =	vst v63  }
0x6a: {  	s29 =	sadd.s32 $0x300, s22  }
0x6b: {  	[tilespmem:s16], [sflag:$0x1] =	stream.indirect.gather [hbm4b:s3+s9], $0x10, s29, s9, $0xb8;
	[tilespmem:$0x5400] =	vst v63  }
0x6c: {  	s30 =	sadd.s32 $0x380, s22  }
0x6d: {  	[tilespmem:s17], [sflag:$0x1] =	stream.indirect.gather [hbm4b:s3+s9], $0x10, s30, s9, $0xb8;
	[tilespmem:$0x5400] =	vst v63  }
0x6e: {  	_ =	swait.ge [sflag:s18], $0x800  }
0x6f: {  	s23 =	smov.u32 s21;
	s31 =	rddreg [dreg:$0x2];
	[sflag:s18] =	ssyncset.done $0x0  }
0x70: {  	[sflag:s18] =	ssyncadd.s32 $0xFFFFF800;
	s24 =	sadd.s32 s23, s31  }
0x71: {  	[hbm4b:s24+s2] =	stream.linear.scatter [tilespmem:s10], [sflag:$0x2], $0x800, $0x38;
	[tilespmem:$0x5400] =	vst v63  }
0x72: {  	_ =	swait.ge [sflag:s18], $0x800  }
0x73: {  	[sflag:s18] =	ssyncset.done $0x0  }
0x74: {  	s25 =	sadd.s32 s23, s6;
	[sflag:s18] =	ssyncadd.s32 $0xFFFFF800  }
0x75: {  	[hbm4b:s25+s2] =	stream.linear.scatter [tilespmem:s11], [sflag:$0x2], $0x800, $0x38;
	[tilespmem:$0x5400] =	vst v63  }
0x76: {  	_ =	swait.ge [sflag:s18], $0x800  }
0x77: {  	s26 =	rddreg [dreg:$0x7];
	[sflag:s18] =	ssyncset.done $0x0  }
0x78: {  	[sflag:s18] =	ssyncadd.s32 $0xFFFFF800;
	s24 =	sadd.s32 s23, s26  }
0x79: {  	[hbm4b:s24+s2] =	stream.linear.scatter [tilespmem:s12], [sflag:$0x2], $0x800, $0x38;
	[tilespmem:$0x5400] =	vst v63  }
0x7a: {  	_ =	swait.ge [sflag:s18], $0x800  }
0x7b: {  	s28 =	rddreg [dreg:$0x6];
	[sflag:s18] =	ssyncset.done $0x0  }
0x7c: {  	[sflag:s18] =	ssyncadd.s32 $0xFFFFF800;
	s24 =	sadd.s32 s23, s28  }
0x7d: {  	[hbm4b:s24+s2] =	stream.linear.scatter [tilespmem:s13], [sflag:$0x2], $0x800, $0x38;
	[tilespmem:$0x5400] =	vst v63  }
0x7e: {  	_ =	swait.ge [sflag:s18], $0x800  }
0x7f: {  	s29 =	rddreg [dreg:$0x5];
	[sflag:s18] =	ssyncset.done $0x0  }
0x80: {  	[sflag:s18] =	ssyncadd.s32 $0xFFFFF800;
	s24 =	sadd.s32 s23, s29  }
0x81: {  	[hbm4b:s24+s2] =	stream.linear.scatter [tilespmem:s14], [sflag:$0x2], $0x800, $0x38;
	[tilespmem:$0x5400] =	vst v63  }
0x82: {  	_ =	swait.ge [sflag:s18], $0x800  }
0x83: {  	s30 =	rddreg [dreg:$0x4];
	[sflag:s18] =	ssyncset.done $0x0  }
0x84: {  	[sflag:s18] =	ssyncadd.s32 $0xFFFFF800;
	s24 =	sadd.s32 s23, s30  }
0x85: {  	[hbm4b:s24+s2] =	stream.linear.scatter [tilespmem:s15], [sflag:$0x2], $0x800, $0x38;
	[tilespmem:$0x5400] =	vst v63  }
0x86: {  	_ =	swait.ge [sflag:s18], $0x800  }
0x87: {  	s31 =	rddreg [dreg:$0x3];
	[sflag:s18] =	ssyncset.done $0x0  }
0x88: {  	[sflag:s18] =	ssyncadd.s32 $0xFFFFF800;
	s24 =	sadd.s32 s23, s31  }
0x89: {  	[hbm4b:s24+s2] =	stream.linear.scatter [tilespmem:s16], [sflag:$0x2], $0x800, $0x38;
	[tilespmem:$0x5400] =	vst v63  }
0x8a: {  	_ =	swait.ge [sflag:s18], $0x800  }
0x8b: {  	[sflag:s18] =	ssyncset.done $0x0  }
0x8c: {  	s23 =	sadd.s32 s23, s7;
	[sflag:s18] =	ssyncadd.s32 $0xFFFFF800  }
0x8d: {  	[hbm4b:s23+s2] =	stream.linear.scatter [tilespmem:s17], [sflag:$0x2], $0x800, $0x38;
	[tilespmem:$0x5400] =	vst v63  }
0x8e: {  	_ =	swait.ge [sflag:s19], $0x800  }
0x8f: {  	[sflag:s19] =	ssyncset.done $0x0  }
0x90: {  	[sflag:s19] =	ssyncadd.s32 $0xFFFFF800  }
0x91: {  	_ =	swait.ge [sflag:s19], $0x800  }
0x92: {  	[sflag:s19] =	ssyncset.done $0x0  }
0x93: {  	[sflag:s19] =	ssyncadd.s32 $0xFFFFF800  }
0x94: {  	_ =	swait.ge [sflag:s19], $0x800  }
0x95: {  	[sflag:s19] =	ssyncset.done $0x0  }
0x96: {  	[sflag:s19] =	ssyncadd.s32 $0xFFFFF800  }
0x97: {  	_ =	swait.ge [sflag:s19], $0x800  }
0x98: {  	[sflag:s19] =	ssyncset.done $0x0  }
0x99: {  	[sflag:s19] =	ssyncadd.s32 $0xFFFFF800  }
0x9a: {  	_ =	swait.ge [sflag:s19], $0x800  }
0x9b: {  	[sflag:s19] =	ssyncset.done $0x0  }
0x9c: {  	[sflag:s19] =	ssyncadd.s32 $0xFFFFF800  }
0x9d: {  	_ =	swait.ge [sflag:s19], $0x800  }
0x9e: {  	[sflag:s19] =	ssyncset.done $0x0  }
0x9f: {  	p0 =	sne.s32 s21, $0x2000;
	[sflag:s19] =	ssyncadd.s32 $0xFFFFF800  }
.Ltmp0:
0xa0: {  	_ =	swait.ge [sflag:s19], $0x800;
	(pc) =	sbr.rel @p0 .LBB2_2-.Ltmp0, $4  }
0xa1: {  	[sflag:s19] =	ssyncset.done $0x0  }
0xa2: {  	[sflag:s19] =	ssyncadd.s32 $0xFFFFF800  }
0xa3: {  	_ =	swait.ge [sflag:s19], $0x800  }
0xa4: {  	s21 =	sadd.s32 $0x800, s21;
	[sflag:s19] =	ssyncset.done $0x0  }
0xa5: {  	s20 =	sadd.s32 $0x1, s20  }
0xa6: {  	p0 =	sne.s32 s20, s5  }
.Ltmp1:
0xa7: {  	_ = 	snop;
	(pc) =	sbr.rel @p0 .LBB2_1-.Ltmp1, $2  }
0xa8: {  	_ =	sdelay $0x2  }
0xa9: {  	[sflag:s19] =	ssyncadd.s32 $0xFFFFF800  }
0xaa: {  	_ =	sfence.sel $0x180000  }
0xab: {  	[bflag:$0x0] =	sbarrier.arrive $0xFFFF  }
0xac: {  	p0 =	sne.s32 s0, $0x0;
	_ =	strace $0x90000047  }
0xad: {  	s0 =	sadd.s32 @!p0 $0x100000, s1;
	[bflag:$0x2] =	sbarrier.arrive $0xFFFF  }
0xae: {  	[sflag:s0] =	ssyncadd.tile.s32 @!p0 $0x1;
	_ =	shalt  }
.Lfunc_end2:
_tile_overlayer_lowered:
.L_overlay_start_2:
0xaf: {  	(tag) =	ssettag $0x2  }
0xb0: {  	s0 =	rddreg [dreg:$0x0];
	s2 =	stileid.u32  }
0xb1: {  	s1 =	rddreg [dreg:$0x1];
	p0 =	sne.s32 s2, $0x0  }
0xb2: {  	s3 =	rddreg [dreg:$0x2];
	[bflag:$0x3] =	sbarrier.arrive $0xFFFF;
	s2 =	simm.s32 @!p0 $0x1C03  }
0xb3: {  	[timem:s3], [sflag:s2] =	dma.local @!p0 [hbm:s0], s1  }
0xb4: {  	s0 =	simm.s32 @!p0 $0x3  }
0xb5: {  	_ =	swait.ge @!p0 [sflag:s0], s1  }
0xb6: {  	s1 =	ssub.s32 @!p0 $0x0, s1;
	[sflag:s0] =	ssyncset.done @!p0 $0x0  }
0xb7: {  	[sflag:s0] =	ssyncadd.s32 @!p0 s1  }
0xb8: {  	[bflag:$0x3] =	sbarrier.arrive $0xFFFF  }
0xb9: {  	_ =	shalt  }

</sc_bundles>
